<compile_context>
chip_gen: v7x
topology: tpu7x:2x2x1
jax: 0.10.2.dev20260603
libtpu: 0.0.44.dev20260713+nightly
codegen_flags: <defaults>
</compile_context>

<pallas_src>
import dataclasses
import functools

import jax
import jax.numpy as jnp
from jax import lax
from jax.experimental import pallas as pl
from jax.experimental.pallas import tpu as pltpu
from jax.experimental.pallas import tpu_sc as plsc

N_NODES = 10000
N_EDGES = 320000
EPAD = 327680
N_GRAPHS = 1000
GPAD = 1024
NPAD = 10240
CH = 128
N_PAIRS = 4096

_HIGH = jax.lax.Precision.HIGHEST


@functools.cache
def _mesh():
    return plsc.VectorSubcoreMesh(core_axis_name="c", subcore_axis_name="s")


def _sc_compiler_params():
    cp = pltpu.CompilerParams()
    if "needs_layout_passes" in pltpu.CompilerParams.__dataclass_fields__:
        cp = dataclasses.replace(cp, needs_layout_passes=False)
    return cp


def _sc_untiled_params():
    cp = pltpu.CompilerParams()
    if "use_tc_tiling_on_sc" in pltpu.CompilerParams.__dataclass_fields__:
        cp = dataclasses.replace(cp, use_tc_tiling_on_sc=False)
    return cp


def _dot(a, b):
    return jnp.dot(a, b, preferred_element_type=jnp.float32)



@functools.cache
def _sc_hist():
    return pl.kernel(
        _sc_hist_body,
        out_type=jax.ShapeDtypeStruct((32, NPAD), jnp.float32),
        mesh=_mesh(),
        scratch_types=[
            pltpu.VMEM((EPAD // 32,), jnp.int32),
            pltpu.VMEM((NPAD,), jnp.float32),
        ],
        compiler_params=_sc_compiler_params(),
    )


def _sc_hist_body(dst_hbm, z1d_hbm, out_hbm, idx_v, hist_v):
    cid = lax.axis_index("c")
    sid = lax.axis_index("s")
    w = cid * 16 + sid
    pltpu.sync_copy(z1d_hbm, hist_v)
    pltpu.sync_copy(dst_hbm.at[pl.ds(w * (EPAD // 32), EPAD // 32)], idx_v)
    ones16 = jnp.ones((16,), jnp.float32)

    def body(i, carry):
        for k in range(16):
            ids = idx_v[pl.ds(i * 256 + k * 16, 16)]
            plsc.addupdate_scatter(hist_v, [ids], ones16)
        return carry

    lax.fori_loop(0, EPAD // 32 // 256, body, 0)
    pltpu.sync_copy(hist_v, out_hbm.at[w])


@functools.cache
def _sc_edge_pass():
    return pl.kernel(
        _sc_edge_pass_body,
        out_type=jax.ShapeDtypeStruct((2, NPAD, CH), jnp.float32),
        mesh=_mesh(),
        scratch_types=[
            pltpu.VMEM((2, 128), jnp.int32),
            pltpu.VMEM((2, 128), jnp.int32),
            pltpu.VMEM((2, 128, CH), jnp.float32),
            pltpu.VMEM_SHARED((NPAD, CH), jnp.float32),
            pltpu.SemaphoreType.DMA((2,)),
        ],
    )


def _sc_edge_pass_body(table_hbm, src_hbm, dst_hbm, zeros_hbm, out_hbm,
                       src_v, dst_v, rows_v, acc_sh, sem):
    cid = lax.axis_index("c")
    sid = lax.axis_index("s")
    w = cid * 16 + sid
    r0 = sid * (NPAD // 16)
    pltpu.sync_copy(zeros_hbm.at[pl.ds(r0, NPAD // 16)], acc_sh.at[pl.ds(r0, NPAD // 16)])
    plsc.subcore_barrier()
    n = 78 + jnp.where(w < 4, 1, 0)

    def fetch(i, b):
        ofs = (w + i * 32) * 128
        pltpu.sync_copy(src_hbm.at[pl.ds(ofs, 128)], src_v.at[b])
        pltpu.sync_copy(dst_hbm.at[pl.ds(ofs, 128)], dst_v.at[b])
        pltpu.async_copy(table_hbm.at[src_v.at[b]], rows_v.at[b], sem.at[b])

    fetch(0, 0)

    def body(i, carry):
        b = lax.rem(i, 2)
        bn = lax.rem(i + 1, 2)

        @pl.when(i + 1 < n)
        def _():
            fetch(i + 1, bn)

        pltpu.make_async_copy(table_hbm.at[src_v.at[b]], rows_v.at[b], sem.at[b]).wait()
        pltpu.sync_copy(rows_v.at[b], acc_sh.at[dst_v.at[b]], add=True)
        return carry

    lax.fori_loop(0, n, body, 0)
    plsc.subcore_barrier()
    pltpu.sync_copy(acc_sh.at[pl.ds(r0, NPAD // 16)], out_hbm.at[cid, pl.ds(r0, NPAD // 16)])


@functools.cache
def _sc_pool():
    return pl.kernel(
        _sc_pool_body,
        out_type=[
            jax.ShapeDtypeStruct((2, GPAD, CH), jnp.float32),
            jax.ShapeDtypeStruct((32, GPAD), jnp.float32),
            jax.ShapeDtypeStruct((32, GPAD), jnp.float32),
        ],
        mesh=_mesh(),
        scratch_types=[
            pltpu.VMEM((NPAD // 32,), jnp.int32),
            pltpu.VMEM((8, 40), jnp.int32),
            pltpu.VMEM((256,), jnp.int32),
            pltpu.VMEM((NPAD // 32, CH), jnp.float32),
            pltpu.VMEM((GPAD,), jnp.float32),
            pltpu.VMEM((GPAD,), jnp.float32),
            pltpu.VMEM_SHARED((GPAD, CH), jnp.float32),
        ],
        compiler_params=_sc_compiler_params(),
    )


def _sc_pool_body(h2_hbm, batch_hbm, batch2_hbm, ddb_hbm, zrow_hbm, z1g_hbm,
                  sums_o, cnt_o, pres_o,
                  bidx_v, bidx2_v, didx_v, rows_v, cnt_v, pres_v,
                  sums_sh):
    cid = lax.axis_index("c")
    sid = lax.axis_index("s")
    w = cid * 16 + sid
    g0 = sid * (GPAD // 16)
    gs = GPAD // 16
    R = NPAD // 32
    pltpu.sync_copy(zrow_hbm.at[pl.ds(g0, gs)], sums_sh.at[pl.ds(g0, gs)])
    pltpu.sync_copy(z1g_hbm, cnt_v)
    pltpu.sync_copy(z1g_hbm, pres_v)
    pltpu.sync_copy(batch_hbm.at[pl.ds(w * R, R)], bidx_v)
    pltpu.sync_copy(batch2_hbm.at[pl.ds(w * 8, 8)], bidx2_v)
    pltpu.sync_copy(ddb_hbm.at[pl.ds(w * 256, 256)], didx_v)
    pltpu.sync_copy(h2_hbm.at[pl.ds(w * R, R)], rows_v)
    plsc.subcore_barrier()

    def nbody(c, carry):
        pltpu.sync_copy(rows_v.at[pl.ds(c * 40, 40)], sums_sh.at[bidx2_v.at[c]], add=True)
        return carry

    lax.fori_loop(0, 8, nbody, 0)

    ones16 = jnp.ones((16,), jnp.float32)
    base = w * R

    def cbody(k, carry):
        ids = bidx_v[pl.ds(k * 16, 16)]
        gidx = base + k * 16 + lax.iota(jnp.int32, 16)
        vals = jnp.where(gidx < N_NODES, 1.0, 0.0)
        plsc.addupdate_scatter(cnt_v, [ids], vals)
        return carry

    lax.fori_loop(0, R // 16, cbody, 0)

    def pbody(c, carry):
        for k in range(8):
            ids = didx_v[pl.ds(c * 128 + k * 16, 16)]
            plsc.addupdate_scatter(pres_v, [ids], ones16)
        return carry

    lax.fori_loop(0, 2, pbody, 0)
    plsc.subcore_barrier()
    pltpu.sync_copy(sums_sh.at[pl.ds(g0, gs)], sums_o.at[cid, pl.ds(g0, gs)])
    pltpu.sync_copy(cnt_v, cnt_o.at[w])
    pltpu.sync_copy(pres_v, pres_o.at[w])


@functools.cache
def _sc_pair_gather():
    return pl.kernel(
        _sc_pair_gather_body,
        out_type=jax.ShapeDtypeStruct((2 * N_PAIRS, CH), jnp.float32),
        mesh=_mesh(),
        scratch_types=[
            pltpu.VMEM((GPAD,), jnp.int32),
            pltpu.VMEM((128,), jnp.int32),
            pltpu.VMEM((128,), jnp.int32),
            pltpu.VMEM((128, CH), jnp.float32),
            pltpu.SemaphoreType.DMA,
        ],
        compiler_params=_sc_compiler_params(),
    )


def _sc_pair_gather_body(rank_hbm, ddb_hbm, ge_hbm, out_hbm,
                         rank_v, idx_v, q_v, rows_v, sem):
    cid = lax.axis_index("c")
    sid = lax.axis_index("s")
    w = cid * 16 + sid
    pltpu.sync_copy(rank_hbm, rank_v)

    def body(c, carry):
        base = w * 256 + c * 128
        pltpu.sync_copy(ddb_hbm.at[pl.ds(base, 128)], idx_v)

        def gbody(k, carry2):
            ids = idx_v[pl.ds(k * 16, 16)]
            q_v[pl.ds(k * 16, 16)] = plsc.load_gather(rank_v, [ids])
            return carry2

        lax.fori_loop(0, 8, gbody, 0)
        pltpu.async_copy(ge_hbm.at[q_v], rows_v, sem).wait()
        pltpu.sync_copy(rows_v, out_hbm.at[pl.ds(base, 128)])
        return carry

    lax.fori_loop(0, 2, body, 0)



def _tc1_body(hist_ref, x_ref, w1_ref, p1_ref, dis_ref):
    deg = jnp.sum(hist_ref[...].T, axis=1, keepdims=True)
    dis = lax.rsqrt(deg + 1.0)
    dis_ref[...] = dis
    p1_ref[...] = _dot(x_ref[...], w1_ref[...]) * dis


def _tc2_body(acc_ref, p1_ref, dis_ref, b1_ref, w2_ref, p2_ref):
    dis = dis_ref[...]
    h1 = jnp.maximum(dis * (acc_ref[0] + acc_ref[1] + p1_ref[...]) + b1_ref[...], 0.0)
    p2_ref[...] = _dot(h1, w2_ref[...]) * dis


def _tc3_body(acc_ref, p2_ref, dis_ref, b2_ref, h2_ref):
    dis = dis_ref[...]
    h2 = jnp.maximum(dis * (acc_ref[0] + acc_ref[1] + p2_ref[...]) + b2_ref[...], 0.0)
    rid = lax.broadcasted_iota(jnp.int32, (NPAD, 1), 0)
    h2_ref[...] = jnp.where(rid < N_NODES, h2, 0.0)


def _tc4_body(sums_ref, cnt_ref, pres_ref, ge_ref, rank_ref):
    sums = sums_ref[0] + sums_ref[1]
    cnt = jnp.sum(cnt_ref[...].T, axis=1, keepdims=True)
    ge_ref[...] = sums / jnp.maximum(cnt, 1.0)
    pres_cnt = jnp.sum(pres_ref[...].T, axis=1, keepdims=True)
    pres = jnp.where(pres_cnt > 0.0, 1.0, 0.0)
    row = lax.broadcasted_iota(jnp.int32, (GPAD, GPAD), 0)
    col = lax.broadcasted_iota(jnp.int32, (GPAD, GPAD), 1)
    tri = jnp.where(row > col, 1.0, 0.0)
    rank_ref[...] = _dot(tri, pres).astype(jnp.int32)


def _tc5_body(fe_ref, te_ref, wr1_ref, br1_ref, wr2_ref, out_ref):
    cat = jnp.concatenate([fe_ref[...], te_ref[...]], axis=1)
    h = jnp.maximum(_dot(cat, wr1_ref[...]) + br1_ref[...], 0.0)
    out_ref[...] = _dot(h, wr2_ref[...])



def kernel(x, edge_index, batch, drug_drug_batch, W1, b1, W2, b2, Wr1, br1, Wr2, br2):
    f32 = jnp.float32
    pad_i = jnp.full((EPAD - N_EDGES,), NPAD - 1, jnp.int32)
    srcp = jnp.concatenate([edge_index[0], pad_i])
    dstp = jnp.concatenate([edge_index[1], pad_i])
    srcp2 = srcp.reshape(EPAD // 128, 128)
    dstp2 = dstp.reshape(EPAD // 128, 128)
    ddb_flat = drug_drug_batch.reshape(-1)

    z_nodes = jnp.zeros((NPAD, CH), f32)
    z_1d = jnp.zeros((NPAD,), f32)
    z_g = jnp.zeros((GPAD, CH), f32)
    xp = jnp.pad(x, ((0, NPAD - N_NODES), (0, 0)))

    hist = _sc_hist()(dstp, z_1d)

    p1, dis = pl.pallas_call(
        _tc1_body,
        out_shape=[
            jax.ShapeDtypeStruct((NPAD, CH), f32),
            jax.ShapeDtypeStruct((NPAD, 1), f32),
        ],
    )(hist, xp, W1)

    acc1 = _sc_edge_pass()(p1, srcp, dstp, z_nodes)

    p2 = pl.pallas_call(
        _tc2_body,
        out_shape=jax.ShapeDtypeStruct((NPAD, CH), f32),
    )(acc1, p1, dis, b1.reshape(1, CH), W2)

    acc2 = _sc_edge_pass()(p2, srcp, dstp, z_nodes)

    h2 = pl.pallas_call(
        _tc3_body,
        out_shape=jax.ShapeDtypeStruct((NPAD, CH), f32),
    )(acc2, p2, dis, b2.reshape(1, CH))

    batchp = jnp.pad(batch, (0, NPAD - N_NODES))
    batchp2 = batchp.reshape(256, 40)
    z_1g = jnp.zeros((GPAD,), f32)
    sums_p, cnt_p, pres_p = _sc_pool()(h2, batchp, batchp2, ddb_flat, z_g, z_1g)

    ge, rank2d = pl.pallas_call(
        _tc4_body,
        out_shape=[
            jax.ShapeDtypeStruct((GPAD, CH), f32),
            jax.ShapeDtypeStruct((GPAD, 1), jnp.int32),
        ],
    )(sums_p, cnt_p, pres_p)
    rank = rank2d.reshape(GPAD)

    rows = _sc_pair_gather()(rank, ddb_flat, ge)
    fe = rows[:N_PAIRS]
    te = rows[N_PAIRS:]

    out = pl.pallas_call(
        _tc5_body,
        out_shape=jax.ShapeDtypeStruct((N_PAIRS, 1), f32),
    )(fe, te, Wr1, br1.reshape(1, -1), Wr2)
    return out

# --- scband reference (transcript-rebuilt; emitter-appended) ---
"""Pipeline reference for scband-subgraph-embedding-regressor-model-8770323219114 (READ-ONLY COPY).

The authoritative reference and input builder live on the scoring server;
editing this copy changes nothing except your own understanding.
"""

import jax, jax.numpy as jnp
import numpy as np

N_NODES = 10000
N_EDGES = 320000
N_GRAPHS = 1000
N_PAIRS = 4096
IN_CH = 128
EMBED_CH = 128
REG_HID = 256
OUT_CH = 1


def setup_inputs(seed: int = 0) -> dict:
    key = jax.random.key(seed)
    ks = jax.random.split(key, 12)
    x = jax.random.normal(ks[0], (N_NODES, IN_CH), dtype=jnp.float32)
    edge_index = jax.random.randint(ks[1], (2, N_EDGES), 0, N_NODES, dtype=jnp.int32)
    batch = jnp.sort(jax.random.randint(ks[2], (N_NODES,), 0, N_GRAPHS, dtype=jnp.int32))
    drug_drug_batch = jax.random.randint(ks[3], (2, N_PAIRS), 0, N_GRAPHS, dtype=jnp.int32)
    W1 = jax.random.normal(ks[4], (IN_CH, EMBED_CH), dtype=jnp.float32) * (1.0 / np.sqrt(IN_CH))
    b1 = jnp.zeros((EMBED_CH,), dtype=jnp.float32)
    W2 = jax.random.normal(ks[5], (EMBED_CH, EMBED_CH), dtype=jnp.float32) * (1.0 / np.sqrt(EMBED_CH))
    b2 = jnp.zeros((EMBED_CH,), dtype=jnp.float32)
    Wr1 = jax.random.normal(ks[6], (2 * EMBED_CH, REG_HID), dtype=jnp.float32) * (1.0 / np.sqrt(2 * EMBED_CH))
    br1 = jnp.zeros((REG_HID,), dtype=jnp.float32)
    Wr2 = jax.random.normal(ks[7], (REG_HID, OUT_CH), dtype=jnp.float32) * (1.0 / np.sqrt(REG_HID))
    br2 = jnp.zeros((OUT_CH,), dtype=jnp.float32)
    return {"x": x, "edge_index": edge_index, "batch": batch, "drug_drug_batch": drug_drug_batch,
            "W1": W1, "b1": b1, "W2": W2, "b2": b2, "Wr1": Wr1, "br1": br1, "Wr2": Wr2, "br2": br2}


def _gcn_conv(h, src, dst, W, b, num_nodes):
    # GCNConv with self-loops and symmetric normalization
    loop = jnp.arange(num_nodes, dtype=src.dtype)
    src_a = jnp.concatenate([src, loop])
    dst_a = jnp.concatenate([dst, loop])
    deg = jnp.zeros((num_nodes,), dtype=h.dtype).at[dst_a].add(1.0)
    dis = jnp.where(deg > 0, deg ** -0.5, 0.0)
    norm = dis[src_a] * dis[dst_a]
    hw = h @ W
    msgs = hw[src_a] * norm[:, None]
    out = jnp.zeros((num_nodes, W.shape[1]), dtype=h.dtype).at[dst_a].add(msgs)
    return out + b


def reference(x, edge_index, batch, drug_drug_batch, W1, b1, W2, b2, Wr1, br1, Wr2, br2):
    src, dst = edge_index[0], edge_index[1]
    # embedder: GCNConv -> ReLU -> GCNConv -> ReLU
    h = jnp.maximum(_gcn_conv(x, src, dst, W1, b1, N_NODES), 0.0)
    h = jnp.maximum(_gcn_conv(h, src, dst, W2, b2, N_NODES), 0.0)
    # scatter_mean pooling over the subgraph batch vector -> per-drug graph embeddings
    sums = jax.ops.segment_sum(h, batch, num_segments=N_GRAPHS)
    cnt = jax.ops.segment_sum(jnp.ones((N_NODES, 1), dtype=h.dtype), batch, num_segments=N_GRAPHS)
    graph_embeds = sums / jnp.maximum(cnt, 1.0)
    # quantize drug ids to ranks: np.digitize(ddb, unique(ddb)+1) == searchsorted(uniq+1, ddb, 'right')
    # == count of distinct ids strictly less than each value; ids lie in [0, N_GRAPHS)
    present = jnp.zeros((N_GRAPHS,), dtype=jnp.int32).at[drug_drug_batch.ravel()].set(1)
    rank_below = jnp.cumsum(present) - present
    qtzd = rank_below[drug_drug_batch]
    from_embeds = graph_embeds[qtzd[0, :]]
    to_embeds = graph_embeds[qtzd[1, :]]
    cat = jnp.concatenate([from_embeds, to_embeds], axis=1)
    # regressor MLP
    h2 = jnp.maximum(cat @ Wr1 + br1, 0.0)
    return h2 @ Wr2 + br2

if __name__ == "__main__":
    import jax
    _d = setup_inputs()
    print(jax.jit(kernel)(*tuple(_d.values())))

</pallas_src>

<mosaic_0001>
#map = affine_map<(d0, d1) -> (0)>
#map1 = affine_map<(d0, d1) -> (0, 0)>
module attributes {stable_mosaic.version = 14 : i64} {
  func.func @_sc_hist_body(%arg0: i32, %arg1: i32, %arg2: memref<327680xi32, #tpu.memory_space<hbm>>, %arg3: memref<10240xf32, #tpu.memory_space<hbm>>, %arg4: memref<32x10240xf32, #tpu.memory_space<hbm>>, %arg5: memref<10240xi32, #tpu.memory_space<vmem>>, %arg6: memref<10240xf32, #tpu.memory_space<vmem>>) attributes {dimension_semantics = [#tpu.dimension_semantics<core_parallel>, #tpu.dimension_semantics<subcore_parallel>], iteration_bounds = array<i64: 2, 16>, scalar_prefetch = 0 : i64, scratch_operands = 2 : i64, tpu.core_type = #tpu.core_type<sc_vector_subcore>, window_params = [{transform_indices = #map}, {transform_indices = #map}, {transform_indices = #map1}]} {
    %mul3A = arith.constant 16 : i32
    %mul3A_0 = arith.muli %arg0, %mul3A : i32
    %add3A = arith.addi %mul3A_0, %arg1 : i32
    "tpu.region"() ({
      %run_scoped3A = tpu.sem_alloc : memref<!tpu.dma_semaphore, #tpu.memory_space<semaphore_mem>>
      tpu.enqueue_dma source(%arg3 : memref<10240xf32, #tpu.memory_space<hbm>>) target(%arg6 : memref<10240xf32, #tpu.memory_space<vmem>>) target_semaphore(%run_scoped3A : memref<!tpu.dma_semaphore, #tpu.memory_space<semaphore_mem>>)
      tpu.wait_dma2 semaphore(%run_scoped3A : memref<!tpu.dma_semaphore, #tpu.memory_space<semaphore_mem>>) src(%arg3 : memref<10240xf32, #tpu.memory_space<hbm>>) dst(%arg6 : memref<10240xf32, #tpu.memory_space<vmem>>)
      tpu.yield
    }) : () -> ()
    %mul3A_1 = arith.constant 10240 : i32
    %mul3A_2 = arith.muli %add3A, %mul3A_1 : i32
    "tpu.region"() ({
      %run_scoped3A = tpu.sem_alloc : memref<!tpu.dma_semaphore, #tpu.memory_space<semaphore_mem>>
      %dma_start3A = tpu.memref_slice %arg2[%mul3A_2] : memref<327680xi32, #tpu.memory_space<hbm>> -> memref<10240xi32, #tpu.memory_space<hbm>>
      %dma_start3A_9 = tpu.memref_slice %arg2[%mul3A_2] : memref<327680xi32, #tpu.memory_space<hbm>> -> memref<10240xi32, #tpu.memory_space<hbm>>
      tpu.enqueue_dma source(%dma_start3A_9 : memref<10240xi32, #tpu.memory_space<hbm>>) target(%arg5 : memref<10240xi32, #tpu.memory_space<vmem>>) target_semaphore(%run_scoped3A : memref<!tpu.dma_semaphore, #tpu.memory_space<semaphore_mem>>)
      %dma_wait3A = tpu.memref_slice %arg2[%mul3A_2] : memref<327680xi32, #tpu.memory_space<hbm>> -> memref<10240xi32, #tpu.memory_space<hbm>>
      %dma_wait3A_10 = tpu.memref_slice %arg2[%mul3A_2] : memref<327680xi32, #tpu.memory_space<hbm>> -> memref<10240xi32, #tpu.memory_space<hbm>>
      tpu.wait_dma2 semaphore(%run_scoped3A : memref<!tpu.dma_semaphore, #tpu.memory_space<semaphore_mem>>) src(%dma_wait3A_10 : memref<10240xi32, #tpu.memory_space<hbm>>) dst(%arg5 : memref<10240xi32, #tpu.memory_space<vmem>>)
      tpu.yield
    }) : () -> ()
    %broadcast_in_dim3A = arith.constant 1.000000e+00 : f32
    %broadcast_in_dim3A_3 = vector.broadcast %broadcast_in_dim3A : f32 to vector<16xf32>
    %scan3A = arith.constant 0 : i32
    %scan3A_4 = arith.constant 0 : i32
    %scan3A_5 = arith.constant 40 : i32
    %scan3A_6 = arith.addi %scan3A_4, %scan3A_5 : i32
    %scan3A_7 = arith.constant 1 : i32
    scf.for %scan3A_9 = %scan3A_4 to %scan3A_6 step %scan3A_7  : i32 {
      %mul3A_10 = arith.constant 256 : i32
      %mul3A_11 = arith.muli %scan3A_9, %mul3A_10 : i32
      %add3A_12 = arith.constant 0 : i32
      %add3A_13 = arith.addi %mul3A_11, %add3A_12 : i32
      %get3A = arith.index_cast %add3A_13 : i32 to index
      %get3A_14 = tpu.vector_load %arg5[%get3A] {strides = array<i32>} : memref<10240xi32, #tpu.memory_space<vmem>>, vector<16xi32>,
      tpu.vector_store_idx %arg6[%get3A_14], %broadcast_in_dim3A_3 {add = true} : memref<10240xf32, #tpu.memory_space<vmem>>[vector<16xi32>], vector<16xf32>,
      %mul3A_15 = arith.constant 256 : i32
      %mul3A_16 = arith.muli %scan3A_9, %mul3A_15 : i32
      %add3A_17 = arith.constant 16 : i32
      %add3A_18 = arith.addi %mul3A_16, %add3A_17 : i32
      %get3A_19 = arith.index_cast %add3A_18 : i32 to index
      %get3A_20 = tpu.vector_load %arg5[%get3A_19] {strides = array<i32>} : memref<10240xi32, #tpu.memory_space<vmem>>, vector<16xi32>,
      tpu.vector_store_idx %arg6[%get3A_20], %broadcast_in_dim3A_3 {add = true} : memref<10240xf32, #tpu.memory_space<vmem>>[vector<16xi32>], vector<16xf32>,
      %mul3A_21 = arith.constant 256 : i32
      %mul3A_22 = arith.muli %scan3A_9, %mul3A_21 : i32
      %add3A_23 = arith.constant 32 : i32
      %add3A_24 = arith.addi %mul3A_22, %add3A_23 : i32
      %get3A_25 = arith.index_cast %add3A_24 : i32 to index
      %get3A_26 = tpu.vector_load %arg5[%get3A_25] {strides = array<i32>} : memref<10240xi32, #tpu.memory_space<vmem>>, vector<16xi32>,
      tpu.vector_store_idx %arg6[%get3A_26], %broadcast_in_dim3A_3 {add = true} : memref<10240xf32, #tpu.memory_space<vmem>>[vector<16xi32>], vector<16xf32>,
      %mul3A_27 = arith.constant 256 : i32
      %mul3A_28 = arith.muli %scan3A_9, %mul3A_27 : i32
      %add3A_29 = arith.constant 48 : i32
      %add3A_30 = arith.addi %mul3A_28, %add3A_29 : i32
      %get3A_31 = arith.index_cast %add3A_30 : i32 to index
      %get3A_32 = tpu.vector_load %arg5[%get3A_31] {strides = array<i32>} : memref<10240xi32, #tpu.memory_space<vmem>>, vector<16xi32>,
      tpu.vector_store_idx %arg6[%get3A_32], %broadcast_in_dim3A_3 {add = true} : memref<10240xf32, #tpu.memory_space<vmem>>[vector<16xi32>], vector<16xf32>,
      %mul3A_33 = arith.constant 256 : i32
      %mul3A_34 = arith.muli %scan3A_9, %mul3A_33 : i32
      %add3A_35 = arith.constant 64 : i32
      %add3A_36 = arith.addi %mul3A_34, %add3A_35 : i32
      %get3A_37 = arith.index_cast %add3A_36 : i32 to index
      %get3A_38 = tpu.vector_load %arg5[%get3A_37] {strides = array<i32>} : memref<10240xi32, #tpu.memory_space<vmem>>, vector<16xi32>,
      tpu.vector_store_idx %arg6[%get3A_38], %broadcast_in_dim3A_3 {add = true} : memref<10240xf32, #tpu.memory_space<vmem>>[vector<16xi32>], vector<16xf32>,
      %mul3A_39 = arith.constant 256 : i32
      %mul3A_40 = arith.muli %scan3A_9, %mul3A_39 : i32
      %add3A_41 = arith.constant 80 : i32
      %add3A_42 = arith.addi %mul3A_40, %add3A_41 : i32
      %get3A_43 = arith.index_cast %add3A_42 : i32 to index
      %get3A_44 = tpu.vector_load %arg5[%get3A_43] {strides = array<i32>} : memref<10240xi32, #tpu.memory_space<vmem>>, vector<16xi32>,
      tpu.vector_store_idx %arg6[%get3A_44], %broadcast_in_dim3A_3 {add = true} : memref<10240xf32, #tpu.memory_space<vmem>>[vector<16xi32>], vector<16xf32>,
      %mul3A_45 = arith.constant 256 : i32
      %mul3A_46 = arith.muli %scan3A_9, %mul3A_45 : i32
      %add3A_47 = arith.constant 96 : i32
      %add3A_48 = arith.addi %mul3A_46, %add3A_47 : i32
      %get3A_49 = arith.index_cast %add3A_48 : i32 to index
      %get3A_50 = tpu.vector_load %arg5[%get3A_49] {strides = array<i32>} : memref<10240xi32, #tpu.memory_space<vmem>>, vector<16xi32>,
      tpu.vector_store_idx %arg6[%get3A_50], %broadcast_in_dim3A_3 {add = true} : memref<10240xf32, #tpu.memory_space<vmem>>[vector<16xi32>], vector<16xf32>,
      %mul3A_51 = arith.constant 256 : i32
      %mul3A_52 = arith.muli %scan3A_9, %mul3A_51 : i32
      %add3A_53 = arith.constant 112 : i32
      %add3A_54 = arith.addi %mul3A_52, %add3A_53 : i32
      %get3A_55 = arith.index_cast %add3A_54 : i32 to index
      %get3A_56 = tpu.vector_load %arg5[%get3A_55] {strides = array<i32>} : memref<10240xi32, #tpu.memory_space<vmem>>, vector<16xi32>,
      tpu.vector_store_idx %arg6[%get3A_56], %broadcast_in_dim3A_3 {add = true} : memref<10240xf32, #tpu.memory_space<vmem>>[vector<16xi32>], vector<16xf32>,
      %mul3A_57 = arith.constant 256 : i32
      %mul3A_58 = arith.muli %scan3A_9, %mul3A_57 : i32
      %add3A_59 = arith.constant 128 : i32
      %add3A_60 = arith.addi %mul3A_58, %add3A_59 : i32
      %get3A_61 = arith.index_cast %add3A_60 : i32 to index
      %get3A_62 = tpu.vector_load %arg5[%get3A_61] {strides = array<i32>} : memref<10240xi32, #tpu.memory_space<vmem>>, vector<16xi32>,
      tpu.vector_store_idx %arg6[%get3A_62], %broadcast_in_dim3A_3 {add = true} : memref<10240xf32, #tpu.memory_space<vmem>>[vector<16xi32>], vector<16xf32>,
      %mul3A_63 = arith.constant 256 : i32
      %mul3A_64 = arith.muli %scan3A_9, %mul3A_63 : i32
      %add3A_65 = arith.constant 144 : i32
      %add3A_66 = arith.addi %mul3A_64, %add3A_65 : i32
      %get3A_67 = arith.index_cast %add3A_66 : i32 to index
      %get3A_68 = tpu.vector_load %arg5[%get3A_67] {strides = array<i32>} : memref<10240xi32, #tpu.memory_space<vmem>>, vector<16xi32>,
      tpu.vector_store_idx %arg6[%get3A_68], %broadcast_in_dim3A_3 {add = true} : memref<10240xf32, #tpu.memory_space<vmem>>[vector<16xi32>], vector<16xf32>,
      %mul3A_69 = arith.constant 256 : i32
      %mul3A_70 = arith.muli %scan3A_9, %mul3A_69 : i32
      %add3A_71 = arith.constant 160 : i32
      %add3A_72 = arith.addi %mul3A_70, %add3A_71 : i32
      %get3A_73 = arith.index_cast %add3A_72 : i32 to index
      %get3A_74 = tpu.vector_load %arg5[%get3A_73] {strides = array<i32>} : memref<10240xi32, #tpu.memory_space<vmem>>, vector<16xi32>,
      tpu.vector_store_idx %arg6[%get3A_74], %broadcast_in_dim3A_3 {add = true} : memref<10240xf32, #tpu.memory_space<vmem>>[vector<16xi32>], vector<16xf32>,
      %mul3A_75 = arith.constant 256 : i32
      %mul3A_76 = arith.muli %scan3A_9, %mul3A_75 : i32
      %add3A_77 = arith.constant 176 : i32
      %add3A_78 = arith.addi %mul3A_76, %add3A_77 : i32
      %get3A_79 = arith.index_cast %add3A_78 : i32 to index
      %get3A_80 = tpu.vector_load %arg5[%get3A_79] {strides = array<i32>} : memref<10240xi32, #tpu.memory_space<vmem>>, vector<16xi32>,
      tpu.vector_store_idx %arg6[%get3A_80], %broadcast_in_dim3A_3 {add = true} : memref<10240xf32, #tpu.memory_space<vmem>>[vector<16xi32>], vector<16xf32>,
      %mul3A_81 = arith.constant 256 : i32
      %mul3A_82 = arith.muli %scan3A_9, %mul3A_81 : i32
      %add3A_83 = arith.constant 192 : i32
      %add3A_84 = arith.addi %mul3A_82, %add3A_83 : i32
      %get3A_85 = arith.index_cast %add3A_84 : i32 to index
      %get3A_86 = tpu.vector_load %arg5[%get3A_85] {strides = array<i32>} : memref<10240xi32, #tpu.memory_space<vmem>>, vector<16xi32>,
      tpu.vector_store_idx %arg6[%get3A_86], %broadcast_in_dim3A_3 {add = true} : memref<10240xf32, #tpu.memory_space<vmem>>[vector<16xi32>], vector<16xf32>,
      %mul3A_87 = arith.constant 256 : i32
      %mul3A_88 = arith.muli %scan3A_9, %mul3A_87 : i32
      %add3A_89 = arith.constant 208 : i32
      %add3A_90 = arith.addi %mul3A_88, %add3A_89 : i32
      %get3A_91 = arith.index_cast %add3A_90 : i32 to index
      %get3A_92 = tpu.vector_load %arg5[%get3A_91] {strides = array<i32>} : memref<10240xi32, #tpu.memory_space<vmem>>, vector<16xi32>,
      tpu.vector_store_idx %arg6[%get3A_92], %broadcast_in_dim3A_3 {add = true} : memref<10240xf32, #tpu.memory_space<vmem>>[vector<16xi32>], vector<16xf32>,
      %mul3A_93 = arith.constant 256 : i32
      %mul3A_94 = arith.muli %scan3A_9, %mul3A_93 : i32
      %add3A_95 = arith.constant 224 : i32
      %add3A_96 = arith.addi %mul3A_94, %add3A_95 : i32
      %get3A_97 = arith.index_cast %add3A_96 : i32 to index
      %get3A_98 = tpu.vector_load %arg5[%get3A_97] {strides = array<i32>} : memref<10240xi32, #tpu.memory_space<vmem>>, vector<16xi32>,
      tpu.vector_store_idx %arg6[%get3A_98], %broadcast_in_dim3A_3 {add = true} : memref<10240xf32, #tpu.memory_space<vmem>>[vector<16xi32>], vector<16xf32>,
      %mul3A_99 = arith.constant 256 : i32
      %mul3A_100 = arith.muli %scan3A_9, %mul3A_99 : i32
      %add3A_101 = arith.constant 240 : i32
      %add3A_102 = arith.addi %mul3A_100, %add3A_101 : i32
      %get3A_103 = arith.index_cast %add3A_102 : i32 to index
      %get3A_104 = tpu.vector_load %arg5[%get3A_103] {strides = array<i32>} : memref<10240xi32, #tpu.memory_space<vmem>>, vector<16xi32>,
      tpu.vector_store_idx %arg6[%get3A_104], %broadcast_in_dim3A_3 {add = true} : memref<10240xf32, #tpu.memory_space<vmem>>[vector<16xi32>], vector<16xf32>,
    }
    %scan3A_8 = arith.constant 40 : i32
    "tpu.region"() ({
      %run_scoped3A = tpu.sem_alloc : memref<!tpu.dma_semaphore, #tpu.memory_space<semaphore_mem>>
      %dma_start3A = arith.constant 0 : i32
      %dma_start3A_9 = tpu.memref_slice %arg4[%add3A, %dma_start3A] : memref<32x10240xf32, #tpu.memory_space<hbm>> -> memref<1x10240xf32, #tpu.memory_space<hbm>>
      %dma_start3A_10 = tpu.memref_squeeze %dma_start3A_9 : memref<1x10240xf32, #tpu.memory_space<hbm>> -> memref<10240xf32, #tpu.memory_space<hbm>>
      %dma_start3A_11 = arith.constant 0 : i32
      %dma_start3A_12 = tpu.memref_slice %arg4[%add3A, %dma_start3A_11] : memref<32x10240xf32, #tpu.memory_space<hbm>> -> memref<1x10240xf32, #tpu.memory_space<hbm>>
      %dma_start3A_13 = tpu.memref_squeeze %dma_start3A_12 : memref<1x10240xf32, #tpu.memory_space<hbm>> -> memref<10240xf32, #tpu.memory_space<hbm>>
      tpu.enqueue_dma source(%arg6 : memref<10240xf32, #tpu.memory_space<vmem>>) target(%dma_start3A_13 : memref<10240xf32, #tpu.memory_space<hbm>>) target_semaphore(%run_scoped3A : memref<!tpu.dma_semaphore, #tpu.memory_space<semaphore_mem>>)
      %dma_wait3A = arith.constant 0 : i32
      %dma_wait3A_14 = tpu.memref_slice %arg4[%add3A, %dma_wait3A] : memref<32x10240xf32, #tpu.memory_space<hbm>> -> memref<1x10240xf32, #tpu.memory_space<hbm>>
      %dma_wait3A_15 = tpu.memref_squeeze %dma_wait3A_14 : memref<1x10240xf32, #tpu.memory_space<hbm>> -> memref<10240xf32, #tpu.memory_space<hbm>>
      %dma_wait3A_16 = arith.constant 0 : i32
      %dma_wait3A_17 = tpu.memref_slice %arg4[%add3A, %dma_wait3A_16] : memref<32x10240xf32, #tpu.memory_space<hbm>> -> memref<1x10240xf32, #tpu.memory_space<hbm>>
      %dma_wait3A_18 = tpu.memref_squeeze %dma_wait3A_17 : memref<1x10240xf32, #tpu.memory_space<hbm>> -> memref<10240xf32, #tpu.memory_space<hbm>>
      tpu.wait_dma2 semaphore(%run_scoped3A : memref<!tpu.dma_semaphore, #tpu.memory_space<semaphore_mem>>) src(%arg6 : memref<10240xf32, #tpu.memory_space<vmem>>) dst(%dma_wait3A_18 : memref<10240xf32, #tpu.memory_space<hbm>>)
      tpu.yield
    }) : () -> ()
    return
  }
}

#map = affine_map<(d0, d1) -> (0, 0)>
#map1 = affine_map<(d0, d1) -> (0)>
#map2 = affine_map<(d0, d1) -> (0, 0, 0)>
module attributes {stable_mosaic.version = 14 : i64} {
  func.func @_sc_edge_pass_body(%arg0: i32, %arg1: i32, %arg2: memref<10240x128xf32, #tpu.memory_space<hbm>>, %arg3: memref<327680xi32, #tpu.memory_space<hbm>>, %arg4: memref<327680xi32, #tpu.memory_space<hbm>>, %arg5: memref<10240x128xf32, #tpu.memory_space<hbm>>, %arg6: memref<2x10240x128xf32, #tpu.memory_space<hbm>>, %arg7: memref<2x128xi32, #tpu.memory_space<vmem>>, %arg8: memref<2x128xi32, #tpu.memory_space<vmem>>, %arg9: memref<2x128x128xf32, #tpu.memory_space<vmem>>, %arg10: memref<10240x128xf32, #tpu.memory_space<vmem_shared>>, %arg11: memref<2x!tpu.dma_semaphore, #tpu.memory_space<semaphore_mem>>) attributes {dimension_semantics = [#tpu.dimension_semantics<core_parallel>, #tpu.dimension_semantics<subcore_parallel>], iteration_bounds = array<i64: 2, 16>, scalar_prefetch = 0 : i64, scratch_operands = 5 : i64, tpu.core_type = #tpu.core_type<sc_vector_subcore>, window_params = [{transform_indices = #map}, {transform_indices = #map1}, {transform_indices = #map1}, {transform_indices = #map}, {transform_indices = #map2}]} {
    %mul3A = arith.constant 16 : i32
    %mul3A_0 = arith.muli %arg0, %mul3A : i32
    %add3A = arith.addi %mul3A_0, %arg1 : i32
    %mul3A_1 = arith.constant 640 : i32
    %mul3A_2 = arith.muli %arg1, %mul3A_1 : i32
    "tpu.region"() ({
      %run_scoped3A_36 = tpu.sem_alloc : memref<!tpu.dma_semaphore, #tpu.memory_space<semaphore_mem>>
      %dma_start3A_37 = arith.constant 0 : i32
      %dma_start3A_38 = tpu.memref_slice %arg10[%mul3A_2, %dma_start3A_37] : memref<10240x128xf32, #tpu.memory_space<vmem_shared>> -> memref<640x128xf32, #tpu.memory_space<vmem_shared>>
      %dma_start3A_39 = arith.constant 0 : i32
      %dma_start3A_40 = tpu.memref_slice %arg5[%mul3A_2, %dma_start3A_39] : memref<10240x128xf32, #tpu.memory_space<hbm>> -> memref<640x128xf32, #tpu.memory_space<hbm>>
      tpu.enqueue_dma source(%dma_start3A_40 : memref<640x128xf32, #tpu.memory_space<hbm>>) target(%dma_start3A_38 : memref<640x128xf32, #tpu.memory_space<vmem_shared>>) target_semaphore(%run_scoped3A_36 : memref<!tpu.dma_semaphore, #tpu.memory_space<semaphore_mem>>)
      %dma_wait3A = arith.constant 0 : i32
      %dma_wait3A_41 = tpu.memref_slice %arg10[%mul3A_2, %dma_wait3A] : memref<10240x128xf32, #tpu.memory_space<vmem_shared>> -> memref<640x128xf32, #tpu.memory_space<vmem_shared>>
      %dma_wait3A_42 = arith.constant 0 : i32
      %dma_wait3A_43 = tpu.memref_slice %arg5[%mul3A_2, %dma_wait3A_42] : memref<10240x128xf32, #tpu.memory_space<hbm>> -> memref<640x128xf32, #tpu.memory_space<hbm>>
      tpu.wait_dma2 semaphore(%run_scoped3A_36 : memref<!tpu.dma_semaphore, #tpu.memory_space<semaphore_mem>>) src(%dma_wait3A_43 : memref<640x128xf32, #tpu.memory_space<hbm>>) dst(%dma_wait3A_41 : memref<640x128xf32, #tpu.memory_space<vmem_shared>>)
      tpu.yield
    }) : () -> ()
    %barrier3A = arith.constant 0 : index
    tpu.barrier barrier_id(%barrier3A)
    %lt3A = arith.constant 4 : i32
    %lt3A_3 = arith.cmpi slt, %add3A, %lt3A : i32
    %jit3A = arith.constant 1 : i32
    %jit3A_4 = arith.constant 0 : i32
    %select_n3A = arith.select %lt3A_3, %jit3A, %jit3A_4 : i32
    %add3A_5 = arith.constant 78 : i32
    %add3A_6 = arith.addi %add3A_5, %select_n3A : i32
    %add3A_7 = arith.constant 0 : i32
    %add3A_8 = arith.addi %add3A, %add3A_7 : i32
    %mul3A_9 = arith.constant 128 : i32
    %mul3A_10 = arith.muli %add3A_8, %mul3A_9 : i32
    %run_scoped3A = arith.constant 0 : i32
    "tpu.region"() ({
      %run_scoped3A_36 = tpu.sem_alloc : memref<!tpu.dma_semaphore, #tpu.memory_space<semaphore_mem>>
      %dma_start3A_37 = arith.constant 0 : i32
      %dma_start3A_38 = tpu.memref_slice %arg7[%run_scoped3A, %dma_start3A_37] : memref<2x128xi32, #tpu.memory_space<vmem>> -> memref<1x128xi32, #tpu.memory_space<vmem>>
      %dma_start3A_39 = tpu.memref_squeeze %dma_start3A_38 : memref<1x128xi32, #tpu.memory_space<vmem>> -> memref<128xi32, #tpu.memory_space<vmem>>
      %dma_start3A_40 = tpu.memref_slice %arg3[%mul3A_10] : memref<327680xi32, #tpu.memory_space<hbm>> -> memref<128xi32, #tpu.memory_space<hbm>>
      %dma_start3A_41 = arith.constant 0 : i32
      %dma_start3A_42 = tpu.memref_slice %arg7[%run_scoped3A, %dma_start3A_41] : memref<2x128xi32, #tpu.memory_space<vmem>> -> memref<1x128xi32, #tpu.memory_space<vmem>>
      %dma_start3A_43 = tpu.memref_squeeze %dma_start3A_42 : memref<1x128xi32, #tpu.memory_space<vmem>> -> memref<128xi32, #tpu.memory_space<vmem>>
      %dma_start3A_44 = tpu.memref_slice %arg3[%mul3A_10] : memref<327680xi32, #tpu.memory_space<hbm>> -> memref<128xi32, #tpu.memory_space<hbm>>
      tpu.enqueue_dma source(%dma_start3A_44 : memref<128xi32, #tpu.memory_space<hbm>>) target(%dma_start3A_43 : memref<128xi32, #tpu.memory_space<vmem>>) target_semaphore(%run_scoped3A_36 : memref<!tpu.dma_semaphore, #tpu.memory_space<semaphore_mem>>)
      %dma_wait3A = arith.constant 0 : i32
      %dma_wait3A_45 = tpu.memref_slice %arg7[%run_scoped3A, %dma_wait3A] : memref<2x128xi32, #tpu.memory_space<vmem>> -> memref<1x128xi32, #tpu.memory_space<vmem>>
      %dma_wait3A_46 = tpu.memref_squeeze %dma_wait3A_45 : memref<1x128xi32, #tpu.memory_space<vmem>> -> memref<128xi32, #tpu.memory_space<vmem>>
      %dma_wait3A_47 = tpu.memref_slice %arg3[%mul3A_10] : memref<327680xi32, #tpu.memory_space<hbm>> -> memref<128xi32, #tpu.memory_space<hbm>>
      %dma_wait3A_48 = arith.constant 0 : i32
      %dma_wait3A_49 = tpu.memref_slice %arg7[%run_scoped3A, %dma_wait3A_48] : memref<2x128xi32, #tpu.memory_space<vmem>> -> memref<1x128xi32, #tpu.memory_space<vmem>>
      %dma_wait3A_50 = tpu.memref_squeeze %dma_wait3A_49 : memref<1x128xi32, #tpu.memory_space<vmem>> -> memref<128xi32, #tpu.memory_space<vmem>>
      %dma_wait3A_51 = tpu.memref_slice %arg3[%mul3A_10] : memref<327680xi32, #tpu.memory_space<hbm>> -> memref<128xi32, #tpu.memory_space<hbm>>
      tpu.wait_dma2 semaphore(%run_scoped3A_36 : memref<!tpu.dma_semaphore, #tpu.memory_space<semaphore_mem>>) src(%dma_wait3A_51 : memref<128xi32, #tpu.memory_space<hbm>>) dst(%dma_wait3A_50 : memref<128xi32, #tpu.memory_space<vmem>>)
      tpu.yield
    }) : () -> ()
    %run_scoped3A_11 = arith.constant 0 : i32
    "tpu.region"() ({
      %run_scoped3A_36 = tpu.sem_alloc : memref<!tpu.dma_semaphore, #tpu.memory_space<semaphore_mem>>
      %dma_start3A_37 = arith.constant 0 : i32
      %dma_start3A_38 = tpu.memref_slice %arg8[%run_scoped3A_11, %dma_start3A_37] : memref<2x128xi32, #tpu.memory_space<vmem>> -> memref<1x128xi32, #tpu.memory_space<vmem>>
      %dma_start3A_39 = tpu.memref_squeeze %dma_start3A_38 : memref<1x128xi32, #tpu.memory_space<vmem>> -> memref<128xi32, #tpu.memory_space<vmem>>
      %dma_start3A_40 = tpu.memref_slice %arg4[%mul3A_10] : memref<327680xi32, #tpu.memory_space<hbm>> -> memref<128xi32, #tpu.memory_space<hbm>>
      %dma_start3A_41 = arith.constant 0 : i32
      %dma_start3A_42 = tpu.memref_slice %arg8[%run_scoped3A_11, %dma_start3A_41] : memref<2x128xi32, #tpu.memory_space<vmem>> -> memref<1x128xi32, #tpu.memory_space<vmem>>
      %dma_start3A_43 = tpu.memref_squeeze %dma_start3A_42 : memref<1x128xi32, #tpu.memory_space<vmem>> -> memref<128xi32, #tpu.memory_space<vmem>>
      %dma_start3A_44 = tpu.memref_slice %arg4[%mul3A_10] : memref<327680xi32, #tpu.memory_space<hbm>> -> memref<128xi32, #tpu.memory_space<hbm>>
      tpu.enqueue_dma source(%dma_start3A_44 : memref<128xi32, #tpu.memory_space<hbm>>) target(%dma_start3A_43 : memref<128xi32, #tpu.memory_space<vmem>>) target_semaphore(%run_scoped3A_36 : memref<!tpu.dma_semaphore, #tpu.memory_space<semaphore_mem>>)
      %dma_wait3A = arith.constant 0 : i32
      %dma_wait3A_45 = tpu.memref_slice %arg8[%run_scoped3A_11, %dma_wait3A] : memref<2x128xi32, #tpu.memory_space<vmem>> -> memref<1x128xi32, #tpu.memory_space<vmem>>
      %dma_wait3A_46 = tpu.memref_squeeze %dma_wait3A_45 : memref<1x128xi32, #tpu.memory_space<vmem>> -> memref<128xi32, #tpu.memory_space<vmem>>
      %dma_wait3A_47 = tpu.memref_slice %arg4[%mul3A_10] : memref<327680xi32, #tpu.memory_space<hbm>> -> memref<128xi32, #tpu.memory_space<hbm>>
      %dma_wait3A_48 = arith.constant 0 : i32
      %dma_wait3A_49 = tpu.memref_slice %arg8[%run_scoped3A_11, %dma_wait3A_48] : memref<2x128xi32, #tpu.memory_space<vmem>> -> memref<1x128xi32, #tpu.memory_space<vmem>>
      %dma_wait3A_50 = tpu.memref_squeeze %dma_wait3A_49 : memref<1x128xi32, #tpu.memory_space<vmem>> -> memref<128xi32, #tpu.memory_space<vmem>>
      %dma_wait3A_51 = tpu.memref_slice %arg4[%mul3A_10] : memref<327680xi32, #tpu.memory_space<hbm>> -> memref<128xi32, #tpu.memory_space<hbm>>
      tpu.wait_dma2 semaphore(%run_scoped3A_36 : memref<!tpu.dma_semaphore, #tpu.memory_space<semaphore_mem>>) src(%dma_wait3A_51 : memref<128xi32, #tpu.memory_space<hbm>>) dst(%dma_wait3A_50 : memref<128xi32, #tpu.memory_space<vmem>>)
      tpu.yield
    }) : () -> ()
    %dma_start3A = arith.constant 0 : i32
    %dma_start3A_12 = arith.constant 0 : i32
    %dma_start3A_13 = arith.constant 0 : i32
    %dma_start3A_14 = arith.constant 0 : i32
    %dma_start3A_15 = arith.constant 0 : i32
    %dma_start3A_16 = tpu.memref_slice %arg9[%dma_start3A_12, %dma_start3A_14, %dma_start3A_15] : memref<2x128x128xf32, #tpu.memory_space<vmem>> -> memref<1x128x128xf32, #tpu.memory_space<vmem>>
    %dma_start3A_17 = tpu.memref_squeeze %dma_start3A_16 : memref<1x128x128xf32, #tpu.memory_space<vmem>> -> memref<128x128xf32, #tpu.memory_space<vmem>>
    %dma_start3A_18 = arith.constant 0 : i32
    %dma_start3A_19 = tpu.memref_slice %arg7[%dma_start3A, %dma_start3A_18] : memref<2x128xi32, #tpu.memory_space<vmem>> -> memref<1x128xi32, #tpu.memory_space<vmem>>
    %dma_start3A_20 = tpu.memref_squeeze %dma_start3A_19 : memref<1x128xi32, #tpu.memory_space<vmem>> -> memref<128xi32, #tpu.memory_space<vmem>>
    %dma_start3A_21 = arith.constant 0 : i32
    %dma_start3A_22 = arith.constant 0 : i32
    %dma_start3A_23 = tpu.memref_slice %arg2[%dma_start3A_21, %dma_start3A_22] : memref<10240x128xf32, #tpu.memory_space<hbm>> -> memref<10240x128xf32, #tpu.memory_space<hbm>>
    %dma_start3A_24 = tpu.memref_slice %arg11[%dma_start3A_13] : memref<2x!tpu.dma_semaphore, #tpu.memory_space<semaphore_mem>> -> memref<1x!tpu.dma_semaphore, #tpu.memory_space<semaphore_mem>>
    %dma_start3A_25 = tpu.memref_squeeze %dma_start3A_24 : memref<1x!tpu.dma_semaphore, #tpu.memory_space<semaphore_mem>> -> memref<!tpu.dma_semaphore, #tpu.memory_space<semaphore_mem>>
    tpu.enqueue_indirect_dma source(%dma_start3A_23 : memref<10240x128xf32, #tpu.memory_space<hbm>>) target(%dma_start3A_17 : memref<128x128xf32, #tpu.memory_space<vmem>>) offsets(%dma_start3A_20 : memref<128xi32, #tpu.memory_space<vmem>>) semaphore(%dma_start3A_25 : memref<!tpu.dma_semaphore, #tpu.memory_space<semaphore_mem>>)
    %while3A = arith.constant 0 : i32
    %while3A_26 = arith.constant 0 : i32
    %while3A_27 = arith.subi %add3A_6, %while3A_26 : i32
    %while3A_28 = arith.addi %while3A_26, %while3A_27 : i32
    %while3A_29 = arith.constant 1 : i32
    %while3A_30 = arith.divsi %while3A_27, %while3A_29 : i32
    %while3A_31 = arith.muli %while3A_30, %while3A_29 : i32
    %while3A_32 = arith.addi %while3A_26, %while3A_31 : i32
    %while3A_33 = arith.constant 1 : i32
    scf.for %while3A_36 = %while3A_26 to %while3A_32 step %while3A_33  : i32 {
      %rem3A = arith.constant 2 : i32
      %rem3A_37 = arith.remsi %while3A_36, %rem3A : i32
      %add3A_38 = arith.constant 1 : i32
      %add3A_39 = arith.addi %while3A_36, %add3A_38 : i32
      %rem3A_40 = arith.constant 2 : i32
      %rem3A_41 = arith.remsi %add3A_39, %rem3A_40 : i32
      %add3A_42 = arith.constant 1 : i32
      %add3A_43 = arith.addi %while3A_36, %add3A_42 : i32
      %lt3A_44 = arith.cmpi slt, %add3A_43, %add3A_6 : i32
      %convert_element_type3A = arith.extui %lt3A_44 : i1 to i32
      %cond3A = arith.constant 0 : i32
      %cond3A_45 = arith.cmpi ne, %convert_element_type3A, %cond3A : i32
      scf.if %cond3A_45 {
        %add3A_57 = arith.constant 1 : i32
        %add3A_58 = arith.addi %while3A_36, %add3A_57 : i32
        %mul3A_59 = arith.constant 32 : i32
        %mul3A_60 = arith.muli %add3A_58, %mul3A_59 : i32
        %add3A_61 = arith.addi %add3A, %mul3A_60 : i32
        %mul3A_62 = arith.constant 128 : i32
        %mul3A_63 = arith.muli %add3A_61, %mul3A_62 : i32
        "tpu.region"() ({
          %run_scoped3A_76 = tpu.sem_alloc : memref<!tpu.dma_semaphore, #tpu.memory_space<semaphore_mem>>
          %dma_start3A_77 = arith.constant 0 : i32
          %dma_start3A_78 = tpu.memref_slice %arg7[%rem3A_41, %dma_start3A_77] : memref<2x128xi32, #tpu.memory_space<vmem>> -> memref<1x128xi32, #tpu.memory_space<vmem>>
          %dma_start3A_79 = tpu.memref_squeeze %dma_start3A_78 : memref<1x128xi32, #tpu.memory_space<vmem>> -> memref<128xi32, #tpu.memory_space<vmem>>
          %dma_start3A_80 = tpu.memref_slice %arg3[%mul3A_63] : memref<327680xi32, #tpu.memory_space<hbm>> -> memref<128xi32, #tpu.memory_space<hbm>>
          %dma_start3A_81 = arith.constant 0 : i32
          %dma_start3A_82 = tpu.memref_slice %arg7[%rem3A_41, %dma_start3A_81] : memref<2x128xi32, #tpu.memory_space<vmem>> -> memref<1x128xi32, #tpu.memory_space<vmem>>
          %dma_start3A_83 = tpu.memref_squeeze %dma_start3A_82 : memref<1x128xi32, #tpu.memory_space<vmem>> -> memref<128xi32, #tpu.memory_space<vmem>>
          %dma_start3A_84 = tpu.memref_slice %arg3[%mul3A_63] : memref<327680xi32, #tpu.memory_space<hbm>> -> memref<128xi32, #tpu.memory_space<hbm>>
          tpu.enqueue_dma source(%dma_start3A_84 : memref<128xi32, #tpu.memory_space<hbm>>) target(%dma_start3A_83 : memref<128xi32, #tpu.memory_space<vmem>>) target_semaphore(%run_scoped3A_76 : memref<!tpu.dma_semaphore, #tpu.memory_space<semaphore_mem>>)
          %dma_wait3A_85 = arith.constant 0 : i32
          %dma_wait3A_86 = tpu.memref_slice %arg7[%rem3A_41, %dma_wait3A_85] : memref<2x128xi32, #tpu.memory_space<vmem>> -> memref<1x128xi32, #tpu.memory_space<vmem>>
          %dma_wait3A_87 = tpu.memref_squeeze %dma_wait3A_86 : memref<1x128xi32, #tpu.memory_space<vmem>> -> memref<128xi32, #tpu.memory_space<vmem>>
          %dma_wait3A_88 = tpu.memref_slice %arg3[%mul3A_63] : memref<327680xi32, #tpu.memory_space<hbm>> -> memref<128xi32, #tpu.memory_space<hbm>>
          %dma_wait3A_89 = arith.constant 0 : i32
          %dma_wait3A_90 = tpu.memref_slice %arg7[%rem3A_41, %dma_wait3A_89] : memref<2x128xi32, #tpu.memory_space<vmem>> -> memref<1x128xi32, #tpu.memory_space<vmem>>
          %dma_wait3A_91 = tpu.memref_squeeze %dma_wait3A_90 : memref<1x128xi32, #tpu.memory_space<vmem>> -> memref<128xi32, #tpu.memory_space<vmem>>
          %dma_wait3A_92 = tpu.memref_slice %arg3[%mul3A_63] : memref<327680xi32, #tpu.memory_space<hbm>> -> memref<128xi32, #tpu.memory_space<hbm>>
          tpu.wait_dma2 semaphore(%run_scoped3A_76 : memref<!tpu.dma_semaphore, #tpu.memory_space<semaphore_mem>>) src(%dma_wait3A_92 : memref<128xi32, #tpu.memory_space<hbm>>) dst(%dma_wait3A_91 : memref<128xi32, #tpu.memory_space<vmem>>)
          tpu.yield
        }) : () -> ()
        "tpu.region"() ({
          %run_scoped3A_76 = tpu.sem_alloc : memref<!tpu.dma_semaphore, #tpu.memory_space<semaphore_mem>>
          %dma_start3A_77 = arith.constant 0 : i32
          %dma_start3A_78 = tpu.memref_slice %arg8[%rem3A_41, %dma_start3A_77] : memref<2x128xi32, #tpu.memory_space<vmem>> -> memref<1x128xi32, #tpu.memory_space<vmem>>
          %dma_start3A_79 = tpu.memref_squeeze %dma_start3A_78 : memref<1x128xi32, #tpu.memory_space<vmem>> -> memref<128xi32, #tpu.memory_space<vmem>>
          %dma_start3A_80 = tpu.memref_slice %arg4[%mul3A_63] : memref<327680xi32, #tpu.memory_space<hbm>> -> memref<128xi32, #tpu.memory_space<hbm>>
          %dma_start3A_81 = arith.constant 0 : i32
          %dma_start3A_82 = tpu.memref_slice %arg8[%rem3A_41, %dma_start3A_81] : memref<2x128xi32, #tpu.memory_space<vmem>> -> memref<1x128xi32, #tpu.memory_space<vmem>>
          %dma_start3A_83 = tpu.memref_squeeze %dma_start3A_82 : memref<1x128xi32, #tpu.memory_space<vmem>> -> memref<128xi32, #tpu.memory_space<vmem>>
          %dma_start3A_84 = tpu.memref_slice %arg4[%mul3A_63] : memref<327680xi32, #tpu.memory_space<hbm>> -> memref<128xi32, #tpu.memory_space<hbm>>
          tpu.enqueue_dma source(%dma_start3A_84 : memref<128xi32, #tpu.memory_space<hbm>>) target(%dma_start3A_83 : memref<128xi32, #tpu.memory_space<vmem>>) target_semaphore(%run_scoped3A_76 : memref<!tpu.dma_semaphore, #tpu.memory_space<semaphore_mem>>)
          %dma_wait3A_85 = arith.constant 0 : i32
          %dma_wait3A_86 = tpu.memref_slice %arg8[%rem3A_41, %dma_wait3A_85] : memref<2x128xi32, #tpu.memory_space<vmem>> -> memref<1x128xi32, #tpu.memory_space<vmem>>
          %dma_wait3A_87 = tpu.memref_squeeze %dma_wait3A_86 : memref<1x128xi32, #tpu.memory_space<vmem>> -> memref<128xi32, #tpu.memory_space<vmem>>
          %dma_wait3A_88 = tpu.memref_slice %arg4[%mul3A_63] : memref<327680xi32, #tpu.memory_space<hbm>> -> memref<128xi32, #tpu.memory_space<hbm>>
          %dma_wait3A_89 = arith.constant 0 : i32
          %dma_wait3A_90 = tpu.memref_slice %arg8[%rem3A_41, %dma_wait3A_89] : memref<2x128xi32, #tpu.memory_space<vmem>> -> memref<1x128xi32, #tpu.memory_space<vmem>>
          %dma_wait3A_91 = tpu.memref_squeeze %dma_wait3A_90 : memref<1x128xi32, #tpu.memory_space<vmem>> -> memref<128xi32, #tpu.memory_space<vmem>>
          %dma_wait3A_92 = tpu.memref_slice %arg4[%mul3A_63] : memref<327680xi32, #tpu.memory_space<hbm>> -> memref<128xi32, #tpu.memory_space<hbm>>
          tpu.wait_dma2 semaphore(%run_scoped3A_76 : memref<!tpu.dma_semaphore, #tpu.memory_space<semaphore_mem>>) src(%dma_wait3A_92 : memref<128xi32, #tpu.memory_space<hbm>>) dst(%dma_wait3A_91 : memref<128xi32, #tpu.memory_space<vmem>>)
          tpu.yield
        }) : () -> ()
        %dma_start3A_64 = arith.constant 0 : i32
        %dma_start3A_65 = arith.constant 0 : i32
        %dma_start3A_66 = tpu.memref_slice %arg9[%rem3A_41, %dma_start3A_64, %dma_start3A_65] : memref<2x128x128xf32, #tpu.memory_space<vmem>> -> memref<1x128x128xf32, #tpu.memory_space<vmem>>
        %dma_start3A_67 = tpu.memref_squeeze %dma_start3A_66 : memref<1x128x128xf32, #tpu.memory_space<vmem>> -> memref<128x128xf32, #tpu.memory_space<vmem>>
        %dma_start3A_68 = arith.constant 0 : i32
        %dma_start3A_69 = tpu.memref_slice %arg7[%rem3A_41, %dma_start3A_68] : memref<2x128xi32, #tpu.memory_space<vmem>> -> memref<1x128xi32, #tpu.memory_space<vmem>>
        %dma_start3A_70 = tpu.memref_squeeze %dma_start3A_69 : memref<1x128xi32, #tpu.memory_space<vmem>> -> memref<128xi32, #tpu.memory_space<vmem>>
        %dma_start3A_71 = arith.constant 0 : i32
        %dma_start3A_72 = arith.constant 0 : i32
        %dma_start3A_73 = tpu.memref_slice %arg2[%dma_start3A_71, %dma_start3A_72] : memref<10240x128xf32, #tpu.memory_space<hbm>> -> memref<10240x128xf32, #tpu.memory_space<hbm>>
        %dma_start3A_74 = tpu.memref_slice %arg11[%rem3A_41] : memref<2x!tpu.dma_semaphore, #tpu.memory_space<semaphore_mem>> -> memref<1x!tpu.dma_semaphore, #tpu.memory_space<semaphore_mem>>
        %dma_start3A_75 = tpu.memref_squeeze %dma_start3A_74 : memref<1x!tpu.dma_semaphore, #tpu.memory_space<semaphore_mem>> -> memref<!tpu.dma_semaphore, #tpu.memory_space<semaphore_mem>>
        tpu.enqueue_indirect_dma source(%dma_start3A_73 : memref<10240x128xf32, #tpu.memory_space<hbm>>) target(%dma_start3A_67 : memref<128x128xf32, #tpu.memory_space<vmem>>) offsets(%dma_start3A_70 : memref<128xi32, #tpu.memory_space<vmem>>) semaphore(%dma_start3A_75 : memref<!tpu.dma_semaphore, #tpu.memory_space<semaphore_mem>>)
      } else {
      }
      %dma_wait3A = arith.constant 0 : i32
      %dma_wait3A_46 = arith.constant 0 : i32
      %dma_wait3A_47 = tpu.memref_slice %arg9[%rem3A_37, %dma_wait3A, %dma_wait3A_46] : memref<2x128x128xf32, #tpu.memory_space<vmem>> -> memref<1x128x128xf32, #tpu.memory_space<vmem>>
      %dma_wait3A_48 = tpu.memref_squeeze %dma_wait3A_47 : memref<1x128x128xf32, #tpu.memory_space<vmem>> -> memref<128x128xf32, #tpu.memory_space<vmem>>
      %dma_wait3A_49 = arith.constant 0 : i32
      %dma_wait3A_50 = tpu.memref_slice %arg7[%rem3A_37, %dma_wait3A_49] : memref<2x128xi32, #tpu.memory_space<vmem>> -> memref<1x128xi32, #tpu.memory_space<vmem>>
      %dma_wait3A_51 = tpu.memref_squeeze %dma_wait3A_50 : memref<1x128xi32, #tpu.memory_space<vmem>> -> memref<128xi32, #tpu.memory_space<vmem>>
      %dma_wait3A_52 = arith.constant 0 : i32
      %dma_wait3A_53 = arith.constant 0 : i32
      %dma_wait3A_54 = tpu.memref_slice %arg2[%dma_wait3A_52, %dma_wait3A_53] : memref<10240x128xf32, #tpu.memory_space<hbm>> -> memref<10240x128xf32, #tpu.memory_space<hbm>>
      %dma_wait3A_55 = tpu.memref_slice %arg11[%rem3A_37] : memref<2x!tpu.dma_semaphore, #tpu.memory_space<semaphore_mem>> -> memref<1x!tpu.dma_semaphore, #tpu.memory_space<semaphore_mem>>
      %dma_wait3A_56 = tpu.memref_squeeze %dma_wait3A_55 : memref<1x!tpu.dma_semaphore, #tpu.memory_space<semaphore_mem>> -> memref<!tpu.dma_semaphore, #tpu.memory_space<semaphore_mem>>
      tpu.wait_indirect_dma semaphore(%dma_wait3A_56 : memref<!tpu.dma_semaphore, #tpu.memory_space<semaphore_mem>>) src(%dma_wait3A_54 : memref<10240x128xf32, #tpu.memory_space<hbm>>) dst(%dma_wait3A_48 : memref<128x128xf32, #tpu.memory_space<vmem>>)
      "tpu.region"() ({
        %run_scoped3A_57 = tpu.sem_alloc : memref<!tpu.dma_semaphore, #tpu.memory_space<semaphore_mem>>
        %dma_start3A_58 = arith.constant 0 : i32
        %dma_start3A_59 = arith.constant 0 : i32
        %dma_start3A_60 = tpu.memref_slice %arg9[%rem3A_37, %dma_start3A_58, %dma_start3A_59] : memref<2x128x128xf32, #tpu.memory_space<vmem>> -> memref<1x128x128xf32, #tpu.memory_space<vmem>>
        %dma_start3A_61 = tpu.memref_squeeze %dma_start3A_60 : memref<1x128x128xf32, #tpu.memory_space<vmem>> -> memref<128x128xf32, #tpu.memory_space<vmem>>
        %dma_start3A_62 = arith.constant 0 : i32
        %dma_start3A_63 = tpu.memref_slice %arg8[%rem3A_37, %dma_start3A_62] : memref<2x128xi32, #tpu.memory_space<vmem>> -> memref<1x128xi32, #tpu.memory_space<vmem>>
        %dma_start3A_64 = tpu.memref_squeeze %dma_start3A_63 : memref<1x128xi32, #tpu.memory_space<vmem>> -> memref<128xi32, #tpu.memory_space<vmem>>
        %dma_start3A_65 = arith.constant 0 : i32
        %dma_start3A_66 = arith.constant 0 : i32
        %dma_start3A_67 = tpu.memref_slice %arg10[%dma_start3A_65, %dma_start3A_66] : memref<10240x128xf32, #tpu.memory_space<vmem_shared>> -> memref<10240x128xf32, #tpu.memory_space<vmem_shared>>
        tpu.enqueue_indirect_dma source(%dma_start3A_61 : memref<128x128xf32, #tpu.memory_space<vmem>>) target(%dma_start3A_67 : memref<10240x128xf32, #tpu.memory_space<vmem_shared>>) offsets(%dma_start3A_64 : memref<128xi32, #tpu.memory_space<vmem>>) semaphore(%run_scoped3A_57 : memref<!tpu.dma_semaphore, #tpu.memory_space<semaphore_mem>>) {add = true}
        %dma_wait3A_68 = arith.constant 0 : i32
        %dma_wait3A_69 = arith.constant 0 : i32
        %dma_wait3A_70 = tpu.memref_slice %arg9[%rem3A_37, %dma_wait3A_68, %dma_wait3A_69] : memref<2x128x128xf32, #tpu.memory_space<vmem>> -> memref<1x128x128xf32, #tpu.memory_space<vmem>>
        %dma_wait3A_71 = tpu.memref_squeeze %dma_wait3A_70 : memref<1x128x128xf32, #tpu.memory_space<vmem>> -> memref<128x128xf32, #tpu.memory_space<vmem>>
        %dma_wait3A_72 = arith.constant 0 : i32
        %dma_wait3A_73 = tpu.memref_slice %arg8[%rem3A_37, %dma_wait3A_72] : memref<2x128xi32, #tpu.memory_space<vmem>> -> memref<1x128xi32, #tpu.memory_space<vmem>>
        %dma_wait3A_74 = tpu.memref_squeeze %dma_wait3A_73 : memref<1x128xi32, #tpu.memory_space<vmem>> -> memref<128xi32, #tpu.memory_space<vmem>>
        %dma_wait3A_75 = arith.constant 0 : i32
        %dma_wait3A_76 = arith.constant 0 : i32
        %dma_wait3A_77 = tpu.memref_slice %arg10[%dma_wait3A_75, %dma_wait3A_76] : memref<10240x128xf32, #tpu.memory_space<vmem_shared>> -> memref<10240x128xf32, #tpu.memory_space<vmem_shared>>
        tpu.wait_indirect_dma semaphore(%run_scoped3A_57 : memref<!tpu.dma_semaphore, #tpu.memory_space<semaphore_mem>>) src(%dma_wait3A_71 : memref<128x128xf32, #tpu.memory_space<vmem>>) dst(%dma_wait3A_77 : memref<10240x128xf32, #tpu.memory_space<vmem_shared>>)
        tpu.yield
      }) : () -> ()
    }
    %while3A_34 = arith.constant 1 : i32
    scf.for %while3A_36 = %while3A_32 to %while3A_28 step %while3A_34  : i32 {
      %rem3A = arith.constant 2 : i32
      %rem3A_37 = arith.remsi %while3A_36, %rem3A : i32
      %add3A_38 = arith.constant 1 : i32
      %add3A_39 = arith.addi %while3A_36, %add3A_38 : i32
      %rem3A_40 = arith.constant 2 : i32
      %rem3A_41 = arith.remsi %add3A_39, %rem3A_40 : i32
      %add3A_42 = arith.constant 1 : i32
      %add3A_43 = arith.addi %while3A_36, %add3A_42 : i32
      %lt3A_44 = arith.cmpi slt, %add3A_43, %add3A_6 : i32
      %convert_element_type3A = arith.extui %lt3A_44 : i1 to i32
      %cond3A = arith.constant 0 : i32
      %cond3A_45 = arith.cmpi ne, %convert_element_type3A, %cond3A : i32
      scf.if %cond3A_45 {
        %add3A_57 = arith.constant 1 : i32
        %add3A_58 = arith.addi %while3A_36, %add3A_57 : i32
        %mul3A_59 = arith.constant 32 : i32
        %mul3A_60 = arith.muli %add3A_58, %mul3A_59 : i32
        %add3A_61 = arith.addi %add3A, %mul3A_60 : i32
        %mul3A_62 = arith.constant 128 : i32
        %mul3A_63 = arith.muli %add3A_61, %mul3A_62 : i32
        "tpu.region"() ({
          %run_scoped3A_76 = tpu.sem_alloc : memref<!tpu.dma_semaphore, #tpu.memory_space<semaphore_mem>>
          %dma_start3A_77 = arith.constant 0 : i32
          %dma_start3A_78 = tpu.memref_slice %arg7[%rem3A_41, %dma_start3A_77] : memref<2x128xi32, #tpu.memory_space<vmem>> -> memref<1x128xi32, #tpu.memory_space<vmem>>
          %dma_start3A_79 = tpu.memref_squeeze %dma_start3A_78 : memref<1x128xi32, #tpu.memory_space<vmem>> -> memref<128xi32, #tpu.memory_space<vmem>>
          %dma_start3A_80 = tpu.memref_slice %arg3[%mul3A_63] : memref<327680xi32, #tpu.memory_space<hbm>> -> memref<128xi32, #tpu.memory_space<hbm>>
          %dma_start3A_81 = arith.constant 0 : i32
          %dma_start3A_82 = tpu.memref_slice %arg7[%rem3A_41, %dma_start3A_81] : memref<2x128xi32, #tpu.memory_space<vmem>> -> memref<1x128xi32, #tpu.memory_space<vmem>>
          %dma_start3A_83 = tpu.memref_squeeze %dma_start3A_82 : memref<1x128xi32, #tpu.memory_space<vmem>> -> memref<128xi32, #tpu.memory_space<vmem>>
          %dma_start3A_84 = tpu.memref_slice %arg3[%mul3A_63] : memref<327680xi32, #tpu.memory_space<hbm>> -> memref<128xi32, #tpu.memory_space<hbm>>
          tpu.enqueue_dma source(%dma_start3A_84 : memref<128xi32, #tpu.memory_space<hbm>>) target(%dma_start3A_83 : memref<128xi32, #tpu.memory_space<vmem>>) target_semaphore(%run_scoped3A_76 : memref<!tpu.dma_semaphore, #tpu.memory_space<semaphore_mem>>)
          %dma_wait3A_85 = arith.constant 0 : i32
          %dma_wait3A_86 = tpu.memref_slice %arg7[%rem3A_41, %dma_wait3A_85] : memref<2x128xi32, #tpu.memory_space<vmem>> -> memref<1x128xi32, #tpu.memory_space<vmem>>
          %dma_wait3A_87 = tpu.memref_squeeze %dma_wait3A_86 : memref<1x128xi32, #tpu.memory_space<vmem>> -> memref<128xi32, #tpu.memory_space<vmem>>
          %dma_wait3A_88 = tpu.memref_slice %arg3[%mul3A_63] : memref<327680xi32, #tpu.memory_space<hbm>> -> memref<128xi32, #tpu.memory_space<hbm>>
          %dma_wait3A_89 = arith.constant 0 : i32
          %dma_wait3A_90 = tpu.memref_slice %arg7[%rem3A_41, %dma_wait3A_89] : memref<2x128xi32, #tpu.memory_space<vmem>> -> memref<1x128xi32, #tpu.memory_space<vmem>>
          %dma_wait3A_91 = tpu.memref_squeeze %dma_wait3A_90 : memref<1x128xi32, #tpu.memory_space<vmem>> -> memref<128xi32, #tpu.memory_space<vmem>>
          %dma_wait3A_92 = tpu.memref_slice %arg3[%mul3A_63] : memref<327680xi32, #tpu.memory_space<hbm>> -> memref<128xi32, #tpu.memory_space<hbm>>
          tpu.wait_dma2 semaphore(%run_scoped3A_76 : memref<!tpu.dma_semaphore, #tpu.memory_space<semaphore_mem>>) src(%dma_wait3A_92 : memref<128xi32, #tpu.memory_space<hbm>>) dst(%dma_wait3A_91 : memref<128xi32, #tpu.memory_space<vmem>>)
          tpu.yield
        }) : () -> ()
        "tpu.region"() ({
          %run_scoped3A_76 = tpu.sem_alloc : memref<!tpu.dma_semaphore, #tpu.memory_space<semaphore_mem>>
          %dma_start3A_77 = arith.constant 0 : i32
          %dma_start3A_78 = tpu.memref_slice %arg8[%rem3A_41, %dma_start3A_77] : memref<2x128xi32, #tpu.memory_space<vmem>> -> memref<1x128xi32, #tpu.memory_space<vmem>>
          %dma_start3A_79 = tpu.memref_squeeze %dma_start3A_78 : memref<1x128xi32, #tpu.memory_space<vmem>> -> memref<128xi32, #tpu.memory_space<vmem>>
          %dma_start3A_80 = tpu.memref_slice %arg4[%mul3A_63] : memref<327680xi32, #tpu.memory_space<hbm>> -> memref<128xi32, #tpu.memory_space<hbm>>
          %dma_start3A_81 = arith.constant 0 : i32
          %dma_start3A_82 = tpu.memref_slice %arg8[%rem3A_41, %dma_start3A_81] : memref<2x128xi32, #tpu.memory_space<vmem>> -> memref<1x128xi32, #tpu.memory_space<vmem>>
          %dma_start3A_83 = tpu.memref_squeeze %dma_start3A_82 : memref<1x128xi32, #tpu.memory_space<vmem>> -> memref<128xi32, #tpu.memory_space<vmem>>
          %dma_start3A_84 = tpu.memref_slice %arg4[%mul3A_63] : memref<327680xi32, #tpu.memory_space<hbm>> -> memref<128xi32, #tpu.memory_space<hbm>>
          tpu.enqueue_dma source(%dma_start3A_84 : memref<128xi32, #tpu.memory_space<hbm>>) target(%dma_start3A_83 : memref<128xi32, #tpu.memory_space<vmem>>) target_semaphore(%run_scoped3A_76 : memref<!tpu.dma_semaphore, #tpu.memory_space<semaphore_mem>>)
          %dma_wait3A_85 = arith.constant 0 : i32
          %dma_wait3A_86 = tpu.memref_slice %arg8[%rem3A_41, %dma_wait3A_85] : memref<2x128xi32, #tpu.memory_space<vmem>> -> memref<1x128xi32, #tpu.memory_space<vmem>>
          %dma_wait3A_87 = tpu.memref_squeeze %dma_wait3A_86 : memref<1x128xi32, #tpu.memory_space<vmem>> -> memref<128xi32, #tpu.memory_space<vmem>>
          %dma_wait3A_88 = tpu.memref_slice %arg4[%mul3A_63] : memref<327680xi32, #tpu.memory_space<hbm>> -> memref<128xi32, #tpu.memory_space<hbm>>
          %dma_wait3A_89 = arith.constant 0 : i32
          %dma_wait3A_90 = tpu.memref_slice %arg8[%rem3A_41, %dma_wait3A_89] : memref<2x128xi32, #tpu.memory_space<vmem>> -> memref<1x128xi32, #tpu.memory_space<vmem>>
          %dma_wait3A_91 = tpu.memref_squeeze %dma_wait3A_90 : memref<1x128xi32, #tpu.memory_space<vmem>> -> memref<128xi32, #tpu.memory_space<vmem>>
          %dma_wait3A_92 = tpu.memref_slice %arg4[%mul3A_63] : memref<327680xi32, #tpu.memory_space<hbm>> -> memref<128xi32, #tpu.memory_space<hbm>>
          tpu.wait_dma2 semaphore(%run_scoped3A_76 : memref<!tpu.dma_semaphore, #tpu.memory_space<semaphore_mem>>) src(%dma_wait3A_92 : memref<128xi32, #tpu.memory_space<hbm>>) dst(%dma_wait3A_91 : memref<128xi32, #tpu.memory_space<vmem>>)
          tpu.yield
        }) : () -> ()
        %dma_start3A_64 = arith.constant 0 : i32
        %dma_start3A_65 = arith.constant 0 : i32
        %dma_start3A_66 = tpu.memref_slice %arg9[%rem3A_41, %dma_start3A_64, %dma_start3A_65] : memref<2x128x128xf32, #tpu.memory_space<vmem>> -> memref<1x128x128xf32, #tpu.memory_space<vmem>>
        %dma_start3A_67 = tpu.memref_squeeze %dma_start3A_66 : memref<1x128x128xf32, #tpu.memory_space<vmem>> -> memref<128x128xf32, #tpu.memory_space<vmem>>
        %dma_start3A_68 = arith.constant 0 : i32
        %dma_start3A_69 = tpu.memref_slice %arg7[%rem3A_41, %dma_start3A_68] : memref<2x128xi32, #tpu.memory_space<vmem>> -> memref<1x128xi32, #tpu.memory_space<vmem>>
        %dma_start3A_70 = tpu.memref_squeeze %dma_start3A_69 : memref<1x128xi32, #tpu.memory_space<vmem>> -> memref<128xi32, #tpu.memory_space<vmem>>
        %dma_start3A_71 = arith.constant 0 : i32
        %dma_start3A_72 = arith.constant 0 : i32
        %dma_start3A_73 = tpu.memref_slice %arg2[%dma_start3A_71, %dma_start3A_72] : memref<10240x128xf32, #tpu.memory_space<hbm>> -> memref<10240x128xf32, #tpu.memory_space<hbm>>
        %dma_start3A_74 = tpu.memref_slice %arg11[%rem3A_41] : memref<2x!tpu.dma_semaphore, #tpu.memory_space<semaphore_mem>> -> memref<1x!tpu.dma_semaphore, #tpu.memory_space<semaphore_mem>>
        %dma_start3A_75 = tpu.memref_squeeze %dma_start3A_74 : memref<1x!tpu.dma_semaphore, #tpu.memory_space<semaphore_mem>> -> memref<!tpu.dma_semaphore, #tpu.memory_space<semaphore_mem>>
        tpu.enqueue_indirect_dma source(%dma_start3A_73 : memref<10240x128xf32, #tpu.memory_space<hbm>>) target(%dma_start3A_67 : memref<128x128xf32, #tpu.memory_space<vmem>>) offsets(%dma_start3A_70 : memref<128xi32, #tpu.memory_space<vmem>>) semaphore(%dma_start3A_75 : memref<!tpu.dma_semaphore, #tpu.memory_space<semaphore_mem>>)
      } else {
      }
      %dma_wait3A = arith.constant 0 : i32
      %dma_wait3A_46 = arith.constant 0 : i32
      %dma_wait3A_47 = tpu.memref_slice %arg9[%rem3A_37, %dma_wait3A, %dma_wait3A_46] : memref<2x128x128xf32, #tpu.memory_space<vmem>> -> memref<1x128x128xf32, #tpu.memory_space<vmem>>
      %dma_wait3A_48 = tpu.memref_squeeze %dma_wait3A_47 : memref<1x128x128xf32, #tpu.memory_space<vmem>> -> memref<128x128xf32, #tpu.memory_space<vmem>>
      %dma_wait3A_49 = arith.constant 0 : i32
      %dma_wait3A_50 = tpu.memref_slice %arg7[%rem3A_37, %dma_wait3A_49] : memref<2x128xi32, #tpu.memory_space<vmem>> -> memref<1x128xi32, #tpu.memory_space<vmem>>
      %dma_wait3A_51 = tpu.memref_squeeze %dma_wait3A_50 : memref<1x128xi32, #tpu.memory_space<vmem>> -> memref<128xi32, #tpu.memory_space<vmem>>
      %dma_wait3A_52 = arith.constant 0 : i32
      %dma_wait3A_53 = arith.constant 0 : i32
      %dma_wait3A_54 = tpu.memref_slice %arg2[%dma_wait3A_52, %dma_wait3A_53] : memref<10240x128xf32, #tpu.memory_space<hbm>> -> memref<10240x128xf32, #tpu.memory_space<hbm>>
      %dma_wait3A_55 = tpu.memref_slice %arg11[%rem3A_37] : memref<2x!tpu.dma_semaphore, #tpu.memory_space<semaphore_mem>> -> memref<1x!tpu.dma_semaphore, #tpu.memory_space<semaphore_mem>>
      %dma_wait3A_56 = tpu.memref_squeeze %dma_wait3A_55 : memref<1x!tpu.dma_semaphore, #tpu.memory_space<semaphore_mem>> -> memref<!tpu.dma_semaphore, #tpu.memory_space<semaphore_mem>>
      tpu.wait_indirect_dma semaphore(%dma_wait3A_56 : memref<!tpu.dma_semaphore, #tpu.memory_space<semaphore_mem>>) src(%dma_wait3A_54 : memref<10240x128xf32, #tpu.memory_space<hbm>>) dst(%dma_wait3A_48 : memref<128x128xf32, #tpu.memory_space<vmem>>)
      "tpu.region"() ({
        %run_scoped3A_57 = tpu.sem_alloc : memref<!tpu.dma_semaphore, #tpu.memory_space<semaphore_mem>>
        %dma_start3A_58 = arith.constant 0 : i32
        %dma_start3A_59 = arith.constant 0 : i32
        %dma_start3A_60 = tpu.memref_slice %arg9[%rem3A_37, %dma_start3A_58, %dma_start3A_59] : memref<2x128x128xf32, #tpu.memory_space<vmem>> -> memref<1x128x128xf32, #tpu.memory_space<vmem>>
        %dma_start3A_61 = tpu.memref_squeeze %dma_start3A_60 : memref<1x128x128xf32, #tpu.memory_space<vmem>> -> memref<128x128xf32, #tpu.memory_space<vmem>>
        %dma_start3A_62 = arith.constant 0 : i32
        %dma_start3A_63 = tpu.memref_slice %arg8[%rem3A_37, %dma_start3A_62] : memref<2x128xi32, #tpu.memory_space<vmem>> -> memref<1x128xi32, #tpu.memory_space<vmem>>
        %dma_start3A_64 = tpu.memref_squeeze %dma_start3A_63 : memref<1x128xi32, #tpu.memory_space<vmem>> -> memref<128xi32, #tpu.memory_space<vmem>>
        %dma_start3A_65 = arith.constant 0 : i32
        %dma_start3A_66 = arith.constant 0 : i32
        %dma_start3A_67 = tpu.memref_slice %arg10[%dma_start3A_65, %dma_start3A_66] : memref<10240x128xf32, #tpu.memory_space<vmem_shared>> -> memref<10240x128xf32, #tpu.memory_space<vmem_shared>>
        tpu.enqueue_indirect_dma source(%dma_start3A_61 : memref<128x128xf32, #tpu.memory_space<vmem>>) target(%dma_start3A_67 : memref<10240x128xf32, #tpu.memory_space<vmem_shared>>) offsets(%dma_start3A_64 : memref<128xi32, #tpu.memory_space<vmem>>) semaphore(%run_scoped3A_57 : memref<!tpu.dma_semaphore, #tpu.memory_space<semaphore_mem>>) {add = true}
        %dma_wait3A_68 = arith.constant 0 : i32
        %dma_wait3A_69 = arith.constant 0 : i32
        %dma_wait3A_70 = tpu.memref_slice %arg9[%rem3A_37, %dma_wait3A_68, %dma_wait3A_69] : memref<2x128x128xf32, #tpu.memory_space<vmem>> -> memref<1x128x128xf32, #tpu.memory_space<vmem>>
        %dma_wait3A_71 = tpu.memref_squeeze %dma_wait3A_70 : memref<1x128x128xf32, #tpu.memory_space<vmem>> -> memref<128x128xf32, #tpu.memory_space<vmem>>
        %dma_wait3A_72 = arith.constant 0 : i32
        %dma_wait3A_73 = tpu.memref_slice %arg8[%rem3A_37, %dma_wait3A_72] : memref<2x128xi32, #tpu.memory_space<vmem>> -> memref<1x128xi32, #tpu.memory_space<vmem>>
        %dma_wait3A_74 = tpu.memref_squeeze %dma_wait3A_73 : memref<1x128xi32, #tpu.memory_space<vmem>> -> memref<128xi32, #tpu.memory_space<vmem>>
        %dma_wait3A_75 = arith.constant 0 : i32
        %dma_wait3A_76 = arith.constant 0 : i32
        %dma_wait3A_77 = tpu.memref_slice %arg10[%dma_wait3A_75, %dma_wait3A_76] : memref<10240x128xf32, #tpu.memory_space<vmem_shared>> -> memref<10240x128xf32, #tpu.memory_space<vmem_shared>>
        tpu.wait_indirect_dma semaphore(%run_scoped3A_57 : memref<!tpu.dma_semaphore, #tpu.memory_space<semaphore_mem>>) src(%dma_wait3A_71 : memref<128x128xf32, #tpu.memory_space<vmem>>) dst(%dma_wait3A_77 : memref<10240x128xf32, #tpu.memory_space<vmem_shared>>)
        tpu.yield
      }) : () -> ()
    }
    %barrier3A_35 = arith.constant 0 : index
    tpu.barrier barrier_id(%barrier3A_35)
    "tpu.region"() ({
      %run_scoped3A_36 = tpu.sem_alloc : memref<!tpu.dma_semaphore, #tpu.memory_space<semaphore_mem>>
      %dma_start3A_37 = arith.constant 0 : i32
      %dma_start3A_38 = tpu.memref_slice %arg6[%arg0, %mul3A_2, %dma_start3A_37] : memref<2x10240x128xf32, #tpu.memory_space<hbm>> -> memref<1x640x128xf32, #tpu.memory_space<hbm>>
      %dma_start3A_39 = tpu.memref_squeeze %dma_start3A_38 : memref<1x640x128xf32, #tpu.memory_space<hbm>> -> memref<640x128xf32, #tpu.memory_space<hbm>>
      %dma_start3A_40 = arith.constant 0 : i32
      %dma_start3A_41 = tpu.memref_slice %arg10[%mul3A_2, %dma_start3A_40] : memref<10240x128xf32, #tpu.memory_space<vmem_shared>> -> memref<640x128xf32, #tpu.memory_space<vmem_shared>>
      tpu.enqueue_dma source(%dma_start3A_41 : memref<640x128xf32, #tpu.memory_space<vmem_shared>>) target(%dma_start3A_39 : memref<640x128xf32, #tpu.memory_space<hbm>>) target_semaphore(%run_scoped3A_36 : memref<!tpu.dma_semaphore, #tpu.memory_space<semaphore_mem>>)
      %dma_wait3A = arith.constant 0 : i32
      %dma_wait3A_42 = tpu.memref_slice %arg6[%arg0, %mul3A_2, %dma_wait3A] : memref<2x10240x128xf32, #tpu.memory_space<hbm>> -> memref<1x640x128xf32, #tpu.memory_space<hbm>>
      %dma_wait3A_43 = tpu.memref_squeeze %dma_wait3A_42 : memref<1x640x128xf32, #tpu.memory_space<hbm>> -> memref<640x128xf32, #tpu.memory_space<hbm>>
      %dma_wait3A_44 = arith.constant 0 : i32
      %dma_wait3A_45 = tpu.memref_slice %arg10[%mul3A_2, %dma_wait3A_44] : memref<10240x128xf32, #tpu.memory_space<vmem_shared>> -> memref<640x128xf32, #tpu.memory_space<vmem_shared>>
      tpu.wait_dma2 semaphore(%run_scoped3A_36 : memref<!tpu.dma_semaphore, #tpu.memory_space<semaphore_mem>>) src(%dma_wait3A_45 : memref<640x128xf32, #tpu.memory_space<vmem_shared>>) dst(%dma_wait3A_43 : memref<640x128xf32, #tpu.memory_space<hbm>>)
      tpu.yield
    }) : () -> ()
    return
  }
}

#map = affine_map<(d0, d1) -> (0, 0)>
#map1 = affine_map<(d0, d1) -> (0)>
#map2 = affine_map<(d0, d1) -> (0, 0, 0)>
module attributes {stable_mosaic.version = 14 : i64} {
  func.func @_sc_pool_body(%arg0: i32, %arg1: i32, %arg2: memref<10240x128xf32, #tpu.memory_space<hbm>>, %arg3: memref<10240xi32, #tpu.memory_space<hbm>>, %arg4: memref<256x40xi32, #tpu.memory_space<hbm>>, %arg5: memref<8192xi32, #tpu.memory_space<hbm>>, %arg6: memref<1024x128xf32, #tpu.memory_space<hbm>>, %arg7: memref<1024xf32, #tpu.memory_space<hbm>>, %arg8: memref<2x1024x128xf32, #tpu.memory_space<hbm>>, %arg9: memref<32x1024xf32, #tpu.memory_space<hbm>>, %arg10: memref<32x1024xf32, #tpu.memory_space<hbm>>, %arg11: memref<320xi32, #tpu.memory_space<vmem>>, %arg12: memref<8x40xi32, #tpu.memory_space<vmem>>, %arg13: memref<256xi32, #tpu.memory_space<vmem>>, %arg14: memref<320x128xf32, #tpu.memory_space<vmem>>, %arg15: memref<1024xf32, #tpu.memory_space<vmem>>, %arg16: memref<1024xf32, #tpu.memory_space<vmem>>, %arg17: memref<1024x128xf32, #tpu.memory_space<vmem_shared>>) attributes {dimension_semantics = [#tpu.dimension_semantics<core_parallel>, #tpu.dimension_semantics<subcore_parallel>], iteration_bounds = array<i64: 2, 16>, scalar_prefetch = 0 : i64, scratch_operands = 7 : i64, tpu.core_type = #tpu.core_type<sc_vector_subcore>, window_params = [{transform_indices = #map}, {transform_indices = #map1}, {transform_indices = #map}, {transform_indices = #map1}, {transform_indices = #map}, {transform_indices = #map1}, {transform_indices = #map2}, {transform_indices = #map}, {transform_indices = #map}]} {
    %mul3A = arith.constant 16 : i32
    %mul3A_0 = arith.muli %arg0, %mul3A : i32
    %add3A = arith.addi %mul3A_0, %arg1 : i32
    %mul3A_1 = arith.constant 64 : i32
    %mul3A_2 = arith.muli %arg1, %mul3A_1 : i32
    "tpu.region"() ({
      %run_scoped3A = tpu.sem_alloc : memref<!tpu.dma_semaphore, #tpu.memory_space<semaphore_mem>>
      %dma_start3A = arith.constant 0 : i32
      %dma_start3A_32 = tpu.memref_slice %arg17[%mul3A_2, %dma_start3A] : memref<1024x128xf32, #tpu.memory_space<vmem_shared>> -> memref<64x128xf32, #tpu.memory_space<vmem_shared>>
      %dma_start3A_33 = arith.constant 0 : i32
      %dma_start3A_34 = tpu.memref_slice %arg6[%mul3A_2, %dma_start3A_33] : memref<1024x128xf32, #tpu.memory_space<hbm>> -> memref<64x128xf32, #tpu.memory_space<hbm>>
      tpu.enqueue_dma source(%dma_start3A_34 : memref<64x128xf32, #tpu.memory_space<hbm>>) target(%dma_start3A_32 : memref<64x128xf32, #tpu.memory_space<vmem_shared>>) target_semaphore(%run_scoped3A : memref<!tpu.dma_semaphore, #tpu.memory_space<semaphore_mem>>)
      %dma_wait3A = arith.constant 0 : i32
      %dma_wait3A_35 = tpu.memref_slice %arg17[%mul3A_2, %dma_wait3A] : memref<1024x128xf32, #tpu.memory_space<vmem_shared>> -> memref<64x128xf32, #tpu.memory_space<vmem_shared>>
      %dma_wait3A_36 = arith.constant 0 : i32
      %dma_wait3A_37 = tpu.memref_slice %arg6[%mul3A_2, %dma_wait3A_36] : memref<1024x128xf32, #tpu.memory_space<hbm>> -> memref<64x128xf32, #tpu.memory_space<hbm>>
      tpu.wait_dma2 semaphore(%run_scoped3A : memref<!tpu.dma_semaphore, #tpu.memory_space<semaphore_mem>>) src(%dma_wait3A_37 : memref<64x128xf32, #tpu.memory_space<hbm>>) dst(%dma_wait3A_35 : memref<64x128xf32, #tpu.memory_space<vmem_shared>>)
      tpu.yield
    }) : () -> ()
    "tpu.region"() ({
      %run_scoped3A = tpu.sem_alloc : memref<!tpu.dma_semaphore, #tpu.memory_space<semaphore_mem>>
      tpu.enqueue_dma source(%arg7 : memref<1024xf32, #tpu.memory_space<hbm>>) target(%arg15 : memref<1024xf32, #tpu.memory_space<vmem>>) target_semaphore(%run_scoped3A : memref<!tpu.dma_semaphore, #tpu.memory_space<semaphore_mem>>)
      tpu.wait_dma2 semaphore(%run_scoped3A : memref<!tpu.dma_semaphore, #tpu.memory_space<semaphore_mem>>) src(%arg7 : memref<1024xf32, #tpu.memory_space<hbm>>) dst(%arg15 : memref<1024xf32, #tpu.memory_space<vmem>>)
      tpu.yield
    }) : () -> ()
    "tpu.region"() ({
      %run_scoped3A = tpu.sem_alloc : memref<!tpu.dma_semaphore, #tpu.memory_space<semaphore_mem>>
      tpu.enqueue_dma source(%arg7 : memref<1024xf32, #tpu.memory_space<hbm>>) target(%arg16 : memref<1024xf32, #tpu.memory_space<vmem>>) target_semaphore(%run_scoped3A : memref<!tpu.dma_semaphore, #tpu.memory_space<semaphore_mem>>)
      tpu.wait_dma2 semaphore(%run_scoped3A : memref<!tpu.dma_semaphore, #tpu.memory_space<semaphore_mem>>) src(%arg7 : memref<1024xf32, #tpu.memory_space<hbm>>) dst(%arg16 : memref<1024xf32, #tpu.memory_space<vmem>>)
      tpu.yield
    }) : () -> ()
    %mul3A_3 = arith.constant 320 : i32
    %mul3A_4 = arith.muli %add3A, %mul3A_3 : i32
    "tpu.region"() ({
      %run_scoped3A = tpu.sem_alloc : memref<!tpu.dma_semaphore, #tpu.memory_space<semaphore_mem>>
      %dma_start3A = tpu.memref_slice %arg3[%mul3A_4] : memref<10240xi32, #tpu.memory_space<hbm>> -> memref<320xi32, #tpu.memory_space<hbm>>
      %dma_start3A_32 = tpu.memref_slice %arg3[%mul3A_4] : memref<10240xi32, #tpu.memory_space<hbm>> -> memref<320xi32, #tpu.memory_space<hbm>>
      tpu.enqueue_dma source(%dma_start3A_32 : memref<320xi32, #tpu.memory_space<hbm>>) target(%arg11 : memref<320xi32, #tpu.memory_space<vmem>>) target_semaphore(%run_scoped3A : memref<!tpu.dma_semaphore, #tpu.memory_space<semaphore_mem>>)
      %dma_wait3A = tpu.memref_slice %arg3[%mul3A_4] : memref<10240xi32, #tpu.memory_space<hbm>> -> memref<320xi32, #tpu.memory_space<hbm>>
      %dma_wait3A_33 = tpu.memref_slice %arg3[%mul3A_4] : memref<10240xi32, #tpu.memory_space<hbm>> -> memref<320xi32, #tpu.memory_space<hbm>>
      tpu.wait_dma2 semaphore(%run_scoped3A : memref<!tpu.dma_semaphore, #tpu.memory_space<semaphore_mem>>) src(%dma_wait3A_33 : memref<320xi32, #tpu.memory_space<hbm>>) dst(%arg11 : memref<320xi32, #tpu.memory_space<vmem>>)
      tpu.yield
    }) : () -> ()
    %mul3A_5 = arith.constant 8 : i32
    %mul3A_6 = arith.muli %add3A, %mul3A_5 : i32
    "tpu.region"() ({
      %run_scoped3A = tpu.sem_alloc : memref<!tpu.dma_semaphore, #tpu.memory_space<semaphore_mem>>
      %dma_start3A = arith.constant 0 : i32
      %dma_start3A_32 = tpu.memref_slice %arg4[%mul3A_6, %dma_start3A] : memref<256x40xi32, #tpu.memory_space<hbm>> -> memref<8x40xi32, #tpu.memory_space<hbm>>
      %dma_start3A_33 = arith.constant 0 : i32
      %dma_start3A_34 = tpu.memref_slice %arg4[%mul3A_6, %dma_start3A_33] : memref<256x40xi32, #tpu.memory_space<hbm>> -> memref<8x40xi32, #tpu.memory_space<hbm>>
      tpu.enqueue_dma source(%dma_start3A_34 : memref<8x40xi32, #tpu.memory_space<hbm>>) target(%arg12 : memref<8x40xi32, #tpu.memory_space<vmem>>) target_semaphore(%run_scoped3A : memref<!tpu.dma_semaphore, #tpu.memory_space<semaphore_mem>>)
      %dma_wait3A = arith.constant 0 : i32
      %dma_wait3A_35 = tpu.memref_slice %arg4[%mul3A_6, %dma_wait3A] : memref<256x40xi32, #tpu.memory_space<hbm>> -> memref<8x40xi32, #tpu.memory_space<hbm>>
      %dma_wait3A_36 = arith.constant 0 : i32
      %dma_wait3A_37 = tpu.memref_slice %arg4[%mul3A_6, %dma_wait3A_36] : memref<256x40xi32, #tpu.memory_space<hbm>> -> memref<8x40xi32, #tpu.memory_space<hbm>>
      tpu.wait_dma2 semaphore(%run_scoped3A : memref<!tpu.dma_semaphore, #tpu.memory_space<semaphore_mem>>) src(%dma_wait3A_37 : memref<8x40xi32, #tpu.memory_space<hbm>>) dst(%arg12 : memref<8x40xi32, #tpu.memory_space<vmem>>)
      tpu.yield
    }) : () -> ()
    %mul3A_7 = arith.constant 256 : i32
    %mul3A_8 = arith.muli %add3A, %mul3A_7 : i32
    "tpu.region"() ({
      %run_scoped3A = tpu.sem_alloc : memref<!tpu.dma_semaphore, #tpu.memory_space<semaphore_mem>>
      %dma_start3A = tpu.memref_slice %arg5[%mul3A_8] : memref<8192xi32, #tpu.memory_space<hbm>> -> memref<256xi32, #tpu.memory_space<hbm>>
      %dma_start3A_32 = tpu.memref_slice %arg5[%mul3A_8] : memref<8192xi32, #tpu.memory_space<hbm>> -> memref<256xi32, #tpu.memory_space<hbm>>
      tpu.enqueue_dma source(%dma_start3A_32 : memref<256xi32, #tpu.memory_space<hbm>>) target(%arg13 : memref<256xi32, #tpu.memory_space<vmem>>) target_semaphore(%run_scoped3A : memref<!tpu.dma_semaphore, #tpu.memory_space<semaphore_mem>>)
      %dma_wait3A = tpu.memref_slice %arg5[%mul3A_8] : memref<8192xi32, #tpu.memory_space<hbm>> -> memref<256xi32, #tpu.memory_space<hbm>>
      %dma_wait3A_33 = tpu.memref_slice %arg5[%mul3A_8] : memref<8192xi32, #tpu.memory_space<hbm>> -> memref<256xi32, #tpu.memory_space<hbm>>
      tpu.wait_dma2 semaphore(%run_scoped3A : memref<!tpu.dma_semaphore, #tpu.memory_space<semaphore_mem>>) src(%dma_wait3A_33 : memref<256xi32, #tpu.memory_space<hbm>>) dst(%arg13 : memref<256xi32, #tpu.memory_space<vmem>>)
      tpu.yield
    }) : () -> ()
    %mul3A_9 = arith.constant 320 : i32
    %mul3A_10 = arith.muli %add3A, %mul3A_9 : i32
    "tpu.region"() ({
      %run_scoped3A = tpu.sem_alloc : memref<!tpu.dma_semaphore, #tpu.memory_space<semaphore_mem>>
      %dma_start3A = arith.constant 0 : i32
      %dma_start3A_32 = tpu.memref_slice %arg2[%mul3A_10, %dma_start3A] : memref<10240x128xf32, #tpu.memory_space<hbm>> -> memref<320x128xf32, #tpu.memory_space<hbm>>
      %dma_start3A_33 = arith.constant 0 : i32
      %dma_start3A_34 = tpu.memref_slice %arg2[%mul3A_10, %dma_start3A_33] : memref<10240x128xf32, #tpu.memory_space<hbm>> -> memref<320x128xf32, #tpu.memory_space<hbm>>
      tpu.enqueue_dma source(%dma_start3A_34 : memref<320x128xf32, #tpu.memory_space<hbm>>) target(%arg14 : memref<320x128xf32, #tpu.memory_space<vmem>>) target_semaphore(%run_scoped3A : memref<!tpu.dma_semaphore, #tpu.memory_space<semaphore_mem>>)
      %dma_wait3A = arith.constant 0 : i32
      %dma_wait3A_35 = tpu.memref_slice %arg2[%mul3A_10, %dma_wait3A] : memref<10240x128xf32, #tpu.memory_space<hbm>> -> memref<320x128xf32, #tpu.memory_space<hbm>>
      %dma_wait3A_36 = arith.constant 0 : i32
      %dma_wait3A_37 = tpu.memref_slice %arg2[%mul3A_10, %dma_wait3A_36] : memref<10240x128xf32, #tpu.memory_space<hbm>> -> memref<320x128xf32, #tpu.memory_space<hbm>>
      tpu.wait_dma2 semaphore(%run_scoped3A : memref<!tpu.dma_semaphore, #tpu.memory_space<semaphore_mem>>) src(%dma_wait3A_37 : memref<320x128xf32, #tpu.memory_space<hbm>>) dst(%arg14 : memref<320x128xf32, #tpu.memory_space<vmem>>)
      tpu.yield
    }) : () -> ()
    %barrier3A = arith.constant 0 : index
    tpu.barrier barrier_id(%barrier3A)
    %scan3A = arith.constant 0 : i32
    %scan3A_11 = arith.constant 0 : i32
    %scan3A_12 = arith.constant 8 : i32
    %scan3A_13 = arith.addi %scan3A_11, %scan3A_12 : i32
    %scan3A_14 = arith.constant 1 : i32
    scf.for %scan3A_32 = %scan3A_11 to %scan3A_13 step %scan3A_14  : i32 {
      %mul3A_33 = arith.constant 40 : i32
      %mul3A_34 = arith.muli %scan3A_32, %mul3A_33 : i32
      "tpu.region"() ({
        %run_scoped3A = tpu.sem_alloc : memref<!tpu.dma_semaphore, #tpu.memory_space<semaphore_mem>>
        %dma_start3A = arith.constant 0 : i32
        %dma_start3A_35 = tpu.memref_slice %arg14[%mul3A_34, %dma_start3A] : memref<320x128xf32, #tpu.memory_space<vmem>> -> memref<40x128xf32, #tpu.memory_space<vmem>>
        %dma_start3A_36 = arith.constant 0 : i32
        %dma_start3A_37 = tpu.memref_slice %arg12[%scan3A_32, %dma_start3A_36] : memref<8x40xi32, #tpu.memory_space<vmem>> -> memref<1x40xi32, #tpu.memory_space<vmem>>
        %dma_start3A_38 = tpu.memref_squeeze %dma_start3A_37 : memref<1x40xi32, #tpu.memory_space<vmem>> -> memref<40xi32, #tpu.memory_space<vmem>>
        %dma_start3A_39 = arith.constant 0 : i32
        %dma_start3A_40 = arith.constant 0 : i32
        %dma_start3A_41 = tpu.memref_slice %arg17[%dma_start3A_39, %dma_start3A_40] : memref<1024x128xf32, #tpu.memory_space<vmem_shared>> -> memref<1024x128xf32, #tpu.memory_space<vmem_shared>>
        tpu.enqueue_indirect_dma source(%dma_start3A_35 : memref<40x128xf32, #tpu.memory_space<vmem>>) target(%dma_start3A_41 : memref<1024x128xf32, #tpu.memory_space<vmem_shared>>) offsets(%dma_start3A_38 : memref<40xi32, #tpu.memory_space<vmem>>) semaphore(%run_scoped3A : memref<!tpu.dma_semaphore, #tpu.memory_space<semaphore_mem>>) {add = true}
        %dma_wait3A = arith.constant 0 : i32
        %dma_wait3A_42 = tpu.memref_slice %arg14[%mul3A_34, %dma_wait3A] : memref<320x128xf32, #tpu.memory_space<vmem>> -> memref<40x128xf32, #tpu.memory_space<vmem>>
        %dma_wait3A_43 = arith.constant 0 : i32
        %dma_wait3A_44 = tpu.memref_slice %arg12[%scan3A_32, %dma_wait3A_43] : memref<8x40xi32, #tpu.memory_space<vmem>> -> memref<1x40xi32, #tpu.memory_space<vmem>>
        %dma_wait3A_45 = tpu.memref_squeeze %dma_wait3A_44 : memref<1x40xi32, #tpu.memory_space<vmem>> -> memref<40xi32, #tpu.memory_space<vmem>>
        %dma_wait3A_46 = arith.constant 0 : i32
        %dma_wait3A_47 = arith.constant 0 : i32
        %dma_wait3A_48 = tpu.memref_slice %arg17[%dma_wait3A_46, %dma_wait3A_47] : memref<1024x128xf32, #tpu.memory_space<vmem_shared>> -> memref<1024x128xf32, #tpu.memory_space<vmem_shared>>
        tpu.wait_indirect_dma semaphore(%run_scoped3A : memref<!tpu.dma_semaphore, #tpu.memory_space<semaphore_mem>>) src(%dma_wait3A_42 : memref<40x128xf32, #tpu.memory_space<vmem>>) dst(%dma_wait3A_48 : memref<1024x128xf32, #tpu.memory_space<vmem_shared>>)
        tpu.yield
      }) : () -> ()
    }
    %scan3A_15 = arith.constant 8 : i32
    %broadcast_in_dim3A = arith.constant 1.000000e+00 : f32
    %broadcast_in_dim3A_16 = vector.broadcast %broadcast_in_dim3A : f32 to vector<16xf32>
    %mul3A_17 = arith.constant 320 : i32
    %mul3A_18 = arith.muli %add3A, %mul3A_17 : i32
    %scan3A_19 = arith.constant 0 : i32
    %scan3A_20 = arith.constant 0 : i32
    %scan3A_21 = arith.constant 20 : i32
    %scan3A_22 = arith.addi %scan3A_20, %scan3A_21 : i32
    %scan3A_23 = arith.constant 1 : i32
    scf.for %scan3A_32 = %scan3A_20 to %scan3A_22 step %scan3A_23  : i32 {
      %mul3A_33 = arith.constant 16 : i32
      %mul3A_34 = arith.muli %scan3A_32, %mul3A_33 : i32
      %get3A = arith.index_cast %mul3A_34 : i32 to index
      %get3A_35 = tpu.vector_load %arg11[%get3A] {strides = array<i32>} : memref<320xi32, #tpu.memory_space<vmem>>, vector<16xi32>,
      %mul3A_36 = arith.constant 16 : i32
      %mul3A_37 = arith.muli %scan3A_32, %mul3A_36 : i32
      %add3A_38 = arith.addi %mul3A_18, %mul3A_37 : i32
      %iota3A = tpu.iota {dimensions = array<i32: 0>} : vector<16xi32>
      %add3A_39 = vector.broadcast %add3A_38 : i32 to vector<16xi32>
      %add3A_40 = arith.addi %add3A_39, %iota3A : vector<16xi32>
      %lt3A = arith.constant 10000 : i32
      %lt3A_41 = vector.broadcast %lt3A : i32 to vector<16xi32>
      %lt3A_42 = arith.cmpi slt, %add3A_40, %lt3A_41 : vector<16xi32>
      %jit3A = arith.constant 1.000000e+00 : f32
      %jit3A_43 = arith.constant 0.000000e+00 : f32
      %broadcast_in_dim3A_44 = vector.broadcast %jit3A : f32 to vector<16xf32>
      %broadcast_in_dim3A_45 = vector.broadcast %jit3A_43 : f32 to vector<16xf32>
      %select_n3A = arith.select %lt3A_42, %broadcast_in_dim3A_44, %broadcast_in_dim3A_45 : vector<16xi1>, vector<16xf32>
      tpu.vector_store_idx %arg15[%get3A_35], %select_n3A {add = true} : memref<1024xf32, #tpu.memory_space<vmem>>[vector<16xi32>], vector<16xf32>,
    }
    %scan3A_24 = arith.constant 20 : i32
    %scan3A_25 = arith.constant 0 : i32
    %scan3A_26 = arith.constant 0 : i32
    %scan3A_27 = arith.constant 2 : i32
    %scan3A_28 = arith.addi %scan3A_26, %scan3A_27 : i32
    %scan3A_29 = arith.constant 1 : i32
    scf.for %scan3A_32 = %scan3A_26 to %scan3A_28 step %scan3A_29  : i32 {
      %mul3A_33 = arith.constant 128 : i32
      %mul3A_34 = arith.muli %scan3A_32, %mul3A_33 : i32
      %add3A_35 = arith.constant 0 : i32
      %add3A_36 = arith.addi %mul3A_34, %add3A_35 : i32
      %get3A = arith.index_cast %add3A_36 : i32 to index
      %get3A_37 = tpu.vector_load %arg13[%get3A] {strides = array<i32>} : memref<256xi32, #tpu.memory_space<vmem>>, vector<16xi32>,
      tpu.vector_store_idx %arg16[%get3A_37], %broadcast_in_dim3A_16 {add = true} : memref<1024xf32, #tpu.memory_space<vmem>>[vector<16xi32>], vector<16xf32>,
      %mul3A_38 = arith.constant 128 : i32
      %mul3A_39 = arith.muli %scan3A_32, %mul3A_38 : i32
      %add3A_40 = arith.constant 16 : i32
      %add3A_41 = arith.addi %mul3A_39, %add3A_40 : i32
      %get3A_42 = arith.index_cast %add3A_41 : i32 to index
      %get3A_43 = tpu.vector_load %arg13[%get3A_42] {strides = array<i32>} : memref<256xi32, #tpu.memory_space<vmem>>, vector<16xi32>,
      tpu.vector_store_idx %arg16[%get3A_43], %broadcast_in_dim3A_16 {add = true} : memref<1024xf32, #tpu.memory_space<vmem>>[vector<16xi32>], vector<16xf32>,
      %mul3A_44 = arith.constant 128 : i32
      %mul3A_45 = arith.muli %scan3A_32, %mul3A_44 : i32
      %add3A_46 = arith.constant 32 : i32
      %add3A_47 = arith.addi %mul3A_45, %add3A_46 : i32
      %get3A_48 = arith.index_cast %add3A_47 : i32 to index
      %get3A_49 = tpu.vector_load %arg13[%get3A_48] {strides = array<i32>} : memref<256xi32, #tpu.memory_space<vmem>>, vector<16xi32>,
      tpu.vector_store_idx %arg16[%get3A_49], %broadcast_in_dim3A_16 {add = true} : memref<1024xf32, #tpu.memory_space<vmem>>[vector<16xi32>], vector<16xf32>,
      %mul3A_50 = arith.constant 128 : i32
      %mul3A_51 = arith.muli %scan3A_32, %mul3A_50 : i32
      %add3A_52 = arith.constant 48 : i32
      %add3A_53 = arith.addi %mul3A_51, %add3A_52 : i32
      %get3A_54 = arith.index_cast %add3A_53 : i32 to index
      %get3A_55 = tpu.vector_load %arg13[%get3A_54] {strides = array<i32>} : memref<256xi32, #tpu.memory_space<vmem>>, vector<16xi32>,
      tpu.vector_store_idx %arg16[%get3A_55], %broadcast_in_dim3A_16 {add = true} : memref<1024xf32, #tpu.memory_space<vmem>>[vector<16xi32>], vector<16xf32>,
      %mul3A_56 = arith.constant 128 : i32
      %mul3A_57 = arith.muli %scan3A_32, %mul3A_56 : i32
      %add3A_58 = arith.constant 64 : i32
      %add3A_59 = arith.addi %mul3A_57, %add3A_58 : i32
      %get3A_60 = arith.index_cast %add3A_59 : i32 to index
      %get3A_61 = tpu.vector_load %arg13[%get3A_60] {strides = array<i32>} : memref<256xi32, #tpu.memory_space<vmem>>, vector<16xi32>,
      tpu.vector_store_idx %arg16[%get3A_61], %broadcast_in_dim3A_16 {add = true} : memref<1024xf32, #tpu.memory_space<vmem>>[vector<16xi32>], vector<16xf32>,
      %mul3A_62 = arith.constant 128 : i32
      %mul3A_63 = arith.muli %scan3A_32, %mul3A_62 : i32
      %add3A_64 = arith.constant 80 : i32
      %add3A_65 = arith.addi %mul3A_63, %add3A_64 : i32
      %get3A_66 = arith.index_cast %add3A_65 : i32 to index
      %get3A_67 = tpu.vector_load %arg13[%get3A_66] {strides = array<i32>} : memref<256xi32, #tpu.memory_space<vmem>>, vector<16xi32>,
      tpu.vector_store_idx %arg16[%get3A_67], %broadcast_in_dim3A_16 {add = true} : memref<1024xf32, #tpu.memory_space<vmem>>[vector<16xi32>], vector<16xf32>,
      %mul3A_68 = arith.constant 128 : i32
      %mul3A_69 = arith.muli %scan3A_32, %mul3A_68 : i32
      %add3A_70 = arith.constant 96 : i32
      %add3A_71 = arith.addi %mul3A_69, %add3A_70 : i32
      %get3A_72 = arith.index_cast %add3A_71 : i32 to index
      %get3A_73 = tpu.vector_load %arg13[%get3A_72] {strides = array<i32>} : memref<256xi32, #tpu.memory_space<vmem>>, vector<16xi32>,
      tpu.vector_store_idx %arg16[%get3A_73], %broadcast_in_dim3A_16 {add = true} : memref<1024xf32, #tpu.memory_space<vmem>>[vector<16xi32>], vector<16xf32>,
      %mul3A_74 = arith.constant 128 : i32
      %mul3A_75 = arith.muli %scan3A_32, %mul3A_74 : i32
      %add3A_76 = arith.constant 112 : i32
      %add3A_77 = arith.addi %mul3A_75, %add3A_76 : i32
      %get3A_78 = arith.index_cast %add3A_77 : i32 to index
      %get3A_79 = tpu.vector_load %arg13[%get3A_78] {strides = array<i32>} : memref<256xi32, #tpu.memory_space<vmem>>, vector<16xi32>,
      tpu.vector_store_idx %arg16[%get3A_79], %broadcast_in_dim3A_16 {add = true} : memref<1024xf32, #tpu.memory_space<vmem>>[vector<16xi32>], vector<16xf32>,
    }
    %scan3A_30 = arith.constant 2 : i32
    %barrier3A_31 = arith.constant 0 : index
    tpu.barrier barrier_id(%barrier3A_31)
    "tpu.region"() ({
      %run_scoped3A = tpu.sem_alloc : memref<!tpu.dma_semaphore, #tpu.memory_space<semaphore_mem>>
      %dma_start3A = arith.constant 0 : i32
      %dma_start3A_32 = tpu.memref_slice %arg8[%arg0, %mul3A_2, %dma_start3A] : memref<2x1024x128xf32, #tpu.memory_space<hbm>> -> memref<1x64x128xf32, #tpu.memory_space<hbm>>
      %dma_start3A_33 = tpu.memref_squeeze %dma_start3A_32 : memref<1x64x128xf32, #tpu.memory_space<hbm>> -> memref<64x128xf32, #tpu.memory_space<hbm>>
      %dma_start3A_34 = arith.constant 0 : i32
      %dma_start3A_35 = tpu.memref_slice %arg17[%mul3A_2, %dma_start3A_34] : memref<1024x128xf32, #tpu.memory_space<vmem_shared>> -> memref<64x128xf32, #tpu.memory_space<vmem_shared>>
      tpu.enqueue_dma source(%dma_start3A_35 : memref<64x128xf32, #tpu.memory_space<vmem_shared>>) target(%dma_start3A_33 : memref<64x128xf32, #tpu.memory_space<hbm>>) target_semaphore(%run_scoped3A : memref<!tpu.dma_semaphore, #tpu.memory_space<semaphore_mem>>)
      %dma_wait3A = arith.constant 0 : i32
      %dma_wait3A_36 = tpu.memref_slice %arg8[%arg0, %mul3A_2, %dma_wait3A] : memref<2x1024x128xf32, #tpu.memory_space<hbm>> -> memref<1x64x128xf32, #tpu.memory_space<hbm>>
      %dma_wait3A_37 = tpu.memref_squeeze %dma_wait3A_36 : memref<1x64x128xf32, #tpu.memory_space<hbm>> -> memref<64x128xf32, #tpu.memory_space<hbm>>
      %dma_wait3A_38 = arith.constant 0 : i32
      %dma_wait3A_39 = tpu.memref_slice %arg17[%mul3A_2, %dma_wait3A_38] : memref<1024x128xf32, #tpu.memory_space<vmem_shared>> -> memref<64x128xf32, #tpu.memory_space<vmem_shared>>
      tpu.wait_dma2 semaphore(%run_scoped3A : memref<!tpu.dma_semaphore, #tpu.memory_space<semaphore_mem>>) src(%dma_wait3A_39 : memref<64x128xf32, #tpu.memory_space<vmem_shared>>) dst(%dma_wait3A_37 : memref<64x128xf32, #tpu.memory_space<hbm>>)
      tpu.yield
    }) : () -> ()
    "tpu.region"() ({
      %run_scoped3A = tpu.sem_alloc : memref<!tpu.dma_semaphore, #tpu.memory_space<semaphore_mem>>
      %dma_start3A = arith.constant 0 : i32
      %dma_start3A_32 = tpu.memref_slice %arg9[%add3A, %dma_start3A] : memref<32x1024xf32, #tpu.memory_space<hbm>> -> memref<1x1024xf32, #tpu.memory_space<hbm>>
      %dma_start3A_33 = tpu.memref_squeeze %dma_start3A_32 : memref<1x1024xf32, #tpu.memory_space<hbm>> -> memref<1024xf32, #tpu.memory_space<hbm>>
      %dma_start3A_34 = arith.constant 0 : i32
      %dma_start3A_35 = tpu.memref_slice %arg9[%add3A, %dma_start3A_34] : memref<32x1024xf32, #tpu.memory_space<hbm>> -> memref<1x1024xf32, #tpu.memory_space<hbm>>
      %dma_start3A_36 = tpu.memref_squeeze %dma_start3A_35 : memref<1x1024xf32, #tpu.memory_space<hbm>> -> memref<1024xf32, #tpu.memory_space<hbm>>
      tpu.enqueue_dma source(%arg15 : memref<1024xf32, #tpu.memory_space<vmem>>) target(%dma_start3A_36 : memref<1024xf32, #tpu.memory_space<hbm>>) target_semaphore(%run_scoped3A : memref<!tpu.dma_semaphore, #tpu.memory_space<semaphore_mem>>)
      %dma_wait3A = arith.constant 0 : i32
      %dma_wait3A_37 = tpu.memref_slice %arg9[%add3A, %dma_wait3A] : memref<32x1024xf32, #tpu.memory_space<hbm>> -> memref<1x1024xf32, #tpu.memory_space<hbm>>
      %dma_wait3A_38 = tpu.memref_squeeze %dma_wait3A_37 : memref<1x1024xf32, #tpu.memory_space<hbm>> -> memref<1024xf32, #tpu.memory_space<hbm>>
      %dma_wait3A_39 = arith.constant 0 : i32
      %dma_wait3A_40 = tpu.memref_slice %arg9[%add3A, %dma_wait3A_39] : memref<32x1024xf32, #tpu.memory_space<hbm>> -> memref<1x1024xf32, #tpu.memory_space<hbm>>
      %dma_wait3A_41 = tpu.memref_squeeze %dma_wait3A_40 : memref<1x1024xf32, #tpu.memory_space<hbm>> -> memref<1024xf32, #tpu.memory_space<hbm>>
      tpu.wait_dma2 semaphore(%run_scoped3A : memref<!tpu.dma_semaphore, #tpu.memory_space<semaphore_mem>>) src(%arg15 : memref<1024xf32, #tpu.memory_space<vmem>>) dst(%dma_wait3A_41 : memref<1024xf32, #tpu.memory_space<hbm>>)
      tpu.yield
    }) : () -> ()
    "tpu.region"() ({
      %run_scoped3A = tpu.sem_alloc : memref<!tpu.dma_semaphore, #tpu.memory_space<semaphore_mem>>
      %dma_start3A = arith.constant 0 : i32
      %dma_start3A_32 = tpu.memref_slice %arg10[%add3A, %dma_start3A] : memref<32x1024xf32, #tpu.memory_space<hbm>> -> memref<1x1024xf32, #tpu.memory_space<hbm>>
      %dma_start3A_33 = tpu.memref_squeeze %dma_start3A_32 : memref<1x1024xf32, #tpu.memory_space<hbm>> -> memref<1024xf32, #tpu.memory_space<hbm>>
      %dma_start3A_34 = arith.constant 0 : i32
      %dma_start3A_35 = tpu.memref_slice %arg10[%add3A, %dma_start3A_34] : memref<32x1024xf32, #tpu.memory_space<hbm>> -> memref<1x1024xf32, #tpu.memory_space<hbm>>
      %dma_start3A_36 = tpu.memref_squeeze %dma_start3A_35 : memref<1x1024xf32, #tpu.memory_space<hbm>> -> memref<1024xf32, #tpu.memory_space<hbm>>
      tpu.enqueue_dma source(%arg16 : memref<1024xf32, #tpu.memory_space<vmem>>) target(%dma_start3A_36 : memref<1024xf32, #tpu.memory_space<hbm>>) target_semaphore(%run_scoped3A : memref<!tpu.dma_semaphore, #tpu.memory_space<semaphore_mem>>)
      %dma_wait3A = arith.constant 0 : i32
      %dma_wait3A_37 = tpu.memref_slice %arg10[%add3A, %dma_wait3A] : memref<32x1024xf32, #tpu.memory_space<hbm>> -> memref<1x1024xf32, #tpu.memory_space<hbm>>
      %dma_wait3A_38 = tpu.memref_squeeze %dma_wait3A_37 : memref<1x1024xf32, #tpu.memory_space<hbm>> -> memref<1024xf32, #tpu.memory_space<hbm>>
      %dma_wait3A_39 = arith.constant 0 : i32
      %dma_wait3A_40 = tpu.memref_slice %arg10[%add3A, %dma_wait3A_39] : memref<32x1024xf32, #tpu.memory_space<hbm>> -> memref<1x1024xf32, #tpu.memory_space<hbm>>
      %dma_wait3A_41 = tpu.memref_squeeze %dma_wait3A_40 : memref<1x1024xf32, #tpu.memory_space<hbm>> -> memref<1024xf32, #tpu.memory_space<hbm>>
      tpu.wait_dma2 semaphore(%run_scoped3A : memref<!tpu.dma_semaphore, #tpu.memory_space<semaphore_mem>>) src(%arg16 : memref<1024xf32, #tpu.memory_space<vmem>>) dst(%dma_wait3A_41 : memref<1024xf32, #tpu.memory_space<hbm>>)
      tpu.yield
    }) : () -> ()
    return
  }
}

#map = affine_map<(d0, d1) -> (0, 0)>
#map1 = affine_map<(d0, d1) -> (0)>
#map2 = affine_map<(d0, d1) -> (0, 0, 0)>
module attributes {stable_mosaic.version = 14 : i64} {
  func.func @_sc_edge_pass_body(%arg0: i32, %arg1: i32, %arg2: memref<10240x128xf32, #tpu.memory_space<hbm>>, %arg3: memref<327680xi32, #tpu.memory_space<hbm>>, %arg4: memref<327680xi32, #tpu.memory_space<hbm>>, %arg5: memref<10240x128xf32, #tpu.memory_space<hbm>>, %arg6: memref<2x10240x128xf32, #tpu.memory_space<hbm>>, %arg7: memref<2x128xi32, #tpu.memory_space<vmem>>, %arg8: memref<2x128xi32, #tpu.memory_space<vmem>>, %arg9: memref<2x128x128xf32, #tpu.memory_space<vmem>>, %arg10: memref<10240x128xf32, #tpu.memory_space<vmem_shared>>, %arg11: memref<2x!tpu.dma_semaphore, #tpu.memory_space<semaphore_mem>>) attributes {dimension_semantics = [#tpu.dimension_semantics<core_parallel>, #tpu.dimension_semantics<subcore_parallel>], iteration_bounds = array<i64: 2, 16>, scalar_prefetch = 0 : i64, scratch_operands = 5 : i64, tpu.core_type = #tpu.core_type<sc_vector_subcore>, window_params = [{transform_indices = #map}, {transform_indices = #map1}, {transform_indices = #map1}, {transform_indices = #map}, {transform_indices = #map2}]} {
    %mul3A = arith.constant 16 : i32
    %mul3A_0 = arith.muli %arg0, %mul3A : i32
    %add3A = arith.addi %mul3A_0, %arg1 : i32
    %mul3A_1 = arith.constant 640 : i32
    %mul3A_2 = arith.muli %arg1, %mul3A_1 : i32
    "tpu.region"() ({
      %run_scoped3A_36 = tpu.sem_alloc : memref<!tpu.dma_semaphore, #tpu.memory_space<semaphore_mem>>
      %dma_start3A_37 = arith.constant 0 : i32
      %dma_start3A_38 = tpu.memref_slice %arg10[%mul3A_2, %dma_start3A_37] : memref<10240x128xf32, #tpu.memory_space<vmem_shared>> -> memref<640x128xf32, #tpu.memory_space<vmem_shared>>
      %dma_start3A_39 = arith.constant 0 : i32
      %dma_start3A_40 = tpu.memref_slice %arg5[%mul3A_2, %dma_start3A_39] : memref<10240x128xf32, #tpu.memory_space<hbm>> -> memref<640x128xf32, #tpu.memory_space<hbm>>
      tpu.enqueue_dma source(%dma_start3A_40 : memref<640x128xf32, #tpu.memory_space<hbm>>) target(%dma_start3A_38 : memref<640x128xf32, #tpu.memory_space<vmem_shared>>) target_semaphore(%run_scoped3A_36 : memref<!tpu.dma_semaphore, #tpu.memory_space<semaphore_mem>>)
      %dma_wait3A = arith.constant 0 : i32
      %dma_wait3A_41 = tpu.memref_slice %arg10[%mul3A_2, %dma_wait3A] : memref<10240x128xf32, #tpu.memory_space<vmem_shared>> -> memref<640x128xf32, #tpu.memory_space<vmem_shared>>
      %dma_wait3A_42 = arith.constant 0 : i32
      %dma_wait3A_43 = tpu.memref_slice %arg5[%mul3A_2, %dma_wait3A_42] : memref<10240x128xf32, #tpu.memory_space<hbm>> -> memref<640x128xf32, #tpu.memory_space<hbm>>
      tpu.wait_dma2 semaphore(%run_scoped3A_36 : memref<!tpu.dma_semaphore, #tpu.memory_space<semaphore_mem>>) src(%dma_wait3A_43 : memref<640x128xf32, #tpu.memory_space<hbm>>) dst(%dma_wait3A_41 : memref<640x128xf32, #tpu.memory_space<vmem_shared>>)
      tpu.yield
    }) : () -> ()
    %barrier3A = arith.constant 0 : index
    tpu.barrier barrier_id(%barrier3A)
    %lt3A = arith.constant 4 : i32
    %lt3A_3 = arith.cmpi slt, %add3A, %lt3A : i32
    %jit3A = arith.constant 1 : i32
    %jit3A_4 = arith.constant 0 : i32
    %select_n3A = arith.select %lt3A_3, %jit3A, %jit3A_4 : i32
    %add3A_5 = arith.constant 78 : i32
    %add3A_6 = arith.addi %add3A_5, %select_n3A : i32
    %add3A_7 = arith.constant 0 : i32
    %add3A_8 = arith.addi %add3A, %add3A_7 : i32
    %mul3A_9 = arith.constant 128 : i32
    %mul3A_10 = arith.muli %add3A_8, %mul3A_9 : i32
    %run_scoped3A = arith.constant 0 : i32
    "tpu.region"() ({
      %run_scoped3A_36 = tpu.sem_alloc : memref<!tpu.dma_semaphore, #tpu.memory_space<semaphore_mem>>
      %dma_start3A_37 = arith.constant 0 : i32
      %dma_start3A_38 = tpu.memref_slice %arg7[%run_scoped3A, %dma_start3A_37] : memref<2x128xi32, #tpu.memory_space<vmem>> -> memref<1x128xi32, #tpu.memory_space<vmem>>
      %dma_start3A_39 = tpu.memref_squeeze %dma_start3A_38 : memref<1x128xi32, #tpu.memory_space<vmem>> -> memref<128xi32, #tpu.memory_space<vmem>>
      %dma_start3A_40 = tpu.memref_slice %arg3[%mul3A_10] : memref<327680xi32, #tpu.memory_space<hbm>> -> memref<128xi32, #tpu.memory_space<hbm>>
      %dma_start3A_41 = arith.constant 0 : i32
      %dma_start3A_42 = tpu.memref_slice %arg7[%run_scoped3A, %dma_start3A_41] : memref<2x128xi32, #tpu.memory_space<vmem>> -> memref<1x128xi32, #tpu.memory_space<vmem>>
      %dma_start3A_43 = tpu.memref_squeeze %dma_start3A_42 : memref<1x128xi32, #tpu.memory_space<vmem>> -> memref<128xi32, #tpu.memory_space<vmem>>
      %dma_start3A_44 = tpu.memref_slice %arg3[%mul3A_10] : memref<327680xi32, #tpu.memory_space<hbm>> -> memref<128xi32, #tpu.memory_space<hbm>>
      tpu.enqueue_dma source(%dma_start3A_44 : memref<128xi32, #tpu.memory_space<hbm>>) target(%dma_start3A_43 : memref<128xi32, #tpu.memory_space<vmem>>) target_semaphore(%run_scoped3A_36 : memref<!tpu.dma_semaphore, #tpu.memory_space<semaphore_mem>>)
      %dma_wait3A = arith.constant 0 : i32
      %dma_wait3A_45 = tpu.memref_slice %arg7[%run_scoped3A, %dma_wait3A] : memref<2x128xi32, #tpu.memory_space<vmem>> -> memref<1x128xi32, #tpu.memory_space<vmem>>
      %dma_wait3A_46 = tpu.memref_squeeze %dma_wait3A_45 : memref<1x128xi32, #tpu.memory_space<vmem>> -> memref<128xi32, #tpu.memory_space<vmem>>
      %dma_wait3A_47 = tpu.memref_slice %arg3[%mul3A_10] : memref<327680xi32, #tpu.memory_space<hbm>> -> memref<128xi32, #tpu.memory_space<hbm>>
      %dma_wait3A_48 = arith.constant 0 : i32
      %dma_wait3A_49 = tpu.memref_slice %arg7[%run_scoped3A, %dma_wait3A_48] : memref<2x128xi32, #tpu.memory_space<vmem>> -> memref<1x128xi32, #tpu.memory_space<vmem>>
      %dma_wait3A_50 = tpu.memref_squeeze %dma_wait3A_49 : memref<1x128xi32, #tpu.memory_space<vmem>> -> memref<128xi32, #tpu.memory_space<vmem>>
      %dma_wait3A_51 = tpu.memref_slice %arg3[%mul3A_10] : memref<327680xi32, #tpu.memory_space<hbm>> -> memref<128xi32, #tpu.memory_space<hbm>>
      tpu.wait_dma2 semaphore(%run_scoped3A_36 : memref<!tpu.dma_semaphore, #tpu.memory_space<semaphore_mem>>) src(%dma_wait3A_51 : memref<128xi32, #tpu.memory_space<hbm>>) dst(%dma_wait3A_50 : memref<128xi32, #tpu.memory_space<vmem>>)
      tpu.yield
    }) : () -> ()
    %run_scoped3A_11 = arith.constant 0 : i32
    "tpu.region"() ({
      %run_scoped3A_36 = tpu.sem_alloc : memref<!tpu.dma_semaphore, #tpu.memory_space<semaphore_mem>>
      %dma_start3A_37 = arith.constant 0 : i32
      %dma_start3A_38 = tpu.memref_slice %arg8[%run_scoped3A_11, %dma_start3A_37] : memref<2x128xi32, #tpu.memory_space<vmem>> -> memref<1x128xi32, #tpu.memory_space<vmem>>
      %dma_start3A_39 = tpu.memref_squeeze %dma_start3A_38 : memref<1x128xi32, #tpu.memory_space<vmem>> -> memref<128xi32, #tpu.memory_space<vmem>>
      %dma_start3A_40 = tpu.memref_slice %arg4[%mul3A_10] : memref<327680xi32, #tpu.memory_space<hbm>> -> memref<128xi32, #tpu.memory_space<hbm>>
      %dma_start3A_41 = arith.constant 0 : i32
      %dma_start3A_42 = tpu.memref_slice %arg8[%run_scoped3A_11, %dma_start3A_41] : memref<2x128xi32, #tpu.memory_space<vmem>> -> memref<1x128xi32, #tpu.memory_space<vmem>>
      %dma_start3A_43 = tpu.memref_squeeze %dma_start3A_42 : memref<1x128xi32, #tpu.memory_space<vmem>> -> memref<128xi32, #tpu.memory_space<vmem>>
      %dma_start3A_44 = tpu.memref_slice %arg4[%mul3A_10] : memref<327680xi32, #tpu.memory_space<hbm>> -> memref<128xi32, #tpu.memory_space<hbm>>
      tpu.enqueue_dma source(%dma_start3A_44 : memref<128xi32, #tpu.memory_space<hbm>>) target(%dma_start3A_43 : memref<128xi32, #tpu.memory_space<vmem>>) target_semaphore(%run_scoped3A_36 : memref<!tpu.dma_semaphore, #tpu.memory_space<semaphore_mem>>)
      %dma_wait3A = arith.constant 0 : i32
      %dma_wait3A_45 = tpu.memref_slice %arg8[%run_scoped3A_11, %dma_wait3A] : memref<2x128xi32, #tpu.memory_space<vmem>> -> memref<1x128xi32, #tpu.memory_space<vmem>>
      %dma_wait3A_46 = tpu.memref_squeeze %dma_wait3A_45 : memref<1x128xi32, #tpu.memory_space<vmem>> -> memref<128xi32, #tpu.memory_space<vmem>>
      %dma_wait3A_47 = tpu.memref_slice %arg4[%mul3A_10] : memref<327680xi32, #tpu.memory_space<hbm>> -> memref<128xi32, #tpu.memory_space<hbm>>
      %dma_wait3A_48 = arith.constant 0 : i32
      %dma_wait3A_49 = tpu.memref_slice %arg8[%run_scoped3A_11, %dma_wait3A_48] : memref<2x128xi32, #tpu.memory_space<vmem>> -> memref<1x128xi32, #tpu.memory_space<vmem>>
      %dma_wait3A_50 = tpu.memref_squeeze %dma_wait3A_49 : memref<1x128xi32, #tpu.memory_space<vmem>> -> memref<128xi32, #tpu.memory_space<vmem>>
      %dma_wait3A_51 = tpu.memref_slice %arg4[%mul3A_10] : memref<327680xi32, #tpu.memory_space<hbm>> -> memref<128xi32, #tpu.memory_space<hbm>>
      tpu.wait_dma2 semaphore(%run_scoped3A_36 : memref<!tpu.dma_semaphore, #tpu.memory_space<semaphore_mem>>) src(%dma_wait3A_51 : memref<128xi32, #tpu.memory_space<hbm>>) dst(%dma_wait3A_50 : memref<128xi32, #tpu.memory_space<vmem>>)
      tpu.yield
    }) : () -> ()
    %dma_start3A = arith.constant 0 : i32
    %dma_start3A_12 = arith.constant 0 : i32
    %dma_start3A_13 = arith.constant 0 : i32
    %dma_start3A_14 = arith.constant 0 : i32
    %dma_start3A_15 = arith.constant 0 : i32
    %dma_start3A_16 = tpu.memref_slice %arg9[%dma_start3A_12, %dma_start3A_14, %dma_start3A_15] : memref<2x128x128xf32, #tpu.memory_space<vmem>> -> memref<1x128x128xf32, #tpu.memory_space<vmem>>
    %dma_start3A_17 = tpu.memref_squeeze %dma_start3A_16 : memref<1x128x128xf32, #tpu.memory_space<vmem>> -> memref<128x128xf32, #tpu.memory_space<vmem>>
    %dma_start3A_18 = arith.constant 0 : i32
    %dma_start3A_19 = tpu.memref_slice %arg7[%dma_start3A, %dma_start3A_18] : memref<2x128xi32, #tpu.memory_space<vmem>> -> memref<1x128xi32, #tpu.memory_space<vmem>>
    %dma_start3A_20 = tpu.memref_squeeze %dma_start3A_19 : memref<1x128xi32, #tpu.memory_space<vmem>> -> memref<128xi32, #tpu.memory_space<vmem>>
    %dma_start3A_21 = arith.constant 0 : i32
    %dma_start3A_22 = arith.constant 0 : i32
    %dma_start3A_23 = tpu.memref_slice %arg2[%dma_start3A_21, %dma_start3A_22] : memref<10240x128xf32, #tpu.memory_space<hbm>> -> memref<10240x128xf32, #tpu.memory_space<hbm>>
    %dma_start3A_24 = tpu.memref_slice %arg11[%dma_start3A_13] : memref<2x!tpu.dma_semaphore, #tpu.memory_space<semaphore_mem>> -> memref<1x!tpu.dma_semaphore, #tpu.memory_space<semaphore_mem>>
    %dma_start3A_25 = tpu.memref_squeeze %dma_start3A_24 : memref<1x!tpu.dma_semaphore, #tpu.memory_space<semaphore_mem>> -> memref<!tpu.dma_semaphore, #tpu.memory_space<semaphore_mem>>
    tpu.enqueue_indirect_dma source(%dma_start3A_23 : memref<10240x128xf32, #tpu.memory_space<hbm>>) target(%dma_start3A_17 : memref<128x128xf32, #tpu.memory_space<vmem>>) offsets(%dma_start3A_20 : memref<128xi32, #tpu.memory_space<vmem>>) semaphore(%dma_start3A_25 : memref<!tpu.dma_semaphore, #tpu.memory_space<semaphore_mem>>)
    %while3A = arith.constant 0 : i32
    %while3A_26 = arith.constant 0 : i32
    %while3A_27 = arith.subi %add3A_6, %while3A_26 : i32
    %while3A_28 = arith.addi %while3A_26, %while3A_27 : i32
    %while3A_29 = arith.constant 1 : i32
    %while3A_30 = arith.divsi %while3A_27, %while3A_29 : i32
    %while3A_31 = arith.muli %while3A_30, %while3A_29 : i32
    %while3A_32 = arith.addi %while3A_26, %while3A_31 : i32
    %while3A_33 = arith.constant 1 : i32
    scf.for %while3A_36 = %while3A_26 to %while3A_32 step %while3A_33  : i32 {
      %rem3A = arith.constant 2 : i32
      %rem3A_37 = arith.remsi %while3A_36, %rem3A : i32
      %add3A_38 = arith.constant 1 : i32
      %add3A_39 = arith.addi %while3A_36, %add3A_38 : i32
      %rem3A_40 = arith.constant 2 : i32
      %rem3A_41 = arith.remsi %add3A_39, %rem3A_40 : i32
      %add3A_42 = arith.constant 1 : i32
      %add3A_43 = arith.addi %while3A_36, %add3A_42 : i32
      %lt3A_44 = arith.cmpi slt, %add3A_43, %add3A_6 : i32
      %convert_element_type3A = arith.extui %lt3A_44 : i1 to i32
      %cond3A = arith.constant 0 : i32
      %cond3A_45 = arith.cmpi ne, %convert_element_type3A, %cond3A : i32
      scf.if %cond3A_45 {
        %add3A_57 = arith.constant 1 : i32
        %add3A_58 = arith.addi %while3A_36, %add3A_57 : i32
        %mul3A_59 = arith.constant 32 : i32
        %mul3A_60 = arith.muli %add3A_58, %mul3A_59 : i32
        %add3A_61 = arith.addi %add3A, %mul3A_60 : i32
        %mul3A_62 = arith.constant 128 : i32
        %mul3A_63 = arith.muli %add3A_61, %mul3A_62 : i32
        "tpu.region"() ({
          %run_scoped3A_76 = tpu.sem_alloc : memref<!tpu.dma_semaphore, #tpu.memory_space<semaphore_mem>>
          %dma_start3A_77 = arith.constant 0 : i32
          %dma_start3A_78 = tpu.memref_slice %arg7[%rem3A_41, %dma_start3A_77] : memref<2x128xi32, #tpu.memory_space<vmem>> -> memref<1x128xi32, #tpu.memory_space<vmem>>
          %dma_start3A_79 = tpu.memref_squeeze %dma_start3A_78 : memref<1x128xi32, #tpu.memory_space<vmem>> -> memref<128xi32, #tpu.memory_space<vmem>>
          %dma_start3A_80 = tpu.memref_slice %arg3[%mul3A_63] : memref<327680xi32, #tpu.memory_space<hbm>> -> memref<128xi32, #tpu.memory_space<hbm>>
          %dma_start3A_81 = arith.constant 0 : i32
          %dma_start3A_82 = tpu.memref_slice %arg7[%rem3A_41, %dma_start3A_81] : memref<2x128xi32, #tpu.memory_space<vmem>> -> memref<1x128xi32, #tpu.memory_space<vmem>>
          %dma_start3A_83 = tpu.memref_squeeze %dma_start3A_82 : memref<1x128xi32, #tpu.memory_space<vmem>> -> memref<128xi32, #tpu.memory_space<vmem>>
          %dma_start3A_84 = tpu.memref_slice %arg3[%mul3A_63] : memref<327680xi32, #tpu.memory_space<hbm>> -> memref<128xi32, #tpu.memory_space<hbm>>
          tpu.enqueue_dma source(%dma_start3A_84 : memref<128xi32, #tpu.memory_space<hbm>>) target(%dma_start3A_83 : memref<128xi32, #tpu.memory_space<vmem>>) target_semaphore(%run_scoped3A_76 : memref<!tpu.dma_semaphore, #tpu.memory_space<semaphore_mem>>)
          %dma_wait3A_85 = arith.constant 0 : i32
          %dma_wait3A_86 = tpu.memref_slice %arg7[%rem3A_41, %dma_wait3A_85] : memref<2x128xi32, #tpu.memory_space<vmem>> -> memref<1x128xi32, #tpu.memory_space<vmem>>
          %dma_wait3A_87 = tpu.memref_squeeze %dma_wait3A_86 : memref<1x128xi32, #tpu.memory_space<vmem>> -> memref<128xi32, #tpu.memory_space<vmem>>
          %dma_wait3A_88 = tpu.memref_slice %arg3[%mul3A_63] : memref<327680xi32, #tpu.memory_space<hbm>> -> memref<128xi32, #tpu.memory_space<hbm>>
          %dma_wait3A_89 = arith.constant 0 : i32
          %dma_wait3A_90 = tpu.memref_slice %arg7[%rem3A_41, %dma_wait3A_89] : memref<2x128xi32, #tpu.memory_space<vmem>> -> memref<1x128xi32, #tpu.memory_space<vmem>>
          %dma_wait3A_91 = tpu.memref_squeeze %dma_wait3A_90 : memref<1x128xi32, #tpu.memory_space<vmem>> -> memref<128xi32, #tpu.memory_space<vmem>>
          %dma_wait3A_92 = tpu.memref_slice %arg3[%mul3A_63] : memref<327680xi32, #tpu.memory_space<hbm>> -> memref<128xi32, #tpu.memory_space<hbm>>
          tpu.wait_dma2 semaphore(%run_scoped3A_76 : memref<!tpu.dma_semaphore, #tpu.memory_space<semaphore_mem>>) src(%dma_wait3A_92 : memref<128xi32, #tpu.memory_space<hbm>>) dst(%dma_wait3A_91 : memref<128xi32, #tpu.memory_space<vmem>>)
          tpu.yield
        }) : () -> ()
        "tpu.region"() ({
          %run_scoped3A_76 = tpu.sem_alloc : memref<!tpu.dma_semaphore, #tpu.memory_space<semaphore_mem>>
          %dma_start3A_77 = arith.constant 0 : i32
          %dma_start3A_78 = tpu.memref_slice %arg8[%rem3A_41, %dma_start3A_77] : memref<2x128xi32, #tpu.memory_space<vmem>> -> memref<1x128xi32, #tpu.memory_space<vmem>>
          %dma_start3A_79 = tpu.memref_squeeze %dma_start3A_78 : memref<1x128xi32, #tpu.memory_space<vmem>> -> memref<128xi32, #tpu.memory_space<vmem>>
          %dma_start3A_80 = tpu.memref_slice %arg4[%mul3A_63] : memref<327680xi32, #tpu.memory_space<hbm>> -> memref<128xi32, #tpu.memory_space<hbm>>
          %dma_start3A_81 = arith.constant 0 : i32
          %dma_start3A_82 = tpu.memref_slice %arg8[%rem3A_41, %dma_start3A_81] : memref<2x128xi32, #tpu.memory_space<vmem>> -> memref<1x128xi32, #tpu.memory_space<vmem>>
          %dma_start3A_83 = tpu.memref_squeeze %dma_start3A_82 : memref<1x128xi32, #tpu.memory_space<vmem>> -> memref<128xi32, #tpu.memory_space<vmem>>
          %dma_start3A_84 = tpu.memref_slice %arg4[%mul3A_63] : memref<327680xi32, #tpu.memory_space<hbm>> -> memref<128xi32, #tpu.memory_space<hbm>>
          tpu.enqueue_dma source(%dma_start3A_84 : memref<128xi32, #tpu.memory_space<hbm>>) target(%dma_start3A_83 : memref<128xi32, #tpu.memory_space<vmem>>) target_semaphore(%run_scoped3A_76 : memref<!tpu.dma_semaphore, #tpu.memory_space<semaphore_mem>>)
          %dma_wait3A_85 = arith.constant 0 : i32
          %dma_wait3A_86 = tpu.memref_slice %arg8[%rem3A_41, %dma_wait3A_85] : memref<2x128xi32, #tpu.memory_space<vmem>> -> memref<1x128xi32, #tpu.memory_space<vmem>>
          %dma_wait3A_87 = tpu.memref_squeeze %dma_wait3A_86 : memref<1x128xi32, #tpu.memory_space<vmem>> -> memref<128xi32, #tpu.memory_space<vmem>>
          %dma_wait3A_88 = tpu.memref_slice %arg4[%mul3A_63] : memref<327680xi32, #tpu.memory_space<hbm>> -> memref<128xi32, #tpu.memory_space<hbm>>
          %dma_wait3A_89 = arith.constant 0 : i32
          %dma_wait3A_90 = tpu.memref_slice %arg8[%rem3A_41, %dma_wait3A_89] : memref<2x128xi32, #tpu.memory_space<vmem>> -> memref<1x128xi32, #tpu.memory_space<vmem>>
          %dma_wait3A_91 = tpu.memref_squeeze %dma_wait3A_90 : memref<1x128xi32, #tpu.memory_space<vmem>> -> memref<128xi32, #tpu.memory_space<vmem>>
          %dma_wait3A_92 = tpu.memref_slice %arg4[%mul3A_63] : memref<327680xi32, #tpu.memory_space<hbm>> -> memref<128xi32, #tpu.memory_space<hbm>>
          tpu.wait_dma2 semaphore(%run_scoped3A_76 : memref<!tpu.dma_semaphore, #tpu.memory_space<semaphore_mem>>) src(%dma_wait3A_92 : memref<128xi32, #tpu.memory_space<hbm>>) dst(%dma_wait3A_91 : memref<128xi32, #tpu.memory_space<vmem>>)
          tpu.yield
        }) : () -> ()
        %dma_start3A_64 = arith.constant 0 : i32
        %dma_start3A_65 = arith.constant 0 : i32
        %dma_start3A_66 = tpu.memref_slice %arg9[%rem3A_41, %dma_start3A_64, %dma_start3A_65] : memref<2x128x128xf32, #tpu.memory_space<vmem>> -> memref<1x128x128xf32, #tpu.memory_space<vmem>>
        %dma_start3A_67 = tpu.memref_squeeze %dma_start3A_66 : memref<1x128x128xf32, #tpu.memory_space<vmem>> -> memref<128x128xf32, #tpu.memory_space<vmem>>
        %dma_start3A_68 = arith.constant 0 : i32
        %dma_start3A_69 = tpu.memref_slice %arg7[%rem3A_41, %dma_start3A_68] : memref<2x128xi32, #tpu.memory_space<vmem>> -> memref<1x128xi32, #tpu.memory_space<vmem>>
        %dma_start3A_70 = tpu.memref_squeeze %dma_start3A_69 : memref<1x128xi32, #tpu.memory_space<vmem>> -> memref<128xi32, #tpu.memory_space<vmem>>
        %dma_start3A_71 = arith.constant 0 : i32
        %dma_start3A_72 = arith.constant 0 : i32
        %dma_start3A_73 = tpu.memref_slice %arg2[%dma_start3A_71, %dma_start3A_72] : memref<10240x128xf32, #tpu.memory_space<hbm>> -> memref<10240x128xf32, #tpu.memory_space<hbm>>
        %dma_start3A_74 = tpu.memref_slice %arg11[%rem3A_41] : memref<2x!tpu.dma_semaphore, #tpu.memory_space<semaphore_mem>> -> memref<1x!tpu.dma_semaphore, #tpu.memory_space<semaphore_mem>>
        %dma_start3A_75 = tpu.memref_squeeze %dma_start3A_74 : memref<1x!tpu.dma_semaphore, #tpu.memory_space<semaphore_mem>> -> memref<!tpu.dma_semaphore, #tpu.memory_space<semaphore_mem>>
        tpu.enqueue_indirect_dma source(%dma_start3A_73 : memref<10240x128xf32, #tpu.memory_space<hbm>>) target(%dma_start3A_67 : memref<128x128xf32, #tpu.memory_space<vmem>>) offsets(%dma_start3A_70 : memref<128xi32, #tpu.memory_space<vmem>>) semaphore(%dma_start3A_75 : memref<!tpu.dma_semaphore, #tpu.memory_space<semaphore_mem>>)
      } else {
      }
      %dma_wait3A = arith.constant 0 : i32
      %dma_wait3A_46 = arith.constant 0 : i32
      %dma_wait3A_47 = tpu.memref_slice %arg9[%rem3A_37, %dma_wait3A, %dma_wait3A_46] : memref<2x128x128xf32, #tpu.memory_space<vmem>> -> memref<1x128x128xf32, #tpu.memory_space<vmem>>
      %dma_wait3A_48 = tpu.memref_squeeze %dma_wait3A_47 : memref<1x128x128xf32, #tpu.memory_space<vmem>> -> memref<128x128xf32, #tpu.memory_space<vmem>>
      %dma_wait3A_49 = arith.constant 0 : i32
      %dma_wait3A_50 = tpu.memref_slice %arg7[%rem3A_37, %dma_wait3A_49] : memref<2x128xi32, #tpu.memory_space<vmem>> -> memref<1x128xi32, #tpu.memory_space<vmem>>
      %dma_wait3A_51 = tpu.memref_squeeze %dma_wait3A_50 : memref<1x128xi32, #tpu.memory_space<vmem>> -> memref<128xi32, #tpu.memory_space<vmem>>
      %dma_wait3A_52 = arith.constant 0 : i32
      %dma_wait3A_53 = arith.constant 0 : i32
      %dma_wait3A_54 = tpu.memref_slice %arg2[%dma_wait3A_52, %dma_wait3A_53] : memref<10240x128xf32, #tpu.memory_space<hbm>> -> memref<10240x128xf32, #tpu.memory_space<hbm>>
      %dma_wait3A_55 = tpu.memref_slice %arg11[%rem3A_37] : memref<2x!tpu.dma_semaphore, #tpu.memory_space<semaphore_mem>> -> memref<1x!tpu.dma_semaphore, #tpu.memory_space<semaphore_mem>>
      %dma_wait3A_56 = tpu.memref_squeeze %dma_wait3A_55 : memref<1x!tpu.dma_semaphore, #tpu.memory_space<semaphore_mem>> -> memref<!tpu.dma_semaphore, #tpu.memory_space<semaphore_mem>>
      tpu.wait_indirect_dma semaphore(%dma_wait3A_56 : memref<!tpu.dma_semaphore, #tpu.memory_space<semaphore_mem>>) src(%dma_wait3A_54 : memref<10240x128xf32, #tpu.memory_space<hbm>>) dst(%dma_wait3A_48 : memref<128x128xf32, #tpu.memory_space<vmem>>)
      "tpu.region"() ({
        %run_scoped3A_57 = tpu.sem_alloc : memref<!tpu.dma_semaphore, #tpu.memory_space<semaphore_mem>>
        %dma_start3A_58 = arith.constant 0 : i32
        %dma_start3A_59 = arith.constant 0 : i32
        %dma_start3A_60 = tpu.memref_slice %arg9[%rem3A_37, %dma_start3A_58, %dma_start3A_59] : memref<2x128x128xf32, #tpu.memory_space<vmem>> -> memref<1x128x128xf32, #tpu.memory_space<vmem>>
        %dma_start3A_61 = tpu.memref_squeeze %dma_start3A_60 : memref<1x128x128xf32, #tpu.memory_space<vmem>> -> memref<128x128xf32, #tpu.memory_space<vmem>>
        %dma_start3A_62 = arith.constant 0 : i32
        %dma_start3A_63 = tpu.memref_slice %arg8[%rem3A_37, %dma_start3A_62] : memref<2x128xi32, #tpu.memory_space<vmem>> -> memref<1x128xi32, #tpu.memory_space<vmem>>
        %dma_start3A_64 = tpu.memref_squeeze %dma_start3A_63 : memref<1x128xi32, #tpu.memory_space<vmem>> -> memref<128xi32, #tpu.memory_space<vmem>>
        %dma_start3A_65 = arith.constant 0 : i32
        %dma_start3A_66 = arith.constant 0 : i32
        %dma_start3A_67 = tpu.memref_slice %arg10[%dma_start3A_65, %dma_start3A_66] : memref<10240x128xf32, #tpu.memory_space<vmem_shared>> -> memref<10240x128xf32, #tpu.memory_space<vmem_shared>>
        tpu.enqueue_indirect_dma source(%dma_start3A_61 : memref<128x128xf32, #tpu.memory_space<vmem>>) target(%dma_start3A_67 : memref<10240x128xf32, #tpu.memory_space<vmem_shared>>) offsets(%dma_start3A_64 : memref<128xi32, #tpu.memory_space<vmem>>) semaphore(%run_scoped3A_57 : memref<!tpu.dma_semaphore, #tpu.memory_space<semaphore_mem>>) {add = true}
        %dma_wait3A_68 = arith.constant 0 : i32
        %dma_wait3A_69 = arith.constant 0 : i32
        %dma_wait3A_70 = tpu.memref_slice %arg9[%rem3A_37, %dma_wait3A_68, %dma_wait3A_69] : memref<2x128x128xf32, #tpu.memory_space<vmem>> -> memref<1x128x128xf32, #tpu.memory_space<vmem>>
        %dma_wait3A_71 = tpu.memref_squeeze %dma_wait3A_70 : memref<1x128x128xf32, #tpu.memory_space<vmem>> -> memref<128x128xf32, #tpu.memory_space<vmem>>
        %dma_wait3A_72 = arith.constant 0 : i32
        %dma_wait3A_73 = tpu.memref_slice %arg8[%rem3A_37, %dma_wait3A_72] : memref<2x128xi32, #tpu.memory_space<vmem>> -> memref<1x128xi32, #tpu.memory_space<vmem>>
        %dma_wait3A_74 = tpu.memref_squeeze %dma_wait3A_73 : memref<1x128xi32, #tpu.memory_space<vmem>> -> memref<128xi32, #tpu.memory_space<vmem>>
        %dma_wait3A_75 = arith.constant 0 : i32
        %dma_wait3A_76 = arith.constant 0 : i32
        %dma_wait3A_77 = tpu.memref_slice %arg10[%dma_wait3A_75, %dma_wait3A_76] : memref<10240x128xf32, #tpu.memory_space<vmem_shared>> -> memref<10240x128xf32, #tpu.memory_space<vmem_shared>>
        tpu.wait_indirect_dma semaphore(%run_scoped3A_57 : memref<!tpu.dma_semaphore, #tpu.memory_space<semaphore_mem>>) src(%dma_wait3A_71 : memref<128x128xf32, #tpu.memory_space<vmem>>) dst(%dma_wait3A_77 : memref<10240x128xf32, #tpu.memory_space<vmem_shared>>)
        tpu.yield
      }) : () -> ()
    }
    %while3A_34 = arith.constant 1 : i32
    scf.for %while3A_36 = %while3A_32 to %while3A_28 step %while3A_34  : i32 {
      %rem3A = arith.constant 2 : i32
      %rem3A_37 = arith.remsi %while3A_36, %rem3A : i32
      %add3A_38 = arith.constant 1 : i32
      %add3A_39 = arith.addi %while3A_36, %add3A_38 : i32
      %rem3A_40 = arith.constant 2 : i32
      %rem3A_41 = arith.remsi %add3A_39, %rem3A_40 : i32
      %add3A_42 = arith.constant 1 : i32
      %add3A_43 = arith.addi %while3A_36, %add3A_42 : i32
      %lt3A_44 = arith.cmpi slt, %add3A_43, %add3A_6 : i32
      %convert_element_type3A = arith.extui %lt3A_44 : i1 to i32
      %cond3A = arith.constant 0 : i32
      %cond3A_45 = arith.cmpi ne, %convert_element_type3A, %cond3A : i32
      scf.if %cond3A_45 {
        %add3A_57 = arith.constant 1 : i32
        %add3A_58 = arith.addi %while3A_36, %add3A_57 : i32
        %mul3A_59 = arith.constant 32 : i32
        %mul3A_60 = arith.muli %add3A_58, %mul3A_59 : i32
        %add3A_61 = arith.addi %add3A, %mul3A_60 : i32
        %mul3A_62 = arith.constant 128 : i32
        %mul3A_63 = arith.muli %add3A_61, %mul3A_62 : i32
        "tpu.region"() ({
          %run_scoped3A_76 = tpu.sem_alloc : memref<!tpu.dma_semaphore, #tpu.memory_space<semaphore_mem>>
          %dma_start3A_77 = arith.constant 0 : i32
          %dma_start3A_78 = tpu.memref_slice %arg7[%rem3A_41, %dma_start3A_77] : memref<2x128xi32, #tpu.memory_space<vmem>> -> memref<1x128xi32, #tpu.memory_space<vmem>>
          %dma_start3A_79 = tpu.memref_squeeze %dma_start3A_78 : memref<1x128xi32, #tpu.memory_space<vmem>> -> memref<128xi32, #tpu.memory_space<vmem>>
          %dma_start3A_80 = tpu.memref_slice %arg3[%mul3A_63] : memref<327680xi32, #tpu.memory_space<hbm>> -> memref<128xi32, #tpu.memory_space<hbm>>
          %dma_start3A_81 = arith.constant 0 : i32
          %dma_start3A_82 = tpu.memref_slice %arg7[%rem3A_41, %dma_start3A_81] : memref<2x128xi32, #tpu.memory_space<vmem>> -> memref<1x128xi32, #tpu.memory_space<vmem>>
          %dma_start3A_83 = tpu.memref_squeeze %dma_start3A_82 : memref<1x128xi32, #tpu.memory_space<vmem>> -> memref<128xi32, #tpu.memory_space<vmem>>
          %dma_start3A_84 = tpu.memref_slice %arg3[%mul3A_63] : memref<327680xi32, #tpu.memory_space<hbm>> -> memref<128xi32, #tpu.memory_space<hbm>>
          tpu.enqueue_dma source(%dma_start3A_84 : memref<128xi32, #tpu.memory_space<hbm>>) target(%dma_start3A_83 : memref<128xi32, #tpu.memory_space<vmem>>) target_semaphore(%run_scoped3A_76 : memref<!tpu.dma_semaphore, #tpu.memory_space<semaphore_mem>>)
          %dma_wait3A_85 = arith.constant 0 : i32
          %dma_wait3A_86 = tpu.memref_slice %arg7[%rem3A_41, %dma_wait3A_85] : memref<2x128xi32, #tpu.memory_space<vmem>> -> memref<1x128xi32, #tpu.memory_space<vmem>>
          %dma_wait3A_87 = tpu.memref_squeeze %dma_wait3A_86 : memref<1x128xi32, #tpu.memory_space<vmem>> -> memref<128xi32, #tpu.memory_space<vmem>>
          %dma_wait3A_88 = tpu.memref_slice %arg3[%mul3A_63] : memref<327680xi32, #tpu.memory_space<hbm>> -> memref<128xi32, #tpu.memory_space<hbm>>
          %dma_wait3A_89 = arith.constant 0 : i32
          %dma_wait3A_90 = tpu.memref_slice %arg7[%rem3A_41, %dma_wait3A_89] : memref<2x128xi32, #tpu.memory_space<vmem>> -> memref<1x128xi32, #tpu.memory_space<vmem>>
          %dma_wait3A_91 = tpu.memref_squeeze %dma_wait3A_90 : memref<1x128xi32, #tpu.memory_space<vmem>> -> memref<128xi32, #tpu.memory_space<vmem>>
          %dma_wait3A_92 = tpu.memref_slice %arg3[%mul3A_63] : memref<327680xi32, #tpu.memory_space<hbm>> -> memref<128xi32, #tpu.memory_space<hbm>>
          tpu.wait_dma2 semaphore(%run_scoped3A_76 : memref<!tpu.dma_semaphore, #tpu.memory_space<semaphore_mem>>) src(%dma_wait3A_92 : memref<128xi32, #tpu.memory_space<hbm>>) dst(%dma_wait3A_91 : memref<128xi32, #tpu.memory_space<vmem>>)
          tpu.yield
        }) : () -> ()
        "tpu.region"() ({
          %run_scoped3A_76 = tpu.sem_alloc : memref<!tpu.dma_semaphore, #tpu.memory_space<semaphore_mem>>
          %dma_start3A_77 = arith.constant 0 : i32
          %dma_start3A_78 = tpu.memref_slice %arg8[%rem3A_41, %dma_start3A_77] : memref<2x128xi32, #tpu.memory_space<vmem>> -> memref<1x128xi32, #tpu.memory_space<vmem>>
          %dma_start3A_79 = tpu.memref_squeeze %dma_start3A_78 : memref<1x128xi32, #tpu.memory_space<vmem>> -> memref<128xi32, #tpu.memory_space<vmem>>
          %dma_start3A_80 = tpu.memref_slice %arg4[%mul3A_63] : memref<327680xi32, #tpu.memory_space<hbm>> -> memref<128xi32, #tpu.memory_space<hbm>>
          %dma_start3A_81 = arith.constant 0 : i32
          %dma_start3A_82 = tpu.memref_slice %arg8[%rem3A_41, %dma_start3A_81] : memref<2x128xi32, #tpu.memory_space<vmem>> -> memref<1x128xi32, #tpu.memory_space<vmem>>
          %dma_start3A_83 = tpu.memref_squeeze %dma_start3A_82 : memref<1x128xi32, #tpu.memory_space<vmem>> -> memref<128xi32, #tpu.memory_space<vmem>>
          %dma_start3A_84 = tpu.memref_slice %arg4[%mul3A_63] : memref<327680xi32, #tpu.memory_space<hbm>> -> memref<128xi32, #tpu.memory_space<hbm>>
          tpu.enqueue_dma source(%dma_start3A_84 : memref<128xi32, #tpu.memory_space<hbm>>) target(%dma_start3A_83 : memref<128xi32, #tpu.memory_space<vmem>>) target_semaphore(%run_scoped3A_76 : memref<!tpu.dma_semaphore, #tpu.memory_space<semaphore_mem>>)
          %dma_wait3A_85 = arith.constant 0 : i32
          %dma_wait3A_86 = tpu.memref_slice %arg8[%rem3A_41, %dma_wait3A_85] : memref<2x128xi32, #tpu.memory_space<vmem>> -> memref<1x128xi32, #tpu.memory_space<vmem>>
          %dma_wait3A_87 = tpu.memref_squeeze %dma_wait3A_86 : memref<1x128xi32, #tpu.memory_space<vmem>> -> memref<128xi32, #tpu.memory_space<vmem>>
          %dma_wait3A_88 = tpu.memref_slice %arg4[%mul3A_63] : memref<327680xi32, #tpu.memory_space<hbm>> -> memref<128xi32, #tpu.memory_space<hbm>>
          %dma_wait3A_89 = arith.constant 0 : i32
          %dma_wait3A_90 = tpu.memref_slice %arg8[%rem3A_41, %dma_wait3A_89] : memref<2x128xi32, #tpu.memory_space<vmem>> -> memref<1x128xi32, #tpu.memory_space<vmem>>
          %dma_wait3A_91 = tpu.memref_squeeze %dma_wait3A_90 : memref<1x128xi32, #tpu.memory_space<vmem>> -> memref<128xi32, #tpu.memory_space<vmem>>
          %dma_wait3A_92 = tpu.memref_slice %arg4[%mul3A_63] : memref<327680xi32, #tpu.memory_space<hbm>> -> memref<128xi32, #tpu.memory_space<hbm>>
          tpu.wait_dma2 semaphore(%run_scoped3A_76 : memref<!tpu.dma_semaphore, #tpu.memory_space<semaphore_mem>>) src(%dma_wait3A_92 : memref<128xi32, #tpu.memory_space<hbm>>) dst(%dma_wait3A_91 : memref<128xi32, #tpu.memory_space<vmem>>)
          tpu.yield
        }) : () -> ()
        %dma_start3A_64 = arith.constant 0 : i32
        %dma_start3A_65 = arith.constant 0 : i32
        %dma_start3A_66 = tpu.memref_slice %arg9[%rem3A_41, %dma_start3A_64, %dma_start3A_65] : memref<2x128x128xf32, #tpu.memory_space<vmem>> -> memref<1x128x128xf32, #tpu.memory_space<vmem>>
        %dma_start3A_67 = tpu.memref_squeeze %dma_start3A_66 : memref<1x128x128xf32, #tpu.memory_space<vmem>> -> memref<128x128xf32, #tpu.memory_space<vmem>>
        %dma_start3A_68 = arith.constant 0 : i32
        %dma_start3A_69 = tpu.memref_slice %arg7[%rem3A_41, %dma_start3A_68] : memref<2x128xi32, #tpu.memory_space<vmem>> -> memref<1x128xi32, #tpu.memory_space<vmem>>
        %dma_start3A_70 = tpu.memref_squeeze %dma_start3A_69 : memref<1x128xi32, #tpu.memory_space<vmem>> -> memref<128xi32, #tpu.memory_space<vmem>>
        %dma_start3A_71 = arith.constant 0 : i32
        %dma_start3A_72 = arith.constant 0 : i32
        %dma_start3A_73 = tpu.memref_slice %arg2[%dma_start3A_71, %dma_start3A_72] : memref<10240x128xf32, #tpu.memory_space<hbm>> -> memref<10240x128xf32, #tpu.memory_space<hbm>>
        %dma_start3A_74 = tpu.memref_slice %arg11[%rem3A_41] : memref<2x!tpu.dma_semaphore, #tpu.memory_space<semaphore_mem>> -> memref<1x!tpu.dma_semaphore, #tpu.memory_space<semaphore_mem>>
        %dma_start3A_75 = tpu.memref_squeeze %dma_start3A_74 : memref<1x!tpu.dma_semaphore, #tpu.memory_space<semaphore_mem>> -> memref<!tpu.dma_semaphore, #tpu.memory_space<semaphore_mem>>
        tpu.enqueue_indirect_dma source(%dma_start3A_73 : memref<10240x128xf32, #tpu.memory_space<hbm>>) target(%dma_start3A_67 : memref<128x128xf32, #tpu.memory_space<vmem>>) offsets(%dma_start3A_70 : memref<128xi32, #tpu.memory_space<vmem>>) semaphore(%dma_start3A_75 : memref<!tpu.dma_semaphore, #tpu.memory_space<semaphore_mem>>)
      } else {
      }
      %dma_wait3A = arith.constant 0 : i32
      %dma_wait3A_46 = arith.constant 0 : i32
      %dma_wait3A_47 = tpu.memref_slice %arg9[%rem3A_37, %dma_wait3A, %dma_wait3A_46] : memref<2x128x128xf32, #tpu.memory_space<vmem>> -> memref<1x128x128xf32, #tpu.memory_space<vmem>>
      %dma_wait3A_48 = tpu.memref_squeeze %dma_wait3A_47 : memref<1x128x128xf32, #tpu.memory_space<vmem>> -> memref<128x128xf32, #tpu.memory_space<vmem>>
      %dma_wait3A_49 = arith.constant 0 : i32
      %dma_wait3A_50 = tpu.memref_slice %arg7[%rem3A_37, %dma_wait3A_49] : memref<2x128xi32, #tpu.memory_space<vmem>> -> memref<1x128xi32, #tpu.memory_space<vmem>>
      %dma_wait3A_51 = tpu.memref_squeeze %dma_wait3A_50 : memref<1x128xi32, #tpu.memory_space<vmem>> -> memref<128xi32, #tpu.memory_space<vmem>>
      %dma_wait3A_52 = arith.constant 0 : i32
      %dma_wait3A_53 = arith.constant 0 : i32
      %dma_wait3A_54 = tpu.memref_slice %arg2[%dma_wait3A_52, %dma_wait3A_53] : memref<10240x128xf32, #tpu.memory_space<hbm>> -> memref<10240x128xf32, #tpu.memory_space<hbm>>
      %dma_wait3A_55 = tpu.memref_slice %arg11[%rem3A_37] : memref<2x!tpu.dma_semaphore, #tpu.memory_space<semaphore_mem>> -> memref<1x!tpu.dma_semaphore, #tpu.memory_space<semaphore_mem>>
      %dma_wait3A_56 = tpu.memref_squeeze %dma_wait3A_55 : memref<1x!tpu.dma_semaphore, #tpu.memory_space<semaphore_mem>> -> memref<!tpu.dma_semaphore, #tpu.memory_space<semaphore_mem>>
      tpu.wait_indirect_dma semaphore(%dma_wait3A_56 : memref<!tpu.dma_semaphore, #tpu.memory_space<semaphore_mem>>) src(%dma_wait3A_54 : memref<10240x128xf32, #tpu.memory_space<hbm>>) dst(%dma_wait3A_48 : memref<128x128xf32, #tpu.memory_space<vmem>>)
      "tpu.region"() ({
        %run_scoped3A_57 = tpu.sem_alloc : memref<!tpu.dma_semaphore, #tpu.memory_space<semaphore_mem>>
        %dma_start3A_58 = arith.constant 0 : i32
        %dma_start3A_59 = arith.constant 0 : i32
        %dma_start3A_60 = tpu.memref_slice %arg9[%rem3A_37, %dma_start3A_58, %dma_start3A_59] : memref<2x128x128xf32, #tpu.memory_space<vmem>> -> memref<1x128x128xf32, #tpu.memory_space<vmem>>
        %dma_start3A_61 = tpu.memref_squeeze %dma_start3A_60 : memref<1x128x128xf32, #tpu.memory_space<vmem>> -> memref<128x128xf32, #tpu.memory_space<vmem>>
        %dma_start3A_62 = arith.constant 0 : i32
        %dma_start3A_63 = tpu.memref_slice %arg8[%rem3A_37, %dma_start3A_62] : memref<2x128xi32, #tpu.memory_space<vmem>> -> memref<1x128xi32, #tpu.memory_space<vmem>>
        %dma_start3A_64 = tpu.memref_squeeze %dma_start3A_63 : memref<1x128xi32, #tpu.memory_space<vmem>> -> memref<128xi32, #tpu.memory_space<vmem>>
        %dma_start3A_65 = arith.constant 0 : i32
        %dma_start3A_66 = arith.constant 0 : i32
        %dma_start3A_67 = tpu.memref_slice %arg10[%dma_start3A_65, %dma_start3A_66] : memref<10240x128xf32, #tpu.memory_space<vmem_shared>> -> memref<10240x128xf32, #tpu.memory_space<vmem_shared>>
        tpu.enqueue_indirect_dma source(%dma_start3A_61 : memref<128x128xf32, #tpu.memory_space<vmem>>) target(%dma_start3A_67 : memref<10240x128xf32, #tpu.memory_space<vmem_shared>>) offsets(%dma_start3A_64 : memref<128xi32, #tpu.memory_space<vmem>>) semaphore(%run_scoped3A_57 : memref<!tpu.dma_semaphore, #tpu.memory_space<semaphore_mem>>) {add = true}
        %dma_wait3A_68 = arith.constant 0 : i32
        %dma_wait3A_69 = arith.constant 0 : i32
        %dma_wait3A_70 = tpu.memref_slice %arg9[%rem3A_37, %dma_wait3A_68, %dma_wait3A_69] : memref<2x128x128xf32, #tpu.memory_space<vmem>> -> memref<1x128x128xf32, #tpu.memory_space<vmem>>
        %dma_wait3A_71 = tpu.memref_squeeze %dma_wait3A_70 : memref<1x128x128xf32, #tpu.memory_space<vmem>> -> memref<128x128xf32, #tpu.memory_space<vmem>>
        %dma_wait3A_72 = arith.constant 0 : i32
        %dma_wait3A_73 = tpu.memref_slice %arg8[%rem3A_37, %dma_wait3A_72] : memref<2x128xi32, #tpu.memory_space<vmem>> -> memref<1x128xi32, #tpu.memory_space<vmem>>
        %dma_wait3A_74 = tpu.memref_squeeze %dma_wait3A_73 : memref<1x128xi32, #tpu.memory_space<vmem>> -> memref<128xi32, #tpu.memory_space<vmem>>
        %dma_wait3A_75 = arith.constant 0 : i32
        %dma_wait3A_76 = arith.constant 0 : i32
        %dma_wait3A_77 = tpu.memref_slice %arg10[%dma_wait3A_75, %dma_wait3A_76] : memref<10240x128xf32, #tpu.memory_space<vmem_shared>> -> memref<10240x128xf32, #tpu.memory_space<vmem_shared>>
        tpu.wait_indirect_dma semaphore(%run_scoped3A_57 : memref<!tpu.dma_semaphore, #tpu.memory_space<semaphore_mem>>) src(%dma_wait3A_71 : memref<128x128xf32, #tpu.memory_space<vmem>>) dst(%dma_wait3A_77 : memref<10240x128xf32, #tpu.memory_space<vmem_shared>>)
        tpu.yield
      }) : () -> ()
    }
    %barrier3A_35 = arith.constant 0 : index
    tpu.barrier barrier_id(%barrier3A_35)
    "tpu.region"() ({
      %run_scoped3A_36 = tpu.sem_alloc : memref<!tpu.dma_semaphore, #tpu.memory_space<semaphore_mem>>
      %dma_start3A_37 = arith.constant 0 : i32
      %dma_start3A_38 = tpu.memref_slice %arg6[%arg0, %mul3A_2, %dma_start3A_37] : memref<2x10240x128xf32, #tpu.memory_space<hbm>> -> memref<1x640x128xf32, #tpu.memory_space<hbm>>
      %dma_start3A_39 = tpu.memref_squeeze %dma_start3A_38 : memref<1x640x128xf32, #tpu.memory_space<hbm>> -> memref<640x128xf32, #tpu.memory_space<hbm>>
      %dma_start3A_40 = arith.constant 0 : i32
      %dma_start3A_41 = tpu.memref_slice %arg10[%mul3A_2, %dma_start3A_40] : memref<10240x128xf32, #tpu.memory_space<vmem_shared>> -> memref<640x128xf32, #tpu.memory_space<vmem_shared>>
      tpu.enqueue_dma source(%dma_start3A_41 : memref<640x128xf32, #tpu.memory_space<vmem_shared>>) target(%dma_start3A_39 : memref<640x128xf32, #tpu.memory_space<hbm>>) target_semaphore(%run_scoped3A_36 : memref<!tpu.dma_semaphore, #tpu.memory_space<semaphore_mem>>)
      %dma_wait3A = arith.constant 0 : i32
      %dma_wait3A_42 = tpu.memref_slice %arg6[%arg0, %mul3A_2, %dma_wait3A] : memref<2x10240x128xf32, #tpu.memory_space<hbm>> -> memref<1x640x128xf32, #tpu.memory_space<hbm>>
      %dma_wait3A_43 = tpu.memref_squeeze %dma_wait3A_42 : memref<1x640x128xf32, #tpu.memory_space<hbm>> -> memref<640x128xf32, #tpu.memory_space<hbm>>
      %dma_wait3A_44 = arith.constant 0 : i32
      %dma_wait3A_45 = tpu.memref_slice %arg10[%mul3A_2, %dma_wait3A_44] : memref<10240x128xf32, #tpu.memory_space<vmem_shared>> -> memref<640x128xf32, #tpu.memory_space<vmem_shared>>
      tpu.wait_dma2 semaphore(%run_scoped3A_36 : memref<!tpu.dma_semaphore, #tpu.memory_space<semaphore_mem>>) src(%dma_wait3A_45 : memref<640x128xf32, #tpu.memory_space<vmem_shared>>) dst(%dma_wait3A_43 : memref<640x128xf32, #tpu.memory_space<hbm>>)
      tpu.yield
    }) : () -> ()
    return
  }
}

#map = affine_map<(d0, d1) -> (0)>
#map1 = affine_map<(d0, d1) -> (0, 0)>
module attributes {stable_mosaic.version = 14 : i64} {
  func.func @_sc_pair_gather_body(%arg0: i32, %arg1: i32, %arg2: memref<1024xi32, #tpu.memory_space<hbm>>, %arg3: memref<8192xi32, #tpu.memory_space<hbm>>, %arg4: memref<1024x128xf32, #tpu.memory_space<hbm>>, %arg5: memref<8192x128xf32, #tpu.memory_space<hbm>>, %arg6: memref<1024xi32, #tpu.memory_space<vmem>>, %arg7: memref<128xi32, #tpu.memory_space<vmem>>, %arg8: memref<128xi32, #tpu.memory_space<vmem>>, %arg9: memref<128x128xf32, #tpu.memory_space<vmem>>, %arg10: memref<!tpu.dma_semaphore, #tpu.memory_space<semaphore_mem>>) attributes {dimension_semantics = [#tpu.dimension_semantics<core_parallel>, #tpu.dimension_semantics<subcore_parallel>], iteration_bounds = array<i64: 2, 16>, scalar_prefetch = 0 : i64, scratch_operands = 5 : i64, tpu.core_type = #tpu.core_type<sc_vector_subcore>, window_params = [{transform_indices = #map}, {transform_indices = #map}, {transform_indices = #map1}, {transform_indices = #map1}]} {
    %mul3A = arith.constant 16 : i32
    %mul3A_0 = arith.muli %arg0, %mul3A : i32
    %add3A = arith.addi %mul3A_0, %arg1 : i32
    "tpu.region"() ({
      %run_scoped3A = tpu.sem_alloc : memref<!tpu.dma_semaphore, #tpu.memory_space<semaphore_mem>>
      tpu.enqueue_dma source(%arg2 : memref<1024xi32, #tpu.memory_space<hbm>>) target(%arg6 : memref<1024xi32, #tpu.memory_space<vmem>>) target_semaphore(%run_scoped3A : memref<!tpu.dma_semaphore, #tpu.memory_space<semaphore_mem>>)
      tpu.wait_dma2 semaphore(%run_scoped3A : memref<!tpu.dma_semaphore, #tpu.memory_space<semaphore_mem>>) src(%arg2 : memref<1024xi32, #tpu.memory_space<hbm>>) dst(%arg6 : memref<1024xi32, #tpu.memory_space<vmem>>)
      tpu.yield
    }) : () -> ()
    %scan3A = arith.constant 0 : i32
    %scan3A_1 = arith.constant 0 : i32
    %scan3A_2 = arith.constant 2 : i32
    %scan3A_3 = arith.addi %scan3A_1, %scan3A_2 : i32
    %scan3A_4 = arith.constant 1 : i32
    scf.for %scan3A_6 = %scan3A_1 to %scan3A_3 step %scan3A_4  : i32 {
      %mul3A_7 = arith.constant 256 : i32
      %mul3A_8 = arith.muli %add3A, %mul3A_7 : i32
      %mul3A_9 = arith.constant 128 : i32
      %mul3A_10 = arith.muli %scan3A_6, %mul3A_9 : i32
      %add3A_11 = arith.addi %mul3A_8, %mul3A_10 : i32
      "tpu.region"() ({
        %run_scoped3A = tpu.sem_alloc : memref<!tpu.dma_semaphore, #tpu.memory_space<semaphore_mem>>
        %dma_start3A_22 = tpu.memref_slice %arg3[%add3A_11] : memref<8192xi32, #tpu.memory_space<hbm>> -> memref<128xi32, #tpu.memory_space<hbm>>
        %dma_start3A_23 = tpu.memref_slice %arg3[%add3A_11] : memref<8192xi32, #tpu.memory_space<hbm>> -> memref<128xi32, #tpu.memory_space<hbm>>
        tpu.enqueue_dma source(%dma_start3A_23 : memref<128xi32, #tpu.memory_space<hbm>>) target(%arg7 : memref<128xi32, #tpu.memory_space<vmem>>) target_semaphore(%run_scoped3A : memref<!tpu.dma_semaphore, #tpu.memory_space<semaphore_mem>>)
        %dma_wait3A_24 = tpu.memref_slice %arg3[%add3A_11] : memref<8192xi32, #tpu.memory_space<hbm>> -> memref<128xi32, #tpu.memory_space<hbm>>
        %dma_wait3A_25 = tpu.memref_slice %arg3[%add3A_11] : memref<8192xi32, #tpu.memory_space<hbm>> -> memref<128xi32, #tpu.memory_space<hbm>>
        tpu.wait_dma2 semaphore(%run_scoped3A : memref<!tpu.dma_semaphore, #tpu.memory_space<semaphore_mem>>) src(%dma_wait3A_25 : memref<128xi32, #tpu.memory_space<hbm>>) dst(%arg7 : memref<128xi32, #tpu.memory_space<vmem>>)
        tpu.yield
      }) : () -> ()
      %scan3A_12 = arith.constant 0 : i32
      %scan3A_13 = arith.constant 0 : i32
      %scan3A_14 = arith.constant 8 : i32
      %scan3A_15 = arith.addi %scan3A_13, %scan3A_14 : i32
      %scan3A_16 = arith.constant 1 : i32
      scf.for %scan3A_22 = %scan3A_13 to %scan3A_15 step %scan3A_16  : i32 {
        %mul3A_23 = arith.constant 16 : i32
        %mul3A_24 = arith.muli %scan3A_22, %mul3A_23 : i32
        %get3A = arith.index_cast %mul3A_24 : i32 to index
        %get3A_25 = tpu.vector_load %arg7[%get3A] {strides = array<i32>} : memref<128xi32, #tpu.memory_space<vmem>>, vector<16xi32>,
        %gather3A = tpu.vector_load_idx %arg6[%get3A_25] : memref<1024xi32, #tpu.memory_space<vmem>>[vector<16xi32>], vector<16xi32>,
        %mul3A_26 = arith.constant 16 : i32
        %mul3A_27 = arith.muli %scan3A_22, %mul3A_26 : i32
        %swap3A = arith.index_cast %mul3A_27 : i32 to index
        %swap3A_28 = tpu.vector_load %arg8[%swap3A] {strides = array<i32>} : memref<128xi32, #tpu.memory_space<vmem>>, vector<16xi32>,
        tpu.vector_store %arg8[%swap3A], %gather3A {strides = array<i32>} : memref<128xi32, #tpu.memory_space<vmem>>, vector<16xi32>,
      }
      %scan3A_17 = arith.constant 8 : i32
      %dma_start3A = arith.constant 0 : i32
      %dma_start3A_18 = arith.constant 0 : i32
      %dma_start3A_19 = tpu.memref_slice %arg4[%dma_start3A, %dma_start3A_18] : memref<1024x128xf32, #tpu.memory_space<hbm>> -> memref<1024x128xf32, #tpu.memory_space<hbm>>
      tpu.enqueue_indirect_dma source(%dma_start3A_19 : memref<1024x128xf32, #tpu.memory_space<hbm>>) target(%arg9 : memref<128x128xf32, #tpu.memory_space<vmem>>) offsets(%arg8 : memref<128xi32, #tpu.memory_space<vmem>>) semaphore(%arg10 : memref<!tpu.dma_semaphore, #tpu.memory_space<semaphore_mem>>)
      %dma_wait3A = arith.constant 0 : i32
      %dma_wait3A_20 = arith.constant 0 : i32
      %dma_wait3A_21 = tpu.memref_slice %arg4[%dma_wait3A, %dma_wait3A_20] : memref<1024x128xf32, #tpu.memory_space<hbm>> -> memref<1024x128xf32, #tpu.memory_space<hbm>>
      tpu.wait_indirect_dma semaphore(%arg10 : memref<!tpu.dma_semaphore, #tpu.memory_space<semaphore_mem>>) src(%dma_wait3A_21 : memref<1024x128xf32, #tpu.memory_space<hbm>>) dst(%arg9 : memref<128x128xf32, #tpu.memory_space<vmem>>)
      "tpu.region"() ({
        %run_scoped3A = tpu.sem_alloc : memref<!tpu.dma_semaphore, #tpu.memory_space<semaphore_mem>>
        %dma_start3A_22 = arith.constant 0 : i32
        %dma_start3A_23 = tpu.memref_slice %arg5[%add3A_11, %dma_start3A_22] : memref<8192x128xf32, #tpu.memory_space<hbm>> -> memref<128x128xf32, #tpu.memory_space<hbm>>
        %dma_start3A_24 = arith.constant 0 : i32
        %dma_start3A_25 = tpu.memref_slice %arg5[%add3A_11, %dma_start3A_24] : memref<8192x128xf32, #tpu.memory_space<hbm>> -> memref<128x128xf32, #tpu.memory_space<hbm>>
        tpu.enqueue_dma source(%arg9 : memref<128x128xf32, #tpu.memory_space<vmem>>) target(%dma_start3A_25 : memref<128x128xf32, #tpu.memory_space<hbm>>) target_semaphore(%run_scoped3A : memref<!tpu.dma_semaphore, #tpu.memory_space<semaphore_mem>>)
        %dma_wait3A_26 = arith.constant 0 : i32
        %dma_wait3A_27 = tpu.memref_slice %arg5[%add3A_11, %dma_wait3A_26] : memref<8192x128xf32, #tpu.memory_space<hbm>> -> memref<128x128xf32, #tpu.memory_space<hbm>>
        %dma_wait3A_28 = arith.constant 0 : i32
        %dma_wait3A_29 = tpu.memref_slice %arg5[%add3A_11, %dma_wait3A_28] : memref<8192x128xf32, #tpu.memory_space<hbm>> -> memref<128x128xf32, #tpu.memory_space<hbm>>
        tpu.wait_dma2 semaphore(%run_scoped3A : memref<!tpu.dma_semaphore, #tpu.memory_space<semaphore_mem>>) src(%arg9 : memref<128x128xf32, #tpu.memory_space<vmem>>) dst(%dma_wait3A_29 : memref<128x128xf32, #tpu.memory_space<hbm>>)
        tpu.yield
      }) : () -> ()
    }
    %scan3A_5 = arith.constant 2 : i32
    return
  }
}

module attributes {stable_mosaic.version = 14 : i64} {
  func.func @_tc1_body(%arg0: memref<32x10240xf32, #tpu.memory_space<vmem>>, %arg1: memref<10240x128xf32, #tpu.memory_space<vmem>>, %arg2: memref<128x128xf32, #tpu.memory_space<vmem>>, %arg3: memref<10240x128xf32, #tpu.memory_space<vmem>>, %arg4: memref<10240x1xf32, #tpu.memory_space<vmem>>) attributes {dimension_semantics = [], scalar_prefetch = 0 : i64, scratch_operands = 0 : i64, tpu.core_type = #tpu.core_type<tc>} {
    %get3A = arith.constant 0 : index
    %get3A_0 = arith.constant 0 : index
    %get3A_1 = vector.load %arg0[%get3A, %get3A_0] : memref<32x10240xf32, #tpu.memory_space<vmem>>, vector<32x10240xf32>
    %transpose3A = tpu.transpose %get3A_1, [1, 0] : vector<32x10240xf32> -> vector<10240x32xf32>
    %reduce_sum3A = arith.constant dense<0.000000e+00> : vector<10240xf32>
    %reduce_sum3A_2 = vector.multi_reduction <add>, %transpose3A, %reduce_sum3A [1] : vector<10240x32xf32> to vector<10240xf32>
    %broadcast_in_dim3A = vector.shape_cast %reduce_sum3A_2 : vector<10240xf32> to vector<10240x1xf32>
    %add3A = arith.constant 1.000000e+00 : f32
    %add3A_3 = vector.broadcast %add3A : f32 to vector<10240x1xf32>
    %add3A_4 = arith.addf %broadcast_in_dim3A, %add3A_3 : vector<10240x1xf32>
    %rsqrt3A = math.rsqrt %add3A_4 : vector<10240x1xf32>
    %swap3A = arith.constant 0 : index
    %swap3A_5 = arith.constant 0 : index
    %swap3A_6 = vector.load %arg4[%swap3A, %swap3A_5] : memref<10240x1xf32, #tpu.memory_space<vmem>>, vector<10240x1xf32>
    tpu.vector_store %arg4[%swap3A, %swap3A_5], %rsqrt3A {strides = array<i32>} : memref<10240x1xf32, #tpu.memory_space<vmem>>, vector<10240x1xf32>,
    %get3A_7 = arith.constant 0 : index
    %get3A_8 = arith.constant 0 : index
    %get3A_9 = vector.load %arg1[%get3A_7, %get3A_8] : memref<10240x128xf32, #tpu.memory_space<vmem>>, vector<10240x128xf32>
    %get3A_10 = arith.constant 0 : index
    %get3A_11 = arith.constant 0 : index
    %get3A_12 = vector.load %arg2[%get3A_10, %get3A_11] : memref<128x128xf32, #tpu.memory_space<vmem>>, vector<128x128xf32>
    %dot_general3A = arith.constant dense<0.000000e+00> : vector<10240x128xf32>
    %dot_general3A_13 = tpu.matmul %get3A_9, %get3A_12, %dot_general3A {dimension_numbers = #tpu.dot_dimension_numbers<[1], [0], [0], [1], [0, 0, 1, 1], [], []>, transpose_lhs_hint = false} : vector<10240x128xf32>, vector<128x128xf32>, vector<10240x128xf32> -> vector<10240x128xf32>
    %mul3A = vector.broadcast %rsqrt3A : vector<10240x1xf32> to vector<10240x128xf32>
    %mul3A_14 = arith.mulf %dot_general3A_13, %mul3A : vector<10240x128xf32>
    %swap3A_15 = arith.constant 0 : index
    %swap3A_16 = arith.constant 0 : index
    %swap3A_17 = vector.load %arg3[%swap3A_15, %swap3A_16] : memref<10240x128xf32, #tpu.memory_space<vmem>>, vector<10240x128xf32>
    tpu.vector_store %arg3[%swap3A_15, %swap3A_16], %mul3A_14 {strides = array<i32>} : memref<10240x128xf32, #tpu.memory_space<vmem>>, vector<10240x128xf32>,
    return
  }
}

module attributes {stable_mosaic.version = 14 : i64} {
  func.func @_tc2_body(%arg0: memref<2x10240x128xf32, #tpu.memory_space<vmem>>, %arg1: memref<10240x128xf32, #tpu.memory_space<vmem>>, %arg2: memref<10240x1xf32, #tpu.memory_space<vmem>>, %arg3: memref<1x128xf32, #tpu.memory_space<vmem>>, %arg4: memref<128x128xf32, #tpu.memory_space<vmem>>, %arg5: memref<10240x128xf32, #tpu.memory_space<vmem>>) attributes {dimension_semantics = [], scalar_prefetch = 0 : i64, scratch_operands = 0 : i64, tpu.core_type = #tpu.core_type<tc>} {
    %get3A = arith.constant 0 : index
    %get3A_0 = arith.constant 0 : index
    %get3A_1 = vector.load %arg2[%get3A, %get3A_0] : memref<10240x1xf32, #tpu.memory_space<vmem>>, vector<10240x1xf32>
    %get3A_2 = arith.constant 0 : index
    %get3A_3 = arith.constant 0 : index
    %get3A_4 = arith.constant 0 : index
    %get3A_5 = vector.load %arg0[%get3A_2, %get3A_3, %get3A_4] : memref<2x10240x128xf32, #tpu.memory_space<vmem>>, vector<1x10240x128xf32>
    %get3A_6 = vector.shape_cast %get3A_5 : vector<1x10240x128xf32> to vector<10240x128xf32>
    %get3A_7 = arith.constant 1 : index
    %get3A_8 = arith.constant 0 : index
    %get3A_9 = arith.constant 0 : index
    %get3A_10 = vector.load %arg0[%get3A_7, %get3A_8, %get3A_9] : memref<2x10240x128xf32, #tpu.memory_space<vmem>>, vector<1x10240x128xf32>
    %get3A_11 = vector.shape_cast %get3A_10 : vector<1x10240x128xf32> to vector<10240x128xf32>
    %add3A = arith.addf %get3A_6, %get3A_11 : vector<10240x128xf32>
    %get3A_12 = arith.constant 0 : index
    %get3A_13 = arith.constant 0 : index
    %get3A_14 = vector.load %arg1[%get3A_12, %get3A_13] : memref<10240x128xf32, #tpu.memory_space<vmem>>, vector<10240x128xf32>
    %add3A_15 = arith.addf %add3A, %get3A_14 : vector<10240x128xf32>
    %mul3A = vector.broadcast %get3A_1 : vector<10240x1xf32> to vector<10240x128xf32>
    %mul3A_16 = arith.mulf %mul3A, %add3A_15 : vector<10240x128xf32>
    %get3A_17 = arith.constant 0 : index
    %get3A_18 = arith.constant 0 : index
    %get3A_19 = vector.load %arg3[%get3A_17, %get3A_18] : memref<1x128xf32, #tpu.memory_space<vmem>>, vector<1x128xf32>
    %add3A_20 = vector.broadcast %get3A_19 : vector<1x128xf32> to vector<10240x128xf32>
    %add3A_21 = arith.addf %mul3A_16, %add3A_20 : vector<10240x128xf32>
    %max3A = arith.constant 0.000000e+00 : f32
    %max3A_22 = vector.broadcast %max3A : f32 to vector<10240x128xf32>
    %max3A_23 = arith.maximumf %add3A_21, %max3A_22 : vector<10240x128xf32>
    %get3A_24 = arith.constant 0 : index
    %get3A_25 = arith.constant 0 : index
    %get3A_26 = vector.load %arg4[%get3A_24, %get3A_25] : memref<128x128xf32, #tpu.memory_space<vmem>>, vector<128x128xf32>
    %dot_general3A = arith.constant dense<0.000000e+00> : vector<10240x128xf32>
    %dot_general3A_27 = tpu.matmul %max3A_23, %get3A_26, %dot_general3A {dimension_numbers = #tpu.dot_dimension_numbers<[1], [0], [0], [1], [0, 0, 1, 1], [], []>, transpose_lhs_hint = false} : vector<10240x128xf32>, vector<128x128xf32>, vector<10240x128xf32> -> vector<10240x128xf32>
    %mul3A_28 = vector.broadcast %get3A_1 : vector<10240x1xf32> to vector<10240x128xf32>
    %mul3A_29 = arith.mulf %dot_general3A_27, %mul3A_28 : vector<10240x128xf32>
    %swap3A = arith.constant 0 : index
    %swap3A_30 = arith.constant 0 : index
    %swap3A_31 = vector.load %arg5[%swap3A, %swap3A_30] : memref<10240x128xf32, #tpu.memory_space<vmem>>, vector<10240x128xf32>
    tpu.vector_store %arg5[%swap3A, %swap3A_30], %mul3A_29 {strides = array<i32>} : memref<10240x128xf32, #tpu.memory_space<vmem>>, vector<10240x128xf32>,
    return
  }
}

module attributes {stable_mosaic.version = 14 : i64} {
  func.func @_tc3_body(%arg0: memref<2x10240x128xf32, #tpu.memory_space<vmem>>, %arg1: memref<10240x128xf32, #tpu.memory_space<vmem>>, %arg2: memref<10240x1xf32, #tpu.memory_space<vmem>>, %arg3: memref<1x128xf32, #tpu.memory_space<vmem>>, %arg4: memref<10240x128xf32, #tpu.memory_space<vmem>>) attributes {dimension_semantics = [], scalar_prefetch = 0 : i64, scratch_operands = 0 : i64, tpu.core_type = #tpu.core_type<tc>} {
    %get3A = arith.constant 0 : index
    %get3A_0 = arith.constant 0 : index
    %get3A_1 = vector.load %arg2[%get3A, %get3A_0] : memref<10240x1xf32, #tpu.memory_space<vmem>>, vector<10240x1xf32>
    %get3A_2 = arith.constant 0 : index
    %get3A_3 = arith.constant 0 : index
    %get3A_4 = arith.constant 0 : index
    %get3A_5 = vector.load %arg0[%get3A_2, %get3A_3, %get3A_4] : memref<2x10240x128xf32, #tpu.memory_space<vmem>>, vector<1x10240x128xf32>
    %get3A_6 = vector.shape_cast %get3A_5 : vector<1x10240x128xf32> to vector<10240x128xf32>
    %get3A_7 = arith.constant 1 : index
    %get3A_8 = arith.constant 0 : index
    %get3A_9 = arith.constant 0 : index
    %get3A_10 = vector.load %arg0[%get3A_7, %get3A_8, %get3A_9] : memref<2x10240x128xf32, #tpu.memory_space<vmem>>, vector<1x10240x128xf32>
    %get3A_11 = vector.shape_cast %get3A_10 : vector<1x10240x128xf32> to vector<10240x128xf32>
    %add3A = arith.addf %get3A_6, %get3A_11 : vector<10240x128xf32>
    %get3A_12 = arith.constant 0 : index
    %get3A_13 = arith.constant 0 : index
    %get3A_14 = vector.load %arg1[%get3A_12, %get3A_13] : memref<10240x128xf32, #tpu.memory_space<vmem>>, vector<10240x128xf32>
    %add3A_15 = arith.addf %add3A, %get3A_14 : vector<10240x128xf32>
    %mul3A = vector.broadcast %get3A_1 : vector<10240x1xf32> to vector<10240x128xf32>
    %mul3A_16 = arith.mulf %mul3A, %add3A_15 : vector<10240x128xf32>
    %get3A_17 = arith.constant 0 : index
    %get3A_18 = arith.constant 0 : index
    %get3A_19 = vector.load %arg3[%get3A_17, %get3A_18] : memref<1x128xf32, #tpu.memory_space<vmem>>, vector<1x128xf32>
    %add3A_20 = vector.broadcast %get3A_19 : vector<1x128xf32> to vector<10240x128xf32>
    %add3A_21 = arith.addf %mul3A_16, %add3A_20 : vector<10240x128xf32>
    %max3A = arith.constant 0.000000e+00 : f32
    %max3A_22 = vector.broadcast %max3A : f32 to vector<10240x128xf32>
    %max3A_23 = arith.maximumf %add3A_21, %max3A_22 : vector<10240x128xf32>
    %iota3A = tpu.iota {dimensions = array<i32: 0>} : vector<10240x1xi32>
    %lt3A = arith.constant 10000 : i32
    %lt3A_24 = vector.broadcast %lt3A : i32 to vector<10240x1xi32>
    %lt3A_25 = arith.cmpi slt, %iota3A, %lt3A_24 : vector<10240x1xi32>
    %jit3A = arith.constant 0.000000e+00 : f32
    %broadcast_in_dim3A = vector.shape_cast %lt3A_25 : vector<10240x1xi1> to vector<10240x1xi1>
    %broadcast_in_dim3A_26 = vector.broadcast %broadcast_in_dim3A : vector<10240x1xi1> to vector<10240x128xi1>
    %broadcast_in_dim3A_27 = vector.broadcast %jit3A : f32 to vector<10240x128xf32>
    %select_n3A = arith.select %broadcast_in_dim3A_26, %max3A_23, %broadcast_in_dim3A_27 : vector<10240x128xi1>, vector<10240x128xf32>
    %swap3A = arith.constant 0 : index
    %swap3A_28 = arith.constant 0 : index
    %swap3A_29 = vector.load %arg4[%swap3A, %swap3A_28] : memref<10240x128xf32, #tpu.memory_space<vmem>>, vector<10240x128xf32>
    tpu.vector_store %arg4[%swap3A, %swap3A_28], %select_n3A {strides = array<i32>} : memref<10240x128xf32, #tpu.memory_space<vmem>>, vector<10240x128xf32>,
    return
  }
}

module attributes {stable_mosaic.version = 14 : i64} {
  func.func @_tc4_body(%arg0: memref<2x1024x128xf32, #tpu.memory_space<vmem>>, %arg1: memref<32x1024xf32, #tpu.memory_space<vmem>>, %arg2: memref<32x1024xf32, #tpu.memory_space<vmem>>, %arg3: memref<1024x128xf32, #tpu.memory_space<vmem>>, %arg4: memref<1024x1xi32, #tpu.memory_space<vmem>>) attributes {dimension_semantics = [], scalar_prefetch = 0 : i64, scratch_operands = 0 : i64, tpu.core_type = #tpu.core_type<tc>} {
    %get3A = arith.constant 0 : index
    %get3A_0 = arith.constant 0 : index
    %get3A_1 = arith.constant 0 : index
    %get3A_2 = vector.load %arg0[%get3A, %get3A_0, %get3A_1] : memref<2x1024x128xf32, #tpu.memory_space<vmem>>, vector<1x1024x128xf32>
    %get3A_3 = vector.shape_cast %get3A_2 : vector<1x1024x128xf32> to vector<1024x128xf32>
    %get3A_4 = arith.constant 1 : index
    %get3A_5 = arith.constant 0 : index
    %get3A_6 = arith.constant 0 : index
    %get3A_7 = vector.load %arg0[%get3A_4, %get3A_5, %get3A_6] : memref<2x1024x128xf32, #tpu.memory_space<vmem>>, vector<1x1024x128xf32>
    %get3A_8 = vector.shape_cast %get3A_7 : vector<1x1024x128xf32> to vector<1024x128xf32>
    %add3A = arith.addf %get3A_3, %get3A_8 : vector<1024x128xf32>
    %get3A_9 = arith.constant 0 : index
    %get3A_10 = arith.constant 0 : index
    %get3A_11 = vector.load %arg1[%get3A_9, %get3A_10] : memref<32x1024xf32, #tpu.memory_space<vmem>>, vector<32x1024xf32>
    %transpose3A = tpu.transpose %get3A_11, [1, 0] : vector<32x1024xf32> -> vector<1024x32xf32>
    %reduce_sum3A = arith.constant dense<0.000000e+00> : vector<1024xf32>
    %reduce_sum3A_12 = vector.multi_reduction <add>, %transpose3A, %reduce_sum3A [1] : vector<1024x32xf32> to vector<1024xf32>
    %broadcast_in_dim3A = vector.shape_cast %reduce_sum3A_12 : vector<1024xf32> to vector<1024x1xf32>
    %max3A = arith.constant 1.000000e+00 : f32
    %max3A_13 = vector.broadcast %max3A : f32 to vector<1024x1xf32>
    %max3A_14 = arith.maximumf %broadcast_in_dim3A, %max3A_13 : vector<1024x1xf32>
    %div3A = vector.broadcast %max3A_14 : vector<1024x1xf32> to vector<1024x128xf32>
    %div3A_15 = arith.divf %add3A, %div3A : vector<1024x128xf32>
    %swap3A = arith.constant 0 : index
    %swap3A_16 = arith.constant 0 : index
    %swap3A_17 = vector.load %arg3[%swap3A, %swap3A_16] : memref<1024x128xf32, #tpu.memory_space<vmem>>, vector<1024x128xf32>
    tpu.vector_store %arg3[%swap3A, %swap3A_16], %div3A_15 {strides = array<i32>} : memref<1024x128xf32, #tpu.memory_space<vmem>>, vector<1024x128xf32>,
    %get3A_18 = arith.constant 0 : index
    %get3A_19 = arith.constant 0 : index
    %get3A_20 = vector.load %arg2[%get3A_18, %get3A_19] : memref<32x1024xf32, #tpu.memory_space<vmem>>, vector<32x1024xf32>
    %transpose3A_21 = tpu.transpose %get3A_20, [1, 0] : vector<32x1024xf32> -> vector<1024x32xf32>
    %reduce_sum3A_22 = arith.constant dense<0.000000e+00> : vector<1024xf32>
    %reduce_sum3A_23 = vector.multi_reduction <add>, %transpose3A_21, %reduce_sum3A_22 [1] : vector<1024x32xf32> to vector<1024xf32>
    %broadcast_in_dim3A_24 = vector.shape_cast %reduce_sum3A_23 : vector<1024xf32> to vector<1024x1xf32>
    %gt3A = arith.constant 0.000000e+00 : f32
    %gt3A_25 = vector.broadcast %gt3A : f32 to vector<1024x1xf32>
    %gt3A_26 = arith.cmpf ogt, %broadcast_in_dim3A_24, %gt3A_25 : vector<1024x1xf32>
    %jit3A = arith.constant 1.000000e+00 : f32
    %jit3A_27 = arith.constant 0.000000e+00 : f32
    %broadcast_in_dim3A_28 = vector.broadcast %jit3A : f32 to vector<1024x1xf32>
    %broadcast_in_dim3A_29 = vector.broadcast %jit3A_27 : f32 to vector<1024x1xf32>
    %select_n3A = arith.select %gt3A_26, %broadcast_in_dim3A_28, %broadcast_in_dim3A_29 : vector<1024x1xi1>, vector<1024x1xf32>
    %iota3A = tpu.iota {dimensions = array<i32: 0>} : vector<1024x1024xi32>
    %iota3A_30 = tpu.iota {dimensions = array<i32: 1>} : vector<1024x1024xi32>
    %gt3A_31 = arith.cmpi sgt, %iota3A, %iota3A_30 : vector<1024x1024xi32>
    %jit3A_32 = arith.constant 1.000000e+00 : f32
    %jit3A_33 = arith.constant 0.000000e+00 : f32
    %broadcast_in_dim3A_34 = vector.broadcast %jit3A_32 : f32 to vector<1024x1024xf32>
    %broadcast_in_dim3A_35 = vector.broadcast %jit3A_33 : f32 to vector<1024x1024xf32>
    %select_n3A_36 = arith.select %gt3A_31, %broadcast_in_dim3A_34, %broadcast_in_dim3A_35 : vector<1024x1024xi1>, vector<1024x1024xf32>
    %dot_general3A = arith.constant dense<0.000000e+00> : vector<1024x1xf32>
    %dot_general3A_37 = tpu.matmul %select_n3A_36, %select_n3A, %dot_general3A {dimension_numbers = #tpu.dot_dimension_numbers<[1], [0], [0], [1], [0, 0, 1, 1], [], []>, transpose_lhs_hint = false} : vector<1024x1024xf32>, vector<1024x1xf32>, vector<1024x1xf32> -> vector<1024x1xf32>
    %convert_element_type3A = arith.fptosi %dot_general3A_37 : vector<1024x1xf32> to vector<1024x1xi32>
    %swap3A_38 = arith.constant 0 : index
    %swap3A_39 = arith.constant 0 : index
    %swap3A_40 = vector.load %arg4[%swap3A_38, %swap3A_39] : memref<1024x1xi32, #tpu.memory_space<vmem>>, vector<1024x1xi32>
    tpu.vector_store %arg4[%swap3A_38, %swap3A_39], %convert_element_type3A {strides = array<i32>} : memref<1024x1xi32, #tpu.memory_space<vmem>>, vector<1024x1xi32>,
    return
  }
}

module attributes {stable_mosaic.version = 14 : i64} {
  func.func @_tc5_body(%arg0: memref<4096x128xf32, #tpu.memory_space<vmem>>, %arg1: memref<4096x128xf32, #tpu.memory_space<vmem>>, %arg2: memref<256x256xf32, #tpu.memory_space<vmem>>, %arg3: memref<1x256xf32, #tpu.memory_space<vmem>>, %arg4: memref<256x1xf32, #tpu.memory_space<vmem>>, %arg5: memref<4096x1xf32, #tpu.memory_space<vmem>>) attributes {dimension_semantics = [], scalar_prefetch = 0 : i64, scratch_operands = 0 : i64, tpu.core_type = #tpu.core_type<tc>} {
    %get3A = arith.constant 0 : index
    %get3A_0 = arith.constant 0 : index
    %get3A_1 = vector.load %arg0[%get3A, %get3A_0] : memref<4096x128xf32, #tpu.memory_space<vmem>>, vector<4096x128xf32>
    %get3A_2 = arith.constant 0 : index
    %get3A_3 = arith.constant 0 : index
    %get3A_4 = vector.load %arg1[%get3A_2, %get3A_3] : memref<4096x128xf32, #tpu.memory_space<vmem>>, vector<4096x128xf32>
    %concatenate3A = tpu.concatenate %get3A_1, %get3A_4 in 1 : vector<4096x128xf32>, vector<4096x128xf32> -> vector<4096x256xf32>
    %get3A_5 = arith.constant 0 : index
    %get3A_6 = arith.constant 0 : index
    %get3A_7 = vector.load %arg2[%get3A_5, %get3A_6] : memref<256x256xf32, #tpu.memory_space<vmem>>, vector<256x256xf32>
    %dot_general3A = arith.constant dense<0.000000e+00> : vector<4096x256xf32>
    %dot_general3A_8 = tpu.matmul %concatenate3A, %get3A_7, %dot_general3A {dimension_numbers = #tpu.dot_dimension_numbers<[1], [0], [0], [1], [0, 0, 1, 1], [], []>, transpose_lhs_hint = false} : vector<4096x256xf32>, vector<256x256xf32>, vector<4096x256xf32> -> vector<4096x256xf32>
    %get3A_9 = arith.constant 0 : index
    %get3A_10 = arith.constant 0 : index
    %get3A_11 = vector.load %arg3[%get3A_9, %get3A_10] : memref<1x256xf32, #tpu.memory_space<vmem>>, vector<1x256xf32>
    %add3A = vector.broadcast %get3A_11 : vector<1x256xf32> to vector<4096x256xf32>
    %add3A_12 = arith.addf %dot_general3A_8, %add3A : vector<4096x256xf32>
    %max3A = arith.constant 0.000000e+00 : f32
    %max3A_13 = vector.broadcast %max3A : f32 to vector<4096x256xf32>
    %max3A_14 = arith.maximumf %add3A_12, %max3A_13 : vector<4096x256xf32>
    %get3A_15 = arith.constant 0 : index
    %get3A_16 = arith.constant 0 : index
    %get3A_17 = vector.load %arg4[%get3A_15, %get3A_16] : memref<256x1xf32, #tpu.memory_space<vmem>>, vector<256x1xf32>
    %dot_general3A_18 = arith.constant dense<0.000000e+00> : vector<4096x1xf32>
    %dot_general3A_19 = tpu.matmul %max3A_14, %get3A_17, %dot_general3A_18 {dimension_numbers = #tpu.dot_dimension_numbers<[1], [0], [0], [1], [0, 0, 1, 1], [], []>, transpose_lhs_hint = false} : vector<4096x256xf32>, vector<256x1xf32>, vector<4096x1xf32> -> vector<4096x1xf32>
    %swap3A = arith.constant 0 : index
    %swap3A_20 = arith.constant 0 : index
    %swap3A_21 = vector.load %arg5[%swap3A, %swap3A_20] : memref<4096x1xf32, #tpu.memory_space<vmem>>, vector<4096x1xf32>
    tpu.vector_store %arg5[%swap3A, %swap3A_20], %dot_general3A_19 {strides = array<i32>} : memref<4096x1xf32, #tpu.memory_space<vmem>>, vector<4096x1xf32>,
    return
  }
}

</mosaic_0001>

<sc_bundles>
// kernel: kernel.12.cloned.1.call-start
scs
__scs_entry_jumppad:
0x0: {  	(pc) =	sbr.rel $0x88, $3  }
0x1: {  	(tag) =	ssettag $0x0;
	lr =	simm.s32 $0x1  }
0x2: {  	[smem:$0x3F96] =	sst lr;
	_ =	strace $0xD0000000  }
0x3: {  	_ = 	snop  }
0x4: {  	_ = 	snop  }
0x5: {  	_ = 	snop  }
0x6: {  	_ = 	snop  }
0x7: {  	_ = 	snop  }
__scs_overlays_trampoline_lowered:
0x8: {  	[smem:$0x3FA5] =	sst s0  }
0x9: {  	[smem:$0x3FA6] =	sst s1  }
0xa: {  	[smem:$0x3FA7] =	sst s2  }
0xb: {  	[smem:$0x3FA8] =	sst s3  }
0xc: {  	[smem:$0x3FA9] =	sst s4  }
0xd: {  	[smem:$0x3FAA] =	sst s5  }
0xe: {  	[smem:$0x3FAB] =	sst s6  }
0xf: {  	[smem:$0x3FAC] =	sst s7  }
0x10: {  	[smem:$0x3FAD] =	sst s8  }
0x11: {  	[smem:$0x3FAE] =	sst s9;
	s0 =	simm.s32 @!p0 $0x0  }
0x12: {  	s1 =	sld [smem:$0x3F94];
	s0 =	simm.s32 @p0 $0x1  }
0x13: {  	[smem:$0x3FAF] =	sst s0;
	s0 =	simm.s32 @!p1 $0x0  }
0x14: {  	s2 =	sld [smem:$0x3F93];
	s0 =	simm.s32 @p1 $0x1  }
0x15: {  	[smem:$0x3FB0] =	sst s0;
	s0 =	simm.s32 @!p2 $0x0  }
0x16: {  	s3 =	sld [smem:$0x3FDB];
	s0 =	simm.s32 @p2 $0x1  }
0x17: {  	s4 =	simm.s32 $0x1BF5;
	[smem:$0x3FB2] =	sst s0  }
0x18: {  	s0 =	sld [smem:$0x3F95];
	_ =	swait.ge [sflag:s4], $0x0  }
0x19: {  	s7 =	sld [smem:$0x3F96]  }
0x1a: {  	s8 =	sadd.s32 $0xFFFFE003, lr  }
0x1b: {  	s9 =	sadd.s32 $0xFFFFFEF7, lr;
	s5 =	simm.s32 $0xFFFFFFFF;
	p2 =	slt.u32 s8, $0xFFFFF086  }
0x1c: {  	p1 =	slt.u32 s9, $0xF7A;
	s5 =	simm.s32 @!p2 $0x0  }
0x1d: {  	s5 =	simm.s32 @p1 $0x1;
	p0 =	seq.s32 s7, s2  }
0x1e: {  	s7 =	smul.u32 @!p0 $0xF7A, s2;
	p2 =	seq.s32 @!p0 s5, $0x0  }
0x1f: {  	s9 =	smul.u32 $0xF7A, s1;
	s8 =	simm.s32 @!p0 $0x1BF5;
	p2 =	por !p2, p0  }
0x20: {  	[sflag:s8] =	ssyncset.s32 @!p0 $0xFFFFF086;
	s6 =	sadd.s32 @!p0 s3, s7;
	s7 =	simm.s32 @!p0 $0x108  }
0x21: {  	s3 =	sadd.s32 s3, s9;
	s6 =	sadd.s32 @!p0 $0x88, s6;
	s7 =	simm.s32 @p2 $0x1082  }
0x22: {  	[simem:s7], [sflag:s8] =	dma.local @!p0 [hbm:s6], $0xF7A  }
0x23: {  	s9 =	sor.u32 $0xD0000000, s2;
	s6 =	simm.s32 $0x108;
	_ =	swait.ge @!p0 [sflag:s8], $0x0  }
0x24: {  	s3 =	sadd.s32 $0x88, s3;
	s6 =	simm.s32 @!p1 $0x1082;
	[sflag:s4] =	ssyncset.s32 $0xFFFFF086  }
0x25: {  	[simem:s6], [sflag:s4] =	dma.local [hbm:s3], $0xF7A  }
0x26: {  	[smem:$0x3F96] =	sst s1;
	(tag) =	ssettag s2;
	_ =	strace s9  }
0x27: {  	s1 =	sld [smem:$0x3FA6]  }
0x28: {  	s2 =	sld [smem:$0x3FA7]  }
0x29: {  	s4 =	sld [smem:$0x3FA9]  }
0x2a: {  	p0 =	seq.s32 s5, $0x0;
	s5 =	sld [smem:$0x3FAA]  }
0x2b: {  	s6 =	sld [smem:$0x3FAB]  }
0x2c: {  	s7 =	sld [smem:$0x3FAC]  }
0x2d: {  	s3 =	simm.s32 $0x108;
	s8 =	sld [smem:$0x3FAD]  }
0x2e: {  	s3 =	simm.s32 @!p0 $0x1082;
	s9 =	sld [smem:$0x3FAE]  }
0x2f: {  	lr =	sadd.s32 s0, s3;
	s0 =	sld [smem:$0x3FA5]  }
0x30: {  	s3 =	sld [smem:$0x3FA8]  }
0x31: {  	[smem:$0x3FB1] =	sst s10  }
0x32: {  	s10 =	sld [smem:$0x3FAF];
	_ =	sdelay $0x3  }
0x33: {  	p0 =	seq.s32 s10, $0x1;
	s10 =	sld [smem:$0x3FB1];
	_ =	sdelay $0x3  }
0x34: {  	[smem:$0x3FB1] =	sst s10  }
0x35: {  	s10 =	sld [smem:$0x3FB0];
	_ =	sdelay $0x3  }
0x36: {  	p1 =	seq.s32 s10, $0x1;
	s10 =	sld [smem:$0x3FB1];
	_ =	sdelay $0x3  }
0x37: {  	[smem:$0x3FB1] =	sst s10  }
0x38: {  	s10 =	sld [smem:$0x3FB2]  }
0x39: {  	_ = 	snop;
	(pc) =	sbr.ind lr, $3  }
0x3a: {  	_ = 	snop  }
0x3b: {  	_ = 	snop  }
0x3c: {  	p2 =	seq.s32 s10, $0x1;
	s10 =	sld [smem:$0x3FB1]  }
0x3d: {  	_ =	shalt  }
0x3e: {  	_ =	shalt  }
0x3f: {  	_ =	shalt  }
0x40: {  	_ =	shalt  }
0x41: {  	_ =	shalt  }
0x42: {  	_ =	shalt  }
0x43: {  	_ =	shalt  }
0x44: {  	_ =	shalt  }
0x45: {  	_ =	shalt  }
0x46: {  	_ =	shalt  }
0x47: {  	_ =	shalt  }
0x48: {  	_ =	shalt  }
0x49: {  	_ =	shalt  }
0x4a: {  	_ =	shalt  }
0x4b: {  	_ =	shalt  }
0x4c: {  	_ =	shalt  }
0x4d: {  	_ =	shalt  }
0x4e: {  	_ =	shalt  }
0x4f: {  	_ =	shalt  }
0x50: {  	_ =	shalt  }
0x51: {  	_ =	shalt  }
0x52: {  	_ =	shalt  }
0x53: {  	_ =	shalt  }
0x54: {  	_ =	shalt  }
0x55: {  	_ =	shalt  }
0x56: {  	_ =	shalt  }
0x57: {  	_ =	shalt  }
0x58: {  	_ =	shalt  }
0x59: {  	_ =	shalt  }
0x5a: {  	_ =	shalt  }
0x5b: {  	_ =	shalt  }
0x5c: {  	_ =	shalt  }
0x5d: {  	_ =	shalt  }
0x5e: {  	_ =	shalt  }
0x5f: {  	_ =	shalt  }
0x60: {  	_ =	shalt  }
0x61: {  	_ =	shalt  }
0x62: {  	_ =	shalt  }
0x63: {  	_ =	shalt  }
0x64: {  	_ =	shalt  }
0x65: {  	_ =	shalt  }
0x66: {  	_ =	shalt  }
0x67: {  	_ =	shalt  }
0x68: {  	_ =	shalt  }
0x69: {  	_ =	shalt  }
0x6a: {  	_ =	shalt  }
0x6b: {  	_ =	shalt  }
0x6c: {  	_ =	shalt  }
0x6d: {  	_ =	shalt  }
0x6e: {  	_ =	shalt  }
0x6f: {  	_ =	shalt  }
0x70: {  	_ =	shalt  }
0x71: {  	_ =	shalt  }
0x72: {  	_ =	shalt  }
0x73: {  	_ =	shalt  }
0x74: {  	_ =	shalt  }
0x75: {  	_ =	shalt  }
0x76: {  	_ =	shalt  }
0x77: {  	_ =	shalt  }
0x78: {  	_ =	shalt  }
0x79: {  	_ =	shalt  }
0x7a: {  	_ =	shalt  }
0x7b: {  	_ =	shalt  }
0x7c: {  	_ =	shalt  }
0x7d: {  	_ =	shalt  }
0x7e: {  	_ =	shalt  }
0x7f: {  	_ =	shalt  }
0x80: {  	_ =	shalt  }
0x81: {  	_ =	shalt  }
0x82: {  	_ =	shalt  }
0x83: {  	_ =	shalt  }
0x84: {  	_ =	shalt  }
0x85: {  	_ =	shalt  }
0x86: {  	_ =	shalt  }
0x87: {  	_ =	shalt  }
.Lfunc_end0:
.L_simem_size_0:
called_computation_lowered:
.L_overlay_start_0:
0x88: {  	s2 =	sld [smem:$0x3FD9]  }
0x89: {  	s3 =	sld [smem:$0x3FFE];
	_ =	sdelay $0x1  }
0x8a: {  	s1 =	srdreg.scid  }
0x8b: {  	s0 =	sand.u32 $0x1, s1  }
0x8c: {  	s16 =	sshll.u32 s0, $0xA;
	s2 =	sadd.s32 s3, s2  }
0x8d: {  	s2 =	sadd.s32 s2, s16  }
0x8e: {  	[smem:$0x3FBD] =	sst s2  }
0x8f: {  	_ = 	snop  }
0x90: {  	(tm) =	ssettm $0x1  }
0x91: {  	s17 =	sld [smem:$0x3FFB];
	_ =	sdelay $0x3  }
0x92: {  	_ =	strace s17  }
0x93: {  	s2 =	sld [smem:$0x3FFC];
	_ =	sdelay $0x3  }
0x94: {  	_ =	strace s2  }
0x95: {  	s2 =	sld [smem:$0x3FFD];
	_ =	sdelay $0x3  }
0x96: {  	_ =	strace s2  }
0x97: {  	_ =	strace $0x8FFFFFFF  }
0x98: {  	s18 =	sld [smem:$0x3FDB];
	_ =	sdelay $0x1  }
0x99: {  	s19 =	simm.s32 $_scs_section_size  }
0x9a: {  	s4 =	simm.s32 $_size__tile_overlayer_lowered;
	s5 =	simm.s32 $_tile_overlayer_lowered  }
0x9b: {  	s22 =	simm.s32 $0x1BFF;
	s21 =	sshll.u32 s5, $0x1;
	s2 =	sadd.s32 s19, s18  }
0x9c: {  	s6 =	simm.s32 $0x0;
	s20 =	sshll.u32 s4, $0x1;
	s4 =	sadd.s32 s21, s2  }
0x9d: {  	[timem:s6], [sflag:s22] =	dma.local [hbm:s4], s20  }
0x9e: {  	_ =	swait.ge [sflag:s22], s20  }
0x9f: {  	s3 =	ssub.s32 $0x0, s20;
	[sflag:s22] =	ssyncset.done $0x0  }
0xa0: {  	[sflag:s22] =	ssyncadd.s32 s3;
	_ =	sdelay $0x1  }
0xa1: {  	s23 =	simm.s32 $0x1B8B  }
0xa2: {  	_ =	swait.ge [sflag:s23], $0x1  }
0xa3: {  	[sflag:s23] =	ssyncset.done $0x0  }
0xa4: {  	s25 =	simm.s32 $0x1B8E;
	s24 =	sld [smem:$0x3FFE];
	[sflag:s23] =	ssyncadd.s32 $0xFFFFFFFF  }
0xa5: {  	s26 =	simm.s32 $execute0_lowered;
	[smem:$0x3FD2] =	sst s25  }
0xa6: {  	s4 =	sshll.u32 s26, $0x1;
	_ =	strace $0x80000046;
	[dreg:$0x1] =	wrdreg $0xFFFFFFFF  }
0xa7: {  	s28 =	simm.s32 $_size_execute0_lowered;
	s2 =	sadd.s32 s2, s4;
	[dreg:$0x0] =	wrdreg $0x0  }
0xa8: {  	s4 =	sshll.u32 s28, $0x1;
	[dreg:$0x2] =	wrdreg s2  }
0xa9: {  	[dreg:$0x3] =	wrdreg s4  }
0xaa: {  	[dreg:$0x4] =	wrdreg $0xC0  }
0xab: {  	_ =	task [dreg:s6], $0x5FFFF  }
0xac: {  	[dreg:$0x1] =	wrdreg $0xFFFFFFFF  }
0xad: {  	[dreg:$0x0] =	wrdreg $0x60  }
0xae: {  	[dreg:$0x2] =	wrdreg s24  }
0xaf: {  	[dreg:$0x3] =	wrdreg $0x9  }
0xb0: {  	_ =	task.clear_ibuf [dreg:s6], $0x4FFFF;
	_ =	strace $0x90000046  }
0xb1: {  	s29 =	simm.s32 $0x9;
	_ =	strace $0x80000048  }
0xb2: {  	_ =	swait.ge [sflag:s29], $0x1  }
0xb3: {  	[sflag:s29] =	ssyncadd.s32 $0xFFFFFFFF  }
0xb4: {  	_ =	strace $0x90000048  }
0xb5: {  	_ =	sfence  }
0xb6: {  	s30 =	sld [smem:$0x0];
	_ =	sdelay $0x2  }
0xb7: {  	s31 =	sshll.u32 s1, $0xD;
	s1 =	sshrl.u32 s1, $0x2  }
0xb8: {  	s3 =	sand.u32 $0x4000, s31;
	s1 =	sadd.s32 s1, s30  }
0xb9: {  	s0 =	sor.u32 s3, s0;
	s1 =	sshll.u32 s1, $0x11  }
0xba: {  	s0 =	sor.u32 s1, s0  }
0xbb: {  	s0 =	sadd.s32 $0x8F2B, s0  }
0xbc: {  	[sflag:s0] =	ssyncadd.remote.s32 $0x1  }
0xbd: {  	_ =	sfence.sel $0xFFFF  }
0xbe: {  	[dreg:$0x0] =	wrdreg $0xFFFFFFFF;
	(pc) =	sbr.abs _section_cstart, $3  }
0xbf: {  	[dreg:$0x1] =	wrdreg $0xFFFFFFFF  }
0xc0: {  	_ =	task.clear_ibuf [dreg:s6], $0x2FFFF;
	_ =	strace $0x9FFFFFFF  }
0xc1: {  	(tm) =	ssettm $0x7FFFFFFF  }
tec
execute0_lowered:
.L_overlay_start_1:
0x0: {  	(tag) =	ssettag $0x1  }
0x1: {  	s0 =	srdreg.scid  }
0x2: {  	s4 =	rddreg [dreg:$0x0];
	s2 =	simm.s32 $0x0;
	s3 =	sand.u32 $0x1, s0  }
0x3: {  	s8 =	simm.s32 $0x1;
	s0 =	stileid.u32;
	s1 =	sshll.u32 s3, $0x4  }
0x4: {  	s9 =	simm.s32 $0x80;
	s10 =	simm.s32 $0x400;
	s5 =	sor.u32 s0, s1  }
0x5: {  	s11 =	simm.s32 $0x0;
	[smem:$0x7FF] =	sst s2;
	s6 =	sshrl.u32 s5, $0x3  }
0x6: {  	s7 =	sshll.u32 s0, $0x7;
	s30 =	ssub.s32 $0x2, s3;
	s6 =	smul.u32 $0x14000, s6  }
0x7: {  	s3 =	sadd.s32 $0xE000, s4;
	s7 =	sand.u32 $0x380, s7;
	s5 =	smul.u32 $0x500, s5  }
0x8: {  	s1 =	rddreg [dreg:$0x1];
	_ =	strace $0x80000047;
	s6 =	sor.u32 s7, s6  }
0x9: {  	s31 =	sshrl.u32 s30, $0x1;
	s5 =	sadd.s32 s5, s4;
	s6 =	sshrl.u32 s6, $0x3  }
0xa: {  	s7 =	ssub.s32 s30, s31;
	s6 =	sadd.s32 s6, s4;
	s4 =	sadd.s32 $0x4000, s5  }
0xb: {  	v0 =	vimm.f32 $1.000000000e+00;
	s5 =	sadd.s32 $0xE600, s6;
	s6 =	smax.u32 s7, $0x1;
	s7 =	simm.s32 $0x2800  }
.LBB2_1:
0xc: {  	[tilespmem:s7], [sflag:$0x1] =	stream.linear.gather [hbm4b:s3+s2], $0x2800, $0x38;
	[tilespmem:$0x5000] =	vst v63  }
0xd: {  	_ =	swait.ge [sflag:s8], $0x2800  }
0xe: {  	[sflag:s8] =	ssyncset.done $0x0  }
0xf: {  	[sflag:s8] =	ssyncadd.s32 $0xFFFFD800  }
0x10: {  	[tilespmem:s2], [sflag:$0x1] =	stream.linear.gather [hbm4b:s4+s2], $0x2800, $0x38;
	[tilespmem:$0x5000] =	vst v63  }
0x11: {  	_ =	swait.ge [sflag:s8], $0x2800  }
0x12: {  	[sflag:s8] =	ssyncset.done $0x0  }
0x13: {  	s12 =	simm.s32 $0x0;
	[sflag:s8] =	ssyncadd.s32 $0xFFFFD800  }
.LBB2_2:
0x14: {  	s13 =	sshra.s32 s12, $0x2  }
0x15: {  	v1 =	vld [tilespmem:s13+$0x0];
	_ =	sdelay $0x7  }
0x16: {  	[tilespmem:v1+s7+$0x0] =	vst.idx.add.f32.msk $0xffff, v0  }
0x17: {  	v1 =	vld [tilespmem:s13+$0x10];
	_ =	sdelay $0x7  }
0x18: {  	[tilespmem:v1+s7+$0x0] =	vst.idx.add.f32.msk $0xffff, v0  }
0x19: {  	v1 =	vld [tilespmem:s13+$0x20];
	_ =	sdelay $0x7  }
0x1a: {  	[tilespmem:v1+s7+$0x0] =	vst.idx.add.f32.msk $0xffff, v0  }
0x1b: {  	v1 =	vld [tilespmem:s13+$0x30];
	_ =	sdelay $0x7  }
0x1c: {  	[tilespmem:v1+s7+$0x0] =	vst.idx.add.f32.msk $0xffff, v0  }
0x1d: {  	v1 =	vld [tilespmem:s13+$0x40];
	_ =	sdelay $0x7  }
0x1e: {  	[tilespmem:v1+s7+$0x0] =	vst.idx.add.f32.msk $0xffff, v0  }
0x1f: {  	v1 =	vld [tilespmem:s13+$0x50];
	_ =	sdelay $0x7  }
0x20: {  	[tilespmem:v1+s7+$0x0] =	vst.idx.add.f32.msk $0xffff, v0  }
0x21: {  	v1 =	vld [tilespmem:s13+$0x60];
	_ =	sdelay $0x7  }
0x22: {  	[tilespmem:v1+s7+$0x0] =	vst.idx.add.f32.msk $0xffff, v0  }
0x23: {  	v1 =	vld [tilespmem:s13+$0x70];
	_ =	sdelay $0x7  }
0x24: {  	[tilespmem:v1+s7+$0x0] =	vst.idx.add.f32.msk $0xffff, v0  }
0x25: {  	v1 =	vld [tilespmem:s13+$0x80];
	_ =	sdelay $0x7  }
0x26: {  	[tilespmem:v1+s7+$0x0] =	vst.idx.add.f32.msk $0xffff, v0  }
0x27: {  	v1 =	vld [tilespmem:s13+$0x90];
	_ =	sdelay $0x7  }
0x28: {  	[tilespmem:v1+s7+$0x0] =	vst.idx.add.f32.msk $0xffff, v0  }
0x29: {  	v1 =	vld [tilespmem:s13+$0xA0];
	_ =	sdelay $0x7  }
0x2a: {  	[tilespmem:v1+s7+$0x0] =	vst.idx.add.f32.msk $0xffff, v0  }
0x2b: {  	v1 =	vld [tilespmem:s13+$0xB0];
	_ =	sdelay $0x7  }
0x2c: {  	[tilespmem:v1+s7+$0x0] =	vst.idx.add.f32.msk $0xffff, v0  }
0x2d: {  	v1 =	vld [tilespmem:s13+$0xC0];
	_ =	sdelay $0x7  }
0x2e: {  	[tilespmem:v1+s7+$0x0] =	vst.idx.add.f32.msk $0xffff, v0  }
0x2f: {  	v1 =	vld [tilespmem:s13+$0xD0];
	_ =	sdelay $0x7  }
0x30: {  	[tilespmem:v1+s7+$0x0] =	vst.idx.add.f32.msk $0xffff, v0  }
0x31: {  	v1 =	vld [tilespmem:s13+$0xE0];
	_ =	sdelay $0x7  }
0x32: {  	[tilespmem:v1+s7+$0x0] =	vst.idx.add.f32.msk $0xffff, v0  }
0x33: {  	v1 =	vld [tilespmem:s13+$0xF0];
	_ =	sdelay $0x2  }
0x34: {  	p0 =	sne.s32 s12, $0x9C00  }
.Ltmp0:
0x35: {  	_ = 	snop;
	(pc) =	sbr.rel @p0 .LBB2_2-.Ltmp0, $2  }
0x36: {  	_ =	sdelay $0x2  }
0x37: {  	s12 =	sadd.s32 $0x400, s12;
	[tilespmem:v1+s7+$0x0] =	vst.idx.add.f32.msk $0xffff, v0  }
0x38: {  	s11 =	sadd.s32 $0x1, s11  }
0x39: {  	p0 =	sne.s32 s11, s6  }
.Ltmp1:
0x3a: {  	_ = 	snop;
	(pc) =	sbr.rel @p0 .LBB2_1-.Ltmp1, $4  }
0x3b: {  	[hbm4b:s5+s9] =	stream.strided.scatter [tilespmem:s7], [sflag:$0x1], $0x2800, s10, s9, $0x38;
	[tilespmem:$0x5000] =	vst v63  }
0x3c: {  	_ =	swait.ge [sflag:s8], $0x2800  }
0x3d: {  	[sflag:s8] =	ssyncset.done $0x0  }
0x3e: {  	[sflag:s8] =	ssyncadd.s32 $0xFFFFD800  }
0x3f: {  	_ =	sfence.sel $0x180000  }
0x40: {  	[bflag:$0x0] =	sbarrier.arrive $0xFFFF  }
0x41: {  	p0 =	sne.s32 s0, $0x0;
	_ =	strace $0x90000047  }
0x42: {  	s0 =	sadd.s32 @!p0 $0x100000, s1;
	[bflag:$0x2] =	sbarrier.arrive $0xFFFF  }
0x43: {  	[sflag:s0] =	ssyncadd.tile.s32 @!p0 $0x1;
	_ =	shalt  }
.Lfunc_end2:
_tile_overlayer_lowered:
.L_overlay_start_2:
0x44: {  	(tag) =	ssettag $0x2  }
0x45: {  	s0 =	rddreg [dreg:$0x0];
	s2 =	stileid.u32  }
0x46: {  	s1 =	rddreg [dreg:$0x1];
	p0 =	sne.s32 s2, $0x0  }
0x47: {  	s3 =	rddreg [dreg:$0x2];
	[bflag:$0x3] =	sbarrier.arrive $0xFFFF;
	s2 =	simm.s32 @!p0 $0x1C01  }
0x48: {  	[timem:s3], [sflag:s2] =	dma.local @!p0 [hbm:s0], s1  }
0x49: {  	s0 =	simm.s32 @!p0 $0x1  }
0x4a: {  	_ =	swait.ge @!p0 [sflag:s0], s1  }
0x4b: {  	s1 =	ssub.s32 @!p0 $0x0, s1;
	[sflag:s0] =	ssyncset.done @!p0 $0x0  }
0x4c: {  	[sflag:s0] =	ssyncadd.s32 @!p0 s1  }
0x4d: {  	[bflag:$0x3] =	sbarrier.arrive $0xFFFF  }
0x4e: {  	_ =	shalt  }

// kernel: kernel.15.cloned.1.call-start
scs
__scs_entry_jumppad:
0x0: {  	(pc) =	sbr.rel $0x88, $3  }
0x1: {  	(tag) =	ssettag $0x0;
	lr =	simm.s32 $0x1  }
0x2: {  	[smem:$0x3F96] =	sst lr;
	_ =	strace $0xD0000000  }
0x3: {  	_ = 	snop  }
0x4: {  	_ = 	snop  }
0x5: {  	_ = 	snop  }
0x6: {  	_ = 	snop  }
0x7: {  	_ = 	snop  }
__scs_overlays_trampoline_lowered:
0x8: {  	[smem:$0x3FA5] =	sst s0  }
0x9: {  	[smem:$0x3FA6] =	sst s1  }
0xa: {  	[smem:$0x3FA7] =	sst s2  }
0xb: {  	[smem:$0x3FA8] =	sst s3  }
0xc: {  	[smem:$0x3FA9] =	sst s4  }
0xd: {  	[smem:$0x3FAA] =	sst s5  }
0xe: {  	[smem:$0x3FAB] =	sst s6  }
0xf: {  	[smem:$0x3FAC] =	sst s7  }
0x10: {  	[smem:$0x3FAD] =	sst s8  }
0x11: {  	[smem:$0x3FAE] =	sst s9;
	s0 =	simm.s32 @!p0 $0x0  }
0x12: {  	s1 =	sld [smem:$0x3F94];
	s0 =	simm.s32 @p0 $0x1  }
0x13: {  	[smem:$0x3FAF] =	sst s0;
	s0 =	simm.s32 @!p1 $0x0  }
0x14: {  	s2 =	sld [smem:$0x3F93];
	s0 =	simm.s32 @p1 $0x1  }
0x15: {  	[smem:$0x3FB0] =	sst s0;
	s0 =	simm.s32 @!p2 $0x0  }
0x16: {  	s3 =	sld [smem:$0x3FDB];
	s0 =	simm.s32 @p2 $0x1  }
0x17: {  	s4 =	simm.s32 $0x1BF5;
	[smem:$0x3FB2] =	sst s0  }
0x18: {  	s0 =	sld [smem:$0x3F95];
	_ =	swait.ge [sflag:s4], $0x0  }
0x19: {  	s7 =	sld [smem:$0x3F96]  }
0x1a: {  	s8 =	sadd.s32 $0xFFFFE003, lr  }
0x1b: {  	s9 =	sadd.s32 $0xFFFFFEF7, lr;
	s5 =	simm.s32 $0xFFFFFFFF;
	p2 =	slt.u32 s8, $0xFFFFF086  }
0x1c: {  	p1 =	slt.u32 s9, $0xF7A;
	s5 =	simm.s32 @!p2 $0x0  }
0x1d: {  	s5 =	simm.s32 @p1 $0x1;
	p0 =	seq.s32 s7, s2  }
0x1e: {  	s7 =	smul.u32 @!p0 $0xF7A, s2;
	p2 =	seq.s32 @!p0 s5, $0x0  }
0x1f: {  	s9 =	smul.u32 $0xF7A, s1;
	s8 =	simm.s32 @!p0 $0x1BF5;
	p2 =	por !p2, p0  }
0x20: {  	[sflag:s8] =	ssyncset.s32 @!p0 $0xFFFFF086;
	s6 =	sadd.s32 @!p0 s3, s7;
	s7 =	simm.s32 @!p0 $0x108  }
0x21: {  	s3 =	sadd.s32 s3, s9;
	s6 =	sadd.s32 @!p0 $0x88, s6;
	s7 =	simm.s32 @p2 $0x1082  }
0x22: {  	[simem:s7], [sflag:s8] =	dma.local @!p0 [hbm:s6], $0xF7A  }
0x23: {  	s9 =	sor.u32 $0xD0000000, s2;
	s6 =	simm.s32 $0x108;
	_ =	swait.ge @!p0 [sflag:s8], $0x0  }
0x24: {  	s3 =	sadd.s32 $0x88, s3;
	s6 =	simm.s32 @!p1 $0x1082;
	[sflag:s4] =	ssyncset.s32 $0xFFFFF086  }
0x25: {  	[simem:s6], [sflag:s4] =	dma.local [hbm:s3], $0xF7A  }
0x26: {  	[smem:$0x3F96] =	sst s1;
	(tag) =	ssettag s2;
	_ =	strace s9  }
0x27: {  	s1 =	sld [smem:$0x3FA6]  }
0x28: {  	s2 =	sld [smem:$0x3FA7]  }
0x29: {  	s4 =	sld [smem:$0x3FA9]  }
0x2a: {  	p0 =	seq.s32 s5, $0x0;
	s5 =	sld [smem:$0x3FAA]  }
0x2b: {  	s6 =	sld [smem:$0x3FAB]  }
0x2c: {  	s7 =	sld [smem:$0x3FAC]  }
0x2d: {  	s3 =	simm.s32 $0x108;
	s8 =	sld [smem:$0x3FAD]  }
0x2e: {  	s3 =	simm.s32 @!p0 $0x1082;
	s9 =	sld [smem:$0x3FAE]  }
0x2f: {  	lr =	sadd.s32 s0, s3;
	s0 =	sld [smem:$0x3FA5]  }
0x30: {  	s3 =	sld [smem:$0x3FA8]  }
0x31: {  	[smem:$0x3FB1] =	sst s10  }
0x32: {  	s10 =	sld [smem:$0x3FAF];
	_ =	sdelay $0x3  }
0x33: {  	p0 =	seq.s32 s10, $0x1;
	s10 =	sld [smem:$0x3FB1];
	_ =	sdelay $0x3  }
0x34: {  	[smem:$0x3FB1] =	sst s10  }
0x35: {  	s10 =	sld [smem:$0x3FB0];
	_ =	sdelay $0x3  }
0x36: {  	p1 =	seq.s32 s10, $0x1;
	s10 =	sld [smem:$0x3FB1];
	_ =	sdelay $0x3  }
0x37: {  	[smem:$0x3FB1] =	sst s10  }
0x38: {  	s10 =	sld [smem:$0x3FB2]  }
0x39: {  	_ = 	snop;
	(pc) =	sbr.ind lr, $3  }
0x3a: {  	_ = 	snop  }
0x3b: {  	_ = 	snop  }
0x3c: {  	p2 =	seq.s32 s10, $0x1;
	s10 =	sld [smem:$0x3FB1]  }
0x3d: {  	_ =	shalt  }
0x3e: {  	_ =	shalt  }
0x3f: {  	_ =	shalt  }
0x40: {  	_ =	shalt  }
0x41: {  	_ =	shalt  }
0x42: {  	_ =	shalt  }
0x43: {  	_ =	shalt  }
0x44: {  	_ =	shalt  }
0x45: {  	_ =	shalt  }
0x46: {  	_ =	shalt  }
0x47: {  	_ =	shalt  }
0x48: {  	_ =	shalt  }
0x49: {  	_ =	shalt  }
0x4a: {  	_ =	shalt  }
0x4b: {  	_ =	shalt  }
0x4c: {  	_ =	shalt  }
0x4d: {  	_ =	shalt  }
0x4e: {  	_ =	shalt  }
0x4f: {  	_ =	shalt  }
0x50: {  	_ =	shalt  }
0x51: {  	_ =	shalt  }
0x52: {  	_ =	shalt  }
0x53: {  	_ =	shalt  }
0x54: {  	_ =	shalt  }
0x55: {  	_ =	shalt  }
0x56: {  	_ =	shalt  }
0x57: {  	_ =	shalt  }
0x58: {  	_ =	shalt  }
0x59: {  	_ =	shalt  }
0x5a: {  	_ =	shalt  }
0x5b: {  	_ =	shalt  }
0x5c: {  	_ =	shalt  }
0x5d: {  	_ =	shalt  }
0x5e: {  	_ =	shalt  }
0x5f: {  	_ =	shalt  }
0x60: {  	_ =	shalt  }
0x61: {  	_ =	shalt  }
0x62: {  	_ =	shalt  }
0x63: {  	_ =	shalt  }
0x64: {  	_ =	shalt  }
0x65: {  	_ =	shalt  }
0x66: {  	_ =	shalt  }
0x67: {  	_ =	shalt  }
0x68: {  	_ =	shalt  }
0x69: {  	_ =	shalt  }
0x6a: {  	_ =	shalt  }
0x6b: {  	_ =	shalt  }
0x6c: {  	_ =	shalt  }
0x6d: {  	_ =	shalt  }
0x6e: {  	_ =	shalt  }
0x6f: {  	_ =	shalt  }
0x70: {  	_ =	shalt  }
0x71: {  	_ =	shalt  }
0x72: {  	_ =	shalt  }
0x73: {  	_ =	shalt  }
0x74: {  	_ =	shalt  }
0x75: {  	_ =	shalt  }
0x76: {  	_ =	shalt  }
0x77: {  	_ =	shalt  }
0x78: {  	_ =	shalt  }
0x79: {  	_ =	shalt  }
0x7a: {  	_ =	shalt  }
0x7b: {  	_ =	shalt  }
0x7c: {  	_ =	shalt  }
0x7d: {  	_ =	shalt  }
0x7e: {  	_ =	shalt  }
0x7f: {  	_ =	shalt  }
0x80: {  	_ =	shalt  }
0x81: {  	_ =	shalt  }
0x82: {  	_ =	shalt  }
0x83: {  	_ =	shalt  }
0x84: {  	_ =	shalt  }
0x85: {  	_ =	shalt  }
0x86: {  	_ =	shalt  }
0x87: {  	_ =	shalt  }
.Lfunc_end0:
.L_simem_size_0:
called_computation.1_lowered:
.L_overlay_start_0:
0x88: {  	s2 =	sld [smem:$0x3FD9]  }
0x89: {  	s3 =	sld [smem:$0x3FFE];
	_ =	sdelay $0x1  }
0x8a: {  	s1 =	srdreg.scid  }
0x8b: {  	s0 =	sand.u32 $0x1, s1  }
0x8c: {  	s16 =	sshll.u32 s0, $0xA;
	s2 =	sadd.s32 s3, s2  }
0x8d: {  	s2 =	sadd.s32 s2, s16  }
0x8e: {  	[smem:$0x3FBD] =	sst s2  }
0x8f: {  	_ = 	snop  }
0x90: {  	(tm) =	ssettm $0x1  }
0x91: {  	s17 =	sld [smem:$0x3FFB];
	_ =	sdelay $0x3  }
0x92: {  	_ =	strace s17  }
0x93: {  	s2 =	sld [smem:$0x3FFC];
	_ =	sdelay $0x3  }
0x94: {  	_ =	strace s2  }
0x95: {  	s2 =	sld [smem:$0x3FFD];
	_ =	sdelay $0x3  }
0x96: {  	_ =	strace s2  }
0x97: {  	_ =	strace $0x8FFFFFFF  }
0x98: {  	s18 =	sld [smem:$0x3FDB];
	_ =	sdelay $0x1  }
0x99: {  	s19 =	simm.s32 $_scs_section_size  }
0x9a: {  	s4 =	simm.s32 $_size__tile_overlayer_lowered;
	s5 =	simm.s32 $_tile_overlayer_lowered  }
0x9b: {  	s22 =	simm.s32 $0x1BFF;
	s21 =	sshll.u32 s5, $0x1;
	s2 =	sadd.s32 s19, s18  }
0x9c: {  	s6 =	simm.s32 $0x0;
	s20 =	sshll.u32 s4, $0x1;
	s4 =	sadd.s32 s21, s2  }
0x9d: {  	[timem:s6], [sflag:s22] =	dma.local [hbm:s4], s20  }
0x9e: {  	_ =	swait.ge [sflag:s22], s20  }
0x9f: {  	s3 =	ssub.s32 $0x0, s20;
	[sflag:s22] =	ssyncset.done $0x0  }
0xa0: {  	[sflag:s22] =	ssyncadd.s32 s3;
	_ =	sdelay $0x1  }
0xa1: {  	s23 =	simm.s32 $0x1B8B  }
0xa2: {  	_ =	swait.ge [sflag:s23], $0x1  }
0xa3: {  	[sflag:s23] =	ssyncset.done $0x0  }
0xa4: {  	s25 =	simm.s32 $0x1B8E;
	s24 =	sld [smem:$0x3FFE];
	[sflag:s23] =	ssyncadd.s32 $0xFFFFFFFF  }
0xa5: {  	s26 =	simm.s32 $execute0_lowered;
	[smem:$0x3FD2] =	sst s25  }
0xa6: {  	s4 =	sshll.u32 s26, $0x1;
	_ =	strace $0x80000049;
	[dreg:$0x1] =	wrdreg $0xFFFFFFFF  }
0xa7: {  	s28 =	simm.s32 $_size_execute0_lowered;
	s2 =	sadd.s32 s2, s4;
	[dreg:$0x0] =	wrdreg $0x0  }
0xa8: {  	s4 =	sshll.u32 s28, $0x1;
	[dreg:$0x2] =	wrdreg s2  }
0xa9: {  	[dreg:$0x3] =	wrdreg s4  }
0xaa: {  	[dreg:$0x4] =	wrdreg $0xC0  }
0xab: {  	_ =	task [dreg:s6], $0x5FFFF  }
0xac: {  	[dreg:$0x1] =	wrdreg $0xFFFFFFFF  }
0xad: {  	[dreg:$0x0] =	wrdreg $0x60  }
0xae: {  	[dreg:$0x2] =	wrdreg s24  }
0xaf: {  	[dreg:$0x3] =	wrdreg $0x82000  }
0xb0: {  	[dreg:$0x4] =	wrdreg $0x9  }
0xb1: {  	_ =	task.clear_ibuf [dreg:s6], $0x5FFFF;
	_ =	strace $0x90000049  }
0xb2: {  	s29 =	simm.s32 $0x9;
	_ =	strace $0x8000004B  }
0xb3: {  	_ =	swait.ge [sflag:s29], $0x1  }
0xb4: {  	[sflag:s29] =	ssyncadd.s32 $0xFFFFFFFF  }
0xb5: {  	_ =	strace $0x9000004B  }
0xb6: {  	_ =	sfence  }
0xb7: {  	s30 =	sld [smem:$0x0];
	_ =	sdelay $0x2  }
0xb8: {  	s31 =	sshll.u32 s1, $0xD;
	s1 =	sshrl.u32 s1, $0x2  }
0xb9: {  	s3 =	sand.u32 $0x4000, s31;
	s1 =	sadd.s32 s1, s30  }
0xba: {  	s0 =	sor.u32 s3, s0;
	s1 =	sshll.u32 s1, $0x11  }
0xbb: {  	s0 =	sor.u32 s1, s0  }
0xbc: {  	s0 =	sadd.s32 $0x8F2B, s0  }
0xbd: {  	[sflag:s0] =	ssyncadd.remote.s32 $0x1  }
0xbe: {  	_ =	sfence.sel $0xFFFF  }
0xbf: {  	[dreg:$0x0] =	wrdreg $0xFFFFFFFF;
	(pc) =	sbr.abs _section_cstart, $3  }
0xc0: {  	[dreg:$0x1] =	wrdreg $0xFFFFFFFF  }
0xc1: {  	_ =	task.clear_ibuf [dreg:s6], $0x2FFFF;
	_ =	strace $0x9FFFFFFF  }
0xc2: {  	(tm) =	ssettm $0x7FFFFFFF  }
0xc3: {  	_ =	shalt  }
tec
execute0_lowered:
.L_overlay_start_1:
0x0: {  	(tag) =	ssettag $0x1  }
0x1: {  	s7 =	rddreg [dreg:$0x0]  }
0x2: {  	s2 =	rddreg [dreg:$0x1]  }
0x3: {  	s0 =	stileid.u32;
	s4 =	srdreg.scid;
	s3 =	simm.s32 $0x0  }
0x4: {  	s17 =	simm.s32 $0x100;
	s18 =	simm.s32 $0x80;
	s19 =	simm.s32 $0x200  }
0x5: {  	s20 =	simm.s32 $0x0;
	s8 =	smul.u32 $0x14000, s0;
	s11 =	sand.u32 $0x1, s4  }
0x6: {  	[smem:$0x7FF] =	sst s3;
	s4 =	sadd.s32 $0x22600, s7;
	s5 =	sadd.s32 $0x18600, s7  }
0x7: {  	s6 =	sadd.s32 $0x4000, s7;
	s10 =	smul.u32 $0x50000, s0;
	s29 =	sshll.u32 s0, $0x6  }
0x8: {  	s16 =	sshll.u32 s0, $0x7;
	s9 =	smul.u32 $0x140000, s11;
	_ =	strace $0x8000004A  }
0x9: {  	s25 =	ssub.s32 $0x2, s11;
	s13 =	sshll.u32 s11, $0x4;
	s31 =	sshll.u32 s11, $0xB  }
0xa: {  	s26 =	sshrl.u32 s25, $0x1;
	s10 =	sshrl.u32 s10, $0x2;
	s28 =	sor.u32 s0, s13  }
0xb: {  	s16 =	sor.u32 s16, s31;
	s9 =	sadd.s32 s8, s9;
	s8 =	sshrl.u32 s8, $0x3  }
0xc: {  	s14 =	ssub.s32 s25, s26;
	s15 =	sadd.s32 s10, s2;
	s30 =	sshll.u32 s28, $0x4  }
0xd: {  	p0 =	slt.u32 s28, $0x4;
	s9 =	sshrl.u32 s9, $0x3;
	s8 =	sadd.s32 s8, s7  }
0xe: {  	s10 =	sadd.s32 s6, s30;
	s13 =	smax.u32 s14, $0x1;
	s14 =	sor.u32 $0x1000, s16  }
0xf: {  	s15 =	sshrl.u32 s15, $0x3;
	s16 =	simm.s32 $0x3;
	s12 =	sadd.s32 s9, s7  }
0x10: {  	s7 =	sadd.s32 $0x4A600, s8;
	s11 =	sadd.s32 $0x72600, s12;
	s12 =	simm.s32 $0x4E  }
0x11: {  	s8 =	sor.u32 $0x1C03, s29;
	s9 =	sadd.s32 s5, s30;
	s12 =	simm.s32 @!p0 $0x4D  }
.LBB2_1:
0x12: {  	[spmem:s15], [sflag:s8] =	dma.local [hbm:s7], $0x2800  }
0x13: {  	_ =	swait.ge [sflag:s16], $0x2800  }
0x14: {  	[sflag:s16] =	ssyncset.done $0x0  }
0x15: {  	[sflag:s16] =	ssyncadd.s32 $0xFFFFD800  }
0x16: {  	[bflag:$0x0] =	sbarrier.arrive $0xFFFF  }
0x17: {  	[tilespmem:s3], [sflag:$0x3] =	stream.linear.gather [hbm4b:s9+s3], $0x80, $0x38;
	[tilespmem:$0x1C200] =	vst v63  }
0x18: {  	_ =	swait.ge [sflag:s16], $0x80  }
0x19: {  	[sflag:s16] =	ssyncset.done $0x0  }
0x1a: {  	p1 =	sne.s32 s12, $0x1;
	[sflag:s16] =	ssyncadd.s32 $0xFFFFFF80  }
0x1b: {  	[tilespmem:s17], [sflag:$0x3] =	stream.linear.gather [hbm4b:s10+s3], $0x80, $0x38;
	[tilespmem:$0x1C200] =	vst v63  }
.Ltmp0:
0x1c: {  	_ = 	snop;
	(pc) =	sbr.rel @!p1 .LBB2_2-.Ltmp0, $4  }
0x1d: {  	s21 =	simm.s32 $0x1;
	s25 =	sshrl.u32 s14, $0x3;
	_ =	swait.ge [sflag:s16], $0x80  }
0x1e: {  	p0 =	por $0x0, $0x0;
	s24 =	sand.u32 $0x1, s21;
	[sflag:s16] =	ssyncset.done $0x0  }
0x1f: {  	s28 =	sshll.u32 s24, $0x7;
	s26 =	sshll.u32 s24, $0xE;
	[sflag:s16] =	ssyncadd.s32 $0xFFFFFF80  }
0x20: {  	[tilespmem:s19], [sflag:$0x1] =	stream.indirect.gather [hbm4b:s4+s18], $0x80, s3, s18, $0xb8;
	[tilespmem:$0x1C200] =	vst v63  }
0x21: {  	s22 =	sadd.s32 s5, s25  }
0x22: {  	[tilespmem:s28], [sflag:$0x3] =	stream.linear.gather [hbm4b:s22+s3], $0x80, $0x38;
	[tilespmem:$0x1C200] =	vst v63  }
0x23: {  	_ =	swait.ge [sflag:s16], $0x80  }
0x24: {  	s23 =	sor.u32 $0x100, s28;
	[sflag:s16] =	ssyncset.done $0x0  }
0x25: {  	s29 =	sadd.s32 s6, s25;
	s30 =	sand.u32 $0x1, s3;
	[sflag:s16] =	ssyncadd.s32 $0xFFFFFF80  }
0x26: {  	[tilespmem:s23], [sflag:$0x3] =	stream.linear.gather [hbm4b:s29+s3], $0x80, $0x38;
	[tilespmem:$0x1C200] =	vst v63  }
0x27: {  	s24 =	sadd.s32 $0x1, s24;
	s26 =	sor.u32 $0x200, s26;
	_ =	swait.ge [sflag:s16], $0x80  }
0x28: {  	p1 =	sne.s32 s12, $0x2;
	p0 =	por $0x1, $0x1;
	[sflag:s16] =	ssyncset.done $0x0  }
0x29: {  	s22 =	simm.s32 $0x2;
	s29 =	sadd.s32 $0x1, s30;
	[sflag:s16] =	ssyncadd.s32 $0xFFFFFF80  }
0x2a: {  	[tilespmem:s26], [sflag:s24] =	stream.indirect.gather [hbm4b:s4+s18], $0x80, s28, s18, $0xb8;
	[tilespmem:$0x1C200] =	vst v63  }
0x2b: {  	s31 =	sshll.u32 s30, $0xE;
	s25 =	sshll.u32 s30, $0x7;
	_ =	swait.ge [sflag:s29], $0x4000  }
.Ltmp1:
0x2c: {  	s25 =	sor.u32 $0x100, s25;
	[sflag:s29] =	ssyncset.done $0x0;
	(pc) =	sbr.rel @!p1 .LBB2_4-.Ltmp1, $4  }
0x2d: {  	s23 =	sand.u32 $0x1, s22;
	s24 =	sor.u32 $0x200, s31;
	[sflag:s29] =	ssyncadd.s32 $0xFFFFC000  }
0x2e: {  	[spmem:s2] =	stream.indirect.scatter.add.f32 [tilespmem:s24], [sflag:$0x3], $0x80, s25, s18, $0xb8;
	[tilespmem:$0x1C200] =	vst v63  }
0x2f: {  	s28 =	sshll.u32 s23, $0x7;
	s24 =	sadd.s32 $0x1000, s14;
	_ =	swait.ge [sflag:s16], $0x4000  }
0x30: {  	s26 =	sshll.u32 s23, $0xE;
	s25 =	sshrl.u32 s24, $0x3;
	[sflag:s16] =	ssyncset.done $0x0  }
.LBB2_5:
0x31: {  	s29 =	sadd.s32 s5, s25;
	[sflag:s16] =	ssyncadd.s32 $0xFFFFC000  }
0x32: {  	s30 =	smov.u32 s22;
	s22 =	sadd.s32 $0x1, s22;
	s31 =	smov.u32 s26  }
0x33: {  	[tilespmem:s28], [sflag:$0x3] =	stream.linear.gather [hbm4b:s29+s3], $0x80, $0x38;
	[tilespmem:$0x1C200] =	vst v63  }
0x34: {  	s29 =	sand.u32 $0x1, s22;
	p1 =	sne.s32 s12, s22;
	_ =	swait.ge [sflag:s16], $0x80  }
0x35: {  	s0 =	sshll.u32 s29, $0x7;
	s26 =	sshll.u32 s29, $0xE;
	[sflag:s16] =	ssyncset.done $0x0  }
0x36: {  	s1 =	sor.u32 $0x100, s28;
	s25 =	sadd.s32 s6, s25;
	[sflag:s16] =	ssyncadd.s32 $0xFFFFFF80  }
0x37: {  	[tilespmem:s1], [sflag:$0x3] =	stream.linear.gather [hbm4b:s25+s3], $0x80, $0x38;
	[tilespmem:$0x1C200] =	vst v63  }
0x38: {  	_ =	swait.ge [sflag:s16], $0x80  }
0x39: {  	s1 =	sand.u32 $0x1, s21;
	s21 =	sadd.s32 $0x1, s23;
	[sflag:s16] =	ssyncset.done $0x0  }
0x3a: {  	s23 =	sor.u32 $0x200, s31;
	s25 =	sadd.s32 $0x1, s1;
	[sflag:s16] =	ssyncadd.s32 $0xFFFFFF80  }
0x3b: {  	[tilespmem:s23], [sflag:s21] =	stream.indirect.gather [hbm4b:s4+s18], $0x80, s28, s18, $0xb8;
	[tilespmem:$0x1C200] =	vst v63  }
0x3c: {  	s23 =	sshll.u32 s1, $0xE;
	s1 =	sshll.u32 s1, $0x7;
	_ =	swait.ge [sflag:s25], $0x4000  }
.Ltmp2:
0x3d: {  	s21 =	smov.u32 s30;
	[sflag:s25] =	ssyncset.done $0x0;
	(pc) =	sbr.rel @p1 .LBB2_5-.Ltmp2, $4  }
0x3e: {  	s23 =	sor.u32 $0x200, s23;
	s1 =	sor.u32 $0x100, s1;
	[sflag:s25] =	ssyncadd.s32 $0xFFFFC000  }
0x3f: {  	[spmem:s2] =	stream.indirect.scatter.add.f32 [tilespmem:s23], [sflag:$0x3], $0x80, s1, s18, $0xb8;
	[tilespmem:$0x1C200] =	vst v63  }
0x40: {  	s24 =	sadd.s32 $0x1000, s24;
	s23 =	smov.u32 s29;
	_ =	swait.ge [sflag:s16], $0x4000  }
0x41: {  	s28 =	smov.u32 s0;
	s25 =	sshrl.u32 s24, $0x3;
	[sflag:s16] =	ssyncset.done $0x0  }
0x42: {  	s24 =	smov.u32 s23  }
.LBB2_7:
0x43: {  	s0 =	sadd.s32 s5, s25;
	[sflag:s16] =	ssyncadd.s32 @p0 $0xFFFFC000  }
0x44: {  	[tilespmem:s28], [sflag:$0x3] =	stream.linear.gather [hbm4b:s0+s3], $0x80, $0x38;
	[tilespmem:$0x1C200] =	vst v63  }
0x45: {  	_ =	swait.ge [sflag:s16], $0x80  }
0x46: {  	[sflag:s16] =	ssyncset.done $0x0  }
0x47: {  	s1 =	sadd.s32 s6, s25;
	s0 =	sor.u32 $0x100, s28;
	[sflag:s16] =	ssyncadd.s32 $0xFFFFFF80  }
0x48: {  	[tilespmem:s0], [sflag:$0x3] =	stream.linear.gather [hbm4b:s1+s3], $0x80, $0x38;
	[tilespmem:$0x1C200] =	vst v63  }
0x49: {  	_ =	swait.ge [sflag:s16], $0x80  }
0x4a: {  	s29 =	sand.u32 $0x1, s21;
	s30 =	sadd.s32 $0x1, s24;
	[sflag:s16] =	ssyncset.done $0x0  }
0x4b: {  	s22 =	sor.u32 $0x200, s26;
	s23 =	sadd.s32 $0x1, s29;
	[sflag:s16] =	ssyncadd.s32 $0xFFFFFF80  }
0x4c: {  	[tilespmem:s22], [sflag:s30] =	stream.indirect.gather [hbm4b:s4+s18], $0x80, s28, s18, $0xb8;
	[tilespmem:$0x1C200] =	vst v63  }
0x4d: {  	_ =	swait.ge [sflag:s23], $0x4000  }
0x4e: {  	s31 =	sshll.u32 s29, $0xE;
	s1 =	sshll.u32 s29, $0x7;
	[sflag:s23] =	ssyncset.done $0x0  }
0x4f: {  	s24 =	sor.u32 $0x200, s31;
	s1 =	sor.u32 $0x100, s1;
	[sflag:s23] =	ssyncadd.s32 $0xFFFFC000  }
0x50: {  	[spmem:s2] =	stream.indirect.scatter.add.f32 [tilespmem:s24], [sflag:$0x3], $0x80, s1, s18, $0xb8;
	[tilespmem:$0x1C200] =	vst v63  }
0x51: {  	_ =	swait.ge [sflag:s16], $0x4000  }
0x52: {  	[sflag:s16] =	ssyncset.done $0x0  }
0x53: {  	[sflag:s16] =	ssyncadd.s32 $0xFFFFC000  }
0x54: {  	_ =	swait.ge [sflag:s30], $0x4000  }
0x55: {  	[sflag:s30] =	ssyncset.done $0x0  }
0x56: {  	[sflag:s30] =	ssyncadd.s32 $0xFFFFC000  }
0x57: {  	[spmem:s2] =	stream.indirect.scatter.add.f32 [tilespmem:s22], [sflag:$0x3], $0x80, s0, s18, $0xb8;
	[tilespmem:$0x1C200] =	vst v63  }
0x58: {  	_ =	swait.ge [sflag:s16], $0x4000  }
0x59: {  	[sflag:s16] =	ssyncset.done $0x0  }
0x5a: {  	s20 =	sadd.s32 $0x1, s20;
	[sflag:s16] =	ssyncadd.s32 $0xFFFFC000  }
0x5b: {  	p0 =	sne.s32 s20, s13;
	[bflag:$0x0] =	sbarrier.arrive $0xFFFF  }
0x5c: {  	[hbm:s11], [sflag:s8] =	dma.local [spmem:s15], $0x2800  }
.Ltmp3:
0x5d: {  	_ = 	snop;
	(pc) =	sbr.rel @p0 .LBB2_1-.Ltmp3, $4  }
.Ltmp4:
0x5e: {  	_ = 	snop;
	(pc) =	sbr.rel @!p0 .LBB2_8-.Ltmp4, $4  }
0x5f: {  	_ =	swait.ge [sflag:s16], $0x2800  }
0x60: {  	[sflag:s16] =	ssyncset.done $0x0  }
0x61: {  	[sflag:s16] =	ssyncadd.s32 $0xFFFFD800  }
0x62: {  	_ = 	snop  }
.LBB2_2:
.Ltmp5:
0x63: {  	(pc) =	sbr.rel .LBB2_7-.Ltmp5, $2  }
0x64: {  	_ =	sdelay $0x2  }
0x65: {  	s21 =	simm.s32 $0x0  }
.LBB2_4:
.Ltmp6:
0x66: {  	(pc) =	sbr.rel .LBB2_7-.Ltmp6, $2  }
0x67: {  	_ =	sdelay $0x2  }
0x68: {  	s24 =	smov.u32 s23  }
.LBB2_8:
0x69: {  	_ =	sfence.sel $0x180000  }
0x6a: {  	[bflag:$0x0] =	sbarrier.arrive $0xFFFF  }
0x6b: {  	_ =	strace $0x9000004A  }
0x6c: {  	s0 =	stileid.u32;
	[bflag:$0x2] =	sbarrier.arrive $0xFFFF  }
0x6d: {  	p0 =	sne.s32 s0, $0x0;
	s0 =	rddreg [dreg:$0x2]  }
0x6e: {  	s0 =	sadd.s32 @!p0 $0x100000, s0  }
0x6f: {  	[sflag:s0] =	ssyncadd.tile.s32 @!p0 $0x1;
	_ =	shalt  }
.Lfunc_end2:
_tile_overlayer_lowered:
.L_overlay_start_2:
0x70: {  	(tag) =	ssettag $0x2  }
0x71: {  	s0 =	rddreg [dreg:$0x0];
	s2 =	stileid.u32  }
0x72: {  	s1 =	rddreg [dreg:$0x1];
	p0 =	sne.s32 s2, $0x0  }
0x73: {  	s3 =	rddreg [dreg:$0x2];
	[bflag:$0x3] =	sbarrier.arrive $0xFFFF;
	s2 =	simm.s32 @!p0 $0x1C03  }
0x74: {  	[timem:s3], [sflag:s2] =	dma.local @!p0 [hbm:s0], s1  }
0x75: {  	s0 =	simm.s32 @!p0 $0x3  }
0x76: {  	_ =	swait.ge @!p0 [sflag:s0], s1  }
0x77: {  	s1 =	ssub.s32 @!p0 $0x0, s1;
	[sflag:s0] =	ssyncset.done @!p0 $0x0  }
0x78: {  	[sflag:s0] =	ssyncadd.s32 @!p0 s1  }
0x79: {  	[bflag:$0x3] =	sbarrier.arrive $0xFFFF  }
0x7a: {  	_ =	shalt  }

// kernel: kernel.18.cloned.1.call-start
scs
__scs_entry_jumppad:
0x0: {  	(pc) =	sbr.rel $0x88, $3  }
0x1: {  	(tag) =	ssettag $0x0;
	lr =	simm.s32 $0x1  }
0x2: {  	[smem:$0x3F96] =	sst lr;
	_ =	strace $0xD0000000  }
0x3: {  	_ = 	snop  }
0x4: {  	_ = 	snop  }
0x5: {  	_ = 	snop  }
0x6: {  	_ = 	snop  }
0x7: {  	_ = 	snop  }
__scs_overlays_trampoline_lowered:
0x8: {  	[smem:$0x3FA5] =	sst s0  }
0x9: {  	[smem:$0x3FA6] =	sst s1  }
0xa: {  	[smem:$0x3FA7] =	sst s2  }
0xb: {  	[smem:$0x3FA8] =	sst s3  }
0xc: {  	[smem:$0x3FA9] =	sst s4  }
0xd: {  	[smem:$0x3FAA] =	sst s5  }
0xe: {  	[smem:$0x3FAB] =	sst s6  }
0xf: {  	[smem:$0x3FAC] =	sst s7  }
0x10: {  	[smem:$0x3FAD] =	sst s8  }
0x11: {  	[smem:$0x3FAE] =	sst s9;
	s0 =	simm.s32 @!p0 $0x0  }
0x12: {  	s1 =	sld [smem:$0x3F94];
	s0 =	simm.s32 @p0 $0x1  }
0x13: {  	[smem:$0x3FAF] =	sst s0;
	s0 =	simm.s32 @!p1 $0x0  }
0x14: {  	s2 =	sld [smem:$0x3F93];
	s0 =	simm.s32 @p1 $0x1  }
0x15: {  	[smem:$0x3FB0] =	sst s0;
	s0 =	simm.s32 @!p2 $0x0  }
0x16: {  	s3 =	sld [smem:$0x3FDB];
	s0 =	simm.s32 @p2 $0x1  }
0x17: {  	s4 =	simm.s32 $0x1BF5;
	[smem:$0x3FB2] =	sst s0  }
0x18: {  	s0 =	sld [smem:$0x3F95];
	_ =	swait.ge [sflag:s4], $0x0  }
0x19: {  	s7 =	sld [smem:$0x3F96]  }
0x1a: {  	s8 =	sadd.s32 $0xFFFFE003, lr  }
0x1b: {  	s9 =	sadd.s32 $0xFFFFFEF7, lr;
	s5 =	simm.s32 $0xFFFFFFFF;
	p2 =	slt.u32 s8, $0xFFFFF086  }
0x1c: {  	p1 =	slt.u32 s9, $0xF7A;
	s5 =	simm.s32 @!p2 $0x0  }
0x1d: {  	s5 =	simm.s32 @p1 $0x1;
	p0 =	seq.s32 s7, s2  }
0x1e: {  	s7 =	smul.u32 @!p0 $0xF7A, s2;
	p2 =	seq.s32 @!p0 s5, $0x0  }
0x1f: {  	s9 =	smul.u32 $0xF7A, s1;
	s8 =	simm.s32 @!p0 $0x1BF5;
	p2 =	por !p2, p0  }
0x20: {  	[sflag:s8] =	ssyncset.s32 @!p0 $0xFFFFF086;
	s6 =	sadd.s32 @!p0 s3, s7;
	s7 =	simm.s32 @!p0 $0x108  }
0x21: {  	s3 =	sadd.s32 s3, s9;
	s6 =	sadd.s32 @!p0 $0x88, s6;
	s7 =	simm.s32 @p2 $0x1082  }
0x22: {  	[simem:s7], [sflag:s8] =	dma.local @!p0 [hbm:s6], $0xF7A  }
0x23: {  	s9 =	sor.u32 $0xD0000000, s2;
	s6 =	simm.s32 $0x108;
	_ =	swait.ge @!p0 [sflag:s8], $0x0  }
0x24: {  	s3 =	sadd.s32 $0x88, s3;
	s6 =	simm.s32 @!p1 $0x1082;
	[sflag:s4] =	ssyncset.s32 $0xFFFFF086  }
0x25: {  	[simem:s6], [sflag:s4] =	dma.local [hbm:s3], $0xF7A  }
0x26: {  	[smem:$0x3F96] =	sst s1;
	(tag) =	ssettag s2;
	_ =	strace s9  }
0x27: {  	s1 =	sld [smem:$0x3FA6]  }
0x28: {  	s2 =	sld [smem:$0x3FA7]  }
0x29: {  	s4 =	sld [smem:$0x3FA9]  }
0x2a: {  	p0 =	seq.s32 s5, $0x0;
	s5 =	sld [smem:$0x3FAA]  }
0x2b: {  	s6 =	sld [smem:$0x3FAB]  }
0x2c: {  	s7 =	sld [smem:$0x3FAC]  }
0x2d: {  	s3 =	simm.s32 $0x108;
	s8 =	sld [smem:$0x3FAD]  }
0x2e: {  	s3 =	simm.s32 @!p0 $0x1082;
	s9 =	sld [smem:$0x3FAE]  }
0x2f: {  	lr =	sadd.s32 s0, s3;
	s0 =	sld [smem:$0x3FA5]  }
0x30: {  	s3 =	sld [smem:$0x3FA8]  }
0x31: {  	[smem:$0x3FB1] =	sst s10  }
0x32: {  	s10 =	sld [smem:$0x3FAF];
	_ =	sdelay $0x3  }
0x33: {  	p0 =	seq.s32 s10, $0x1;
	s10 =	sld [smem:$0x3FB1];
	_ =	sdelay $0x3  }
0x34: {  	[smem:$0x3FB1] =	sst s10  }
0x35: {  	s10 =	sld [smem:$0x3FB0];
	_ =	sdelay $0x3  }
0x36: {  	p1 =	seq.s32 s10, $0x1;
	s10 =	sld [smem:$0x3FB1];
	_ =	sdelay $0x3  }
0x37: {  	[smem:$0x3FB1] =	sst s10  }
0x38: {  	s10 =	sld [smem:$0x3FB2]  }
0x39: {  	_ = 	snop;
	(pc) =	sbr.ind lr, $3  }
0x3a: {  	_ = 	snop  }
0x3b: {  	_ = 	snop  }
0x3c: {  	p2 =	seq.s32 s10, $0x1;
	s10 =	sld [smem:$0x3FB1]  }
0x3d: {  	_ =	shalt  }
0x3e: {  	_ =	shalt  }
0x3f: {  	_ =	shalt  }
0x40: {  	_ =	shalt  }
0x41: {  	_ =	shalt  }
0x42: {  	_ =	shalt  }
0x43: {  	_ =	shalt  }
0x44: {  	_ =	shalt  }
0x45: {  	_ =	shalt  }
0x46: {  	_ =	shalt  }
0x47: {  	_ =	shalt  }
0x48: {  	_ =	shalt  }
0x49: {  	_ =	shalt  }
0x4a: {  	_ =	shalt  }
0x4b: {  	_ =	shalt  }
0x4c: {  	_ =	shalt  }
0x4d: {  	_ =	shalt  }
0x4e: {  	_ =	shalt  }
0x4f: {  	_ =	shalt  }
0x50: {  	_ =	shalt  }
0x51: {  	_ =	shalt  }
0x52: {  	_ =	shalt  }
0x53: {  	_ =	shalt  }
0x54: {  	_ =	shalt  }
0x55: {  	_ =	shalt  }
0x56: {  	_ =	shalt  }
0x57: {  	_ =	shalt  }
0x58: {  	_ =	shalt  }
0x59: {  	_ =	shalt  }
0x5a: {  	_ =	shalt  }
0x5b: {  	_ =	shalt  }
0x5c: {  	_ =	shalt  }
0x5d: {  	_ =	shalt  }
0x5e: {  	_ =	shalt  }
0x5f: {  	_ =	shalt  }
0x60: {  	_ =	shalt  }
0x61: {  	_ =	shalt  }
0x62: {  	_ =	shalt  }
0x63: {  	_ =	shalt  }
0x64: {  	_ =	shalt  }
0x65: {  	_ =	shalt  }
0x66: {  	_ =	shalt  }
0x67: {  	_ =	shalt  }
0x68: {  	_ =	shalt  }
0x69: {  	_ =	shalt  }
0x6a: {  	_ =	shalt  }
0x6b: {  	_ =	shalt  }
0x6c: {  	_ =	shalt  }
0x6d: {  	_ =	shalt  }
0x6e: {  	_ =	shalt  }
0x6f: {  	_ =	shalt  }
0x70: {  	_ =	shalt  }
0x71: {  	_ =	shalt  }
0x72: {  	_ =	shalt  }
0x73: {  	_ =	shalt  }
0x74: {  	_ =	shalt  }
0x75: {  	_ =	shalt  }
0x76: {  	_ =	shalt  }
0x77: {  	_ =	shalt  }
0x78: {  	_ =	shalt  }
0x79: {  	_ =	shalt  }
0x7a: {  	_ =	shalt  }
0x7b: {  	_ =	shalt  }
0x7c: {  	_ =	shalt  }
0x7d: {  	_ =	shalt  }
0x7e: {  	_ =	shalt  }
0x7f: {  	_ =	shalt  }
0x80: {  	_ =	shalt  }
0x81: {  	_ =	shalt  }
0x82: {  	_ =	shalt  }
0x83: {  	_ =	shalt  }
0x84: {  	_ =	shalt  }
0x85: {  	_ =	shalt  }
0x86: {  	_ =	shalt  }
0x87: {  	_ =	shalt  }
.Lfunc_end0:
.L_simem_size_0:
called_computation.2_lowered:
.L_overlay_start_0:
0x88: {  	s2 =	sld [smem:$0x3FD9]  }
0x89: {  	s3 =	sld [smem:$0x3FFE];
	_ =	sdelay $0x1  }
0x8a: {  	s1 =	srdreg.scid  }
0x8b: {  	s0 =	sand.u32 $0x1, s1  }
0x8c: {  	s16 =	sshll.u32 s0, $0xA;
	s2 =	sadd.s32 s3, s2  }
0x8d: {  	s2 =	sadd.s32 s2, s16  }
0x8e: {  	[smem:$0x3FBD] =	sst s2  }
0x8f: {  	_ = 	snop  }
0x90: {  	(tm) =	ssettm $0x1  }
0x91: {  	s17 =	sld [smem:$0x3FFB];
	_ =	sdelay $0x3  }
0x92: {  	_ =	strace s17  }
0x93: {  	s2 =	sld [smem:$0x3FFC];
	_ =	sdelay $0x3  }
0x94: {  	_ =	strace s2  }
0x95: {  	s2 =	sld [smem:$0x3FFD];
	_ =	sdelay $0x3  }
0x96: {  	_ =	strace s2  }
0x97: {  	_ =	strace $0x8FFFFFFF  }
0x98: {  	s18 =	sld [smem:$0x3FDB];
	_ =	sdelay $0x1  }
0x99: {  	s19 =	simm.s32 $_scs_section_size  }
0x9a: {  	s4 =	simm.s32 $_size__tile_overlayer_lowered;
	s5 =	simm.s32 $_tile_overlayer_lowered  }
0x9b: {  	s22 =	simm.s32 $0x1BFF;
	s21 =	sshll.u32 s5, $0x1;
	s2 =	sadd.s32 s19, s18  }
0x9c: {  	s6 =	simm.s32 $0x0;
	s20 =	sshll.u32 s4, $0x1;
	s4 =	sadd.s32 s21, s2  }
0x9d: {  	[timem:s6], [sflag:s22] =	dma.local [hbm:s4], s20  }
0x9e: {  	_ =	swait.ge [sflag:s22], s20  }
0x9f: {  	s3 =	ssub.s32 $0x0, s20;
	[sflag:s22] =	ssyncset.done $0x0  }
0xa0: {  	[sflag:s22] =	ssyncadd.s32 s3;
	_ =	sdelay $0x1  }
0xa1: {  	s23 =	simm.s32 $0x1B8B  }
0xa2: {  	_ =	swait.ge [sflag:s23], $0x1  }
0xa3: {  	[sflag:s23] =	ssyncset.done $0x0  }
0xa4: {  	s25 =	simm.s32 $0x1B8E;
	s24 =	sld [smem:$0x3FFE];
	[sflag:s23] =	ssyncadd.s32 $0xFFFFFFFF  }
0xa5: {  	s26 =	simm.s32 $execute0_lowered;
	[smem:$0x3FD2] =	sst s25  }
0xa6: {  	s4 =	sshll.u32 s26, $0x1;
	_ =	strace $0x8000004C;
	[dreg:$0x1] =	wrdreg $0xFFFFFFFF  }
0xa7: {  	s28 =	simm.s32 $_size_execute0_lowered;
	s2 =	sadd.s32 s2, s4;
	[dreg:$0x0] =	wrdreg $0x0  }
0xa8: {  	s4 =	sshll.u32 s28, $0x1;
	[dreg:$0x2] =	wrdreg s2  }
0xa9: {  	[dreg:$0x3] =	wrdreg s4  }
0xaa: {  	[dreg:$0x4] =	wrdreg $0xC0  }
0xab: {  	_ =	task [dreg:s6], $0x5FFFF  }
0xac: {  	[dreg:$0x1] =	wrdreg $0xFFFFFFFF  }
0xad: {  	[dreg:$0x0] =	wrdreg $0x60  }
0xae: {  	[dreg:$0x2] =	wrdreg s24  }
0xaf: {  	[dreg:$0x3] =	wrdreg $0x82000  }
0xb0: {  	[dreg:$0x4] =	wrdreg $0x9  }
0xb1: {  	_ =	task.clear_ibuf [dreg:s6], $0x5FFFF;
	_ =	strace $0x9000004C  }
0xb2: {  	s29 =	simm.s32 $0x9;
	_ =	strace $0x8000004E  }
0xb3: {  	_ =	swait.ge [sflag:s29], $0x1  }
0xb4: {  	[sflag:s29] =	ssyncadd.s32 $0xFFFFFFFF  }
0xb5: {  	_ =	strace $0x9000004E  }
0xb6: {  	_ =	sfence  }
0xb7: {  	s30 =	sld [smem:$0x0];
	_ =	sdelay $0x2  }
0xb8: {  	s31 =	sshll.u32 s1, $0xD;
	s1 =	sshrl.u32 s1, $0x2  }
0xb9: {  	s3 =	sand.u32 $0x4000, s31;
	s1 =	sadd.s32 s1, s30  }
0xba: {  	s0 =	sor.u32 s3, s0;
	s1 =	sshll.u32 s1, $0x11  }
0xbb: {  	s0 =	sor.u32 s1, s0  }
0xbc: {  	s0 =	sadd.s32 $0x8F2B, s0  }
0xbd: {  	[sflag:s0] =	ssyncadd.remote.s32 $0x1  }
0xbe: {  	_ =	sfence.sel $0xFFFF  }
0xbf: {  	[dreg:$0x0] =	wrdreg $0xFFFFFFFF;
	(pc) =	sbr.abs _section_cstart, $3  }
0xc0: {  	[dreg:$0x1] =	wrdreg $0xFFFFFFFF  }
0xc1: {  	_ =	task.clear_ibuf [dreg:s6], $0x2FFFF;
	_ =	strace $0x9FFFFFFF  }
0xc2: {  	(tm) =	ssettm $0x7FFFFFFF  }
0xc3: {  	_ =	shalt  }
tec
execute0_lowered:
.L_overlay_start_1:
0x0: {  	(tag) =	ssettag $0x1  }
0x1: {  	s7 =	rddreg [dreg:$0x0]  }
0x2: {  	s2 =	rddreg [dreg:$0x1]  }
0x3: {  	s0 =	stileid.u32;
	s4 =	srdreg.scid;
	s3 =	simm.s32 $0x0  }
0x4: {  	s17 =	simm.s32 $0x100;
	s18 =	simm.s32 $0x80;
	s19 =	simm.s32 $0x200  }
0x5: {  	s20 =	simm.s32 $0x0;
	s8 =	smul.u32 $0x14000, s0;
	s11 =	sand.u32 $0x1, s4  }
0x6: {  	[smem:$0x7FF] =	sst s3;
	s4 =	sadd.s32 $0x22600, s7;
	s5 =	sadd.s32 $0x18600, s7  }
0x7: {  	s6 =	sadd.s32 $0x4000, s7;
	s10 =	smul.u32 $0x50000, s0;
	s29 =	sshll.u32 s0, $0x6  }
0x8: {  	s16 =	sshll.u32 s0, $0x7;
	s9 =	smul.u32 $0x140000, s11;
	_ =	strace $0x8000004D  }
0x9: {  	s25 =	ssub.s32 $0x2, s11;
	s13 =	sshll.u32 s11, $0x4;
	s31 =	sshll.u32 s11, $0xB  }
0xa: {  	s26 =	sshrl.u32 s25, $0x1;
	s10 =	sshrl.u32 s10, $0x2;
	s28 =	sor.u32 s0, s13  }
0xb: {  	s16 =	sor.u32 s16, s31;
	s9 =	sadd.s32 s8, s9;
	s8 =	sshrl.u32 s8, $0x3  }
0xc: {  	s14 =	ssub.s32 s25, s26;
	s15 =	sadd.s32 s10, s2;
	s30 =	sshll.u32 s28, $0x4  }
0xd: {  	p0 =	slt.u32 s28, $0x4;
	s9 =	sshrl.u32 s9, $0x3;
	s8 =	sadd.s32 s8, s7  }
0xe: {  	s10 =	sadd.s32 s6, s30;
	s13 =	smax.u32 s14, $0x1;
	s14 =	sor.u32 $0x1000, s16  }
0xf: {  	s15 =	sshrl.u32 s15, $0x3;
	s16 =	simm.s32 $0x3;
	s12 =	sadd.s32 s9, s7  }
0x10: {  	s7 =	sadd.s32 $0x4A600, s8;
	s11 =	sadd.s32 $0x72600, s12;
	s12 =	simm.s32 $0x4E  }
0x11: {  	s8 =	sor.u32 $0x1C03, s29;
	s9 =	sadd.s32 s5, s30;
	s12 =	simm.s32 @!p0 $0x4D  }
.LBB2_1:
0x12: {  	[spmem:s15], [sflag:s8] =	dma.local [hbm:s7], $0x2800  }
0x13: {  	_ =	swait.ge [sflag:s16], $0x2800  }
0x14: {  	[sflag:s16] =	ssyncset.done $0x0  }
0x15: {  	[sflag:s16] =	ssyncadd.s32 $0xFFFFD800  }
0x16: {  	[bflag:$0x0] =	sbarrier.arrive $0xFFFF  }
0x17: {  	[tilespmem:s3], [sflag:$0x3] =	stream.linear.gather [hbm4b:s9+s3], $0x80, $0x38;
	[tilespmem:$0x1C200] =	vst v63  }
0x18: {  	_ =	swait.ge [sflag:s16], $0x80  }
0x19: {  	[sflag:s16] =	ssyncset.done $0x0  }
0x1a: {  	p1 =	sne.s32 s12, $0x1;
	[sflag:s16] =	ssyncadd.s32 $0xFFFFFF80  }
0x1b: {  	[tilespmem:s17], [sflag:$0x3] =	stream.linear.gather [hbm4b:s10+s3], $0x80, $0x38;
	[tilespmem:$0x1C200] =	vst v63  }
.Ltmp0:
0x1c: {  	_ = 	snop;
	(pc) =	sbr.rel @!p1 .LBB2_2-.Ltmp0, $4  }
0x1d: {  	s21 =	simm.s32 $0x1;
	s25 =	sshrl.u32 s14, $0x3;
	_ =	swait.ge [sflag:s16], $0x80  }
0x1e: {  	p0 =	por $0x0, $0x0;
	s24 =	sand.u32 $0x1, s21;
	[sflag:s16] =	ssyncset.done $0x0  }
0x1f: {  	s28 =	sshll.u32 s24, $0x7;
	s26 =	sshll.u32 s24, $0xE;
	[sflag:s16] =	ssyncadd.s32 $0xFFFFFF80  }
0x20: {  	[tilespmem:s19], [sflag:$0x1] =	stream.indirect.gather [hbm4b:s4+s18], $0x80, s3, s18, $0xb8;
	[tilespmem:$0x1C200] =	vst v63  }
0x21: {  	s22 =	sadd.s32 s5, s25  }
0x22: {  	[tilespmem:s28], [sflag:$0x3] =	stream.linear.gather [hbm4b:s22+s3], $0x80, $0x38;
	[tilespmem:$0x1C200] =	vst v63  }
0x23: {  	_ =	swait.ge [sflag:s16], $0x80  }
0x24: {  	s23 =	sor.u32 $0x100, s28;
	[sflag:s16] =	ssyncset.done $0x0  }
0x25: {  	s29 =	sadd.s32 s6, s25;
	s30 =	sand.u32 $0x1, s3;
	[sflag:s16] =	ssyncadd.s32 $0xFFFFFF80  }
0x26: {  	[tilespmem:s23], [sflag:$0x3] =	stream.linear.gather [hbm4b:s29+s3], $0x80, $0x38;
	[tilespmem:$0x1C200] =	vst v63  }
0x27: {  	s24 =	sadd.s32 $0x1, s24;
	s26 =	sor.u32 $0x200, s26;
	_ =	swait.ge [sflag:s16], $0x80  }
0x28: {  	p1 =	sne.s32 s12, $0x2;
	p0 =	por $0x1, $0x1;
	[sflag:s16] =	ssyncset.done $0x0  }
0x29: {  	s22 =	simm.s32 $0x2;
	s29 =	sadd.s32 $0x1, s30;
	[sflag:s16] =	ssyncadd.s32 $0xFFFFFF80  }
0x2a: {  	[tilespmem:s26], [sflag:s24] =	stream.indirect.gather [hbm4b:s4+s18], $0x80, s28, s18, $0xb8;
	[tilespmem:$0x1C200] =	vst v63  }
0x2b: {  	s31 =	sshll.u32 s30, $0xE;
	s25 =	sshll.u32 s30, $0x7;
	_ =	swait.ge [sflag:s29], $0x4000  }
.Ltmp1:
0x2c: {  	s25 =	sor.u32 $0x100, s25;
	[sflag:s29] =	ssyncset.done $0x0;
	(pc) =	sbr.rel @!p1 .LBB2_4-.Ltmp1, $4  }
0x2d: {  	s23 =	sand.u32 $0x1, s22;
	s24 =	sor.u32 $0x200, s31;
	[sflag:s29] =	ssyncadd.s32 $0xFFFFC000  }
0x2e: {  	[spmem:s2] =	stream.indirect.scatter.add.f32 [tilespmem:s24], [sflag:$0x3], $0x80, s25, s18, $0xb8;
	[tilespmem:$0x1C200] =	vst v63  }
0x2f: {  	s28 =	sshll.u32 s23, $0x7;
	s24 =	sadd.s32 $0x1000, s14;
	_ =	swait.ge [sflag:s16], $0x4000  }
0x30: {  	s26 =	sshll.u32 s23, $0xE;
	s25 =	sshrl.u32 s24, $0x3;
	[sflag:s16] =	ssyncset.done $0x0  }
.LBB2_5:
0x31: {  	s29 =	sadd.s32 s5, s25;
	[sflag:s16] =	ssyncadd.s32 $0xFFFFC000  }
0x32: {  	s30 =	smov.u32 s22;
	s22 =	sadd.s32 $0x1, s22;
	s31 =	smov.u32 s26  }
0x33: {  	[tilespmem:s28], [sflag:$0x3] =	stream.linear.gather [hbm4b:s29+s3], $0x80, $0x38;
	[tilespmem:$0x1C200] =	vst v63  }
0x34: {  	s29 =	sand.u32 $0x1, s22;
	p1 =	sne.s32 s12, s22;
	_ =	swait.ge [sflag:s16], $0x80  }
0x35: {  	s0 =	sshll.u32 s29, $0x7;
	s26 =	sshll.u32 s29, $0xE;
	[sflag:s16] =	ssyncset.done $0x0  }
0x36: {  	s1 =	sor.u32 $0x100, s28;
	s25 =	sadd.s32 s6, s25;
	[sflag:s16] =	ssyncadd.s32 $0xFFFFFF80  }
0x37: {  	[tilespmem:s1], [sflag:$0x3] =	stream.linear.gather [hbm4b:s25+s3], $0x80, $0x38;
	[tilespmem:$0x1C200] =	vst v63  }
0x38: {  	_ =	swait.ge [sflag:s16], $0x80  }
0x39: {  	s1 =	sand.u32 $0x1, s21;
	s21 =	sadd.s32 $0x1, s23;
	[sflag:s16] =	ssyncset.done $0x0  }
0x3a: {  	s23 =	sor.u32 $0x200, s31;
	s25 =	sadd.s32 $0x1, s1;
	[sflag:s16] =	ssyncadd.s32 $0xFFFFFF80  }
0x3b: {  	[tilespmem:s23], [sflag:s21] =	stream.indirect.gather [hbm4b:s4+s18], $0x80, s28, s18, $0xb8;
	[tilespmem:$0x1C200] =	vst v63  }
0x3c: {  	s23 =	sshll.u32 s1, $0xE;
	s1 =	sshll.u32 s1, $0x7;
	_ =	swait.ge [sflag:s25], $0x4000  }
.Ltmp2:
0x3d: {  	s21 =	smov.u32 s30;
	[sflag:s25] =	ssyncset.done $0x0;
	(pc) =	sbr.rel @p1 .LBB2_5-.Ltmp2, $4  }
0x3e: {  	s23 =	sor.u32 $0x200, s23;
	s1 =	sor.u32 $0x100, s1;
	[sflag:s25] =	ssyncadd.s32 $0xFFFFC000  }
0x3f: {  	[spmem:s2] =	stream.indirect.scatter.add.f32 [tilespmem:s23], [sflag:$0x3], $0x80, s1, s18, $0xb8;
	[tilespmem:$0x1C200] =	vst v63  }
0x40: {  	s24 =	sadd.s32 $0x1000, s24;
	s23 =	smov.u32 s29;
	_ =	swait.ge [sflag:s16], $0x4000  }
0x41: {  	s28 =	smov.u32 s0;
	s25 =	sshrl.u32 s24, $0x3;
	[sflag:s16] =	ssyncset.done $0x0  }
0x42: {  	s24 =	smov.u32 s23  }
.LBB2_7:
0x43: {  	s0 =	sadd.s32 s5, s25;
	[sflag:s16] =	ssyncadd.s32 @p0 $0xFFFFC000  }
0x44: {  	[tilespmem:s28], [sflag:$0x3] =	stream.linear.gather [hbm4b:s0+s3], $0x80, $0x38;
	[tilespmem:$0x1C200] =	vst v63  }
0x45: {  	_ =	swait.ge [sflag:s16], $0x80  }
0x46: {  	[sflag:s16] =	ssyncset.done $0x0  }
0x47: {  	s1 =	sadd.s32 s6, s25;
	s0 =	sor.u32 $0x100, s28;
	[sflag:s16] =	ssyncadd.s32 $0xFFFFFF80  }
0x48: {  	[tilespmem:s0], [sflag:$0x3] =	stream.linear.gather [hbm4b:s1+s3], $0x80, $0x38;
	[tilespmem:$0x1C200] =	vst v63  }
0x49: {  	_ =	swait.ge [sflag:s16], $0x80  }
0x4a: {  	s29 =	sand.u32 $0x1, s21;
	s30 =	sadd.s32 $0x1, s24;
	[sflag:s16] =	ssyncset.done $0x0  }
0x4b: {  	s22 =	sor.u32 $0x200, s26;
	s23 =	sadd.s32 $0x1, s29;
	[sflag:s16] =	ssyncadd.s32 $0xFFFFFF80  }
0x4c: {  	[tilespmem:s22], [sflag:s30] =	stream.indirect.gather [hbm4b:s4+s18], $0x80, s28, s18, $0xb8;
	[tilespmem:$0x1C200] =	vst v63  }
0x4d: {  	_ =	swait.ge [sflag:s23], $0x4000  }
0x4e: {  	s31 =	sshll.u32 s29, $0xE;
	s1 =	sshll.u32 s29, $0x7;
	[sflag:s23] =	ssyncset.done $0x0  }
0x4f: {  	s24 =	sor.u32 $0x200, s31;
	s1 =	sor.u32 $0x100, s1;
	[sflag:s23] =	ssyncadd.s32 $0xFFFFC000  }
0x50: {  	[spmem:s2] =	stream.indirect.scatter.add.f32 [tilespmem:s24], [sflag:$0x3], $0x80, s1, s18, $0xb8;
	[tilespmem:$0x1C200] =	vst v63  }
0x51: {  	_ =	swait.ge [sflag:s16], $0x4000  }
0x52: {  	[sflag:s16] =	ssyncset.done $0x0  }
0x53: {  	[sflag:s16] =	ssyncadd.s32 $0xFFFFC000  }
0x54: {  	_ =	swait.ge [sflag:s30], $0x4000  }
0x55: {  	[sflag:s30] =	ssyncset.done $0x0  }
0x56: {  	[sflag:s30] =	ssyncadd.s32 $0xFFFFC000  }
0x57: {  	[spmem:s2] =	stream.indirect.scatter.add.f32 [tilespmem:s22], [sflag:$0x3], $0x80, s0, s18, $0xb8;
	[tilespmem:$0x1C200] =	vst v63  }
0x58: {  	_ =	swait.ge [sflag:s16], $0x4000  }
0x59: {  	[sflag:s16] =	ssyncset.done $0x0  }
0x5a: {  	s20 =	sadd.s32 $0x1, s20;
	[sflag:s16] =	ssyncadd.s32 $0xFFFFC000  }
0x5b: {  	p0 =	sne.s32 s20, s13;
	[bflag:$0x0] =	sbarrier.arrive $0xFFFF  }
0x5c: {  	[hbm:s11], [sflag:s8] =	dma.local [spmem:s15], $0x2800  }
.Ltmp3:
0x5d: {  	_ = 	snop;
	(pc) =	sbr.rel @p0 .LBB2_1-.Ltmp3, $4  }
.Ltmp4:
0x5e: {  	_ = 	snop;
	(pc) =	sbr.rel @!p0 .LBB2_8-.Ltmp4, $4  }
0x5f: {  	_ =	swait.ge [sflag:s16], $0x2800  }
0x60: {  	[sflag:s16] =	ssyncset.done $0x0  }
0x61: {  	[sflag:s16] =	ssyncadd.s32 $0xFFFFD800  }
0x62: {  	_ = 	snop  }
.LBB2_2:
.Ltmp5:
0x63: {  	(pc) =	sbr.rel .LBB2_7-.Ltmp5, $2  }
0x64: {  	_ =	sdelay $0x2  }
0x65: {  	s21 =	simm.s32 $0x0  }
.LBB2_4:
.Ltmp6:
0x66: {  	(pc) =	sbr.rel .LBB2_7-.Ltmp6, $2  }
0x67: {  	_ =	sdelay $0x2  }
0x68: {  	s24 =	smov.u32 s23  }
.LBB2_8:
0x69: {  	_ =	sfence.sel $0x180000  }
0x6a: {  	[bflag:$0x0] =	sbarrier.arrive $0xFFFF  }
0x6b: {  	_ =	strace $0x9000004D  }
0x6c: {  	s0 =	stileid.u32;
	[bflag:$0x2] =	sbarrier.arrive $0xFFFF  }
0x6d: {  	p0 =	sne.s32 s0, $0x0;
	s0 =	rddreg [dreg:$0x2]  }
0x6e: {  	s0 =	sadd.s32 @!p0 $0x100000, s0  }
0x6f: {  	[sflag:s0] =	ssyncadd.tile.s32 @!p0 $0x1;
	_ =	shalt  }
.Lfunc_end2:
_tile_overlayer_lowered:
.L_overlay_start_2:
0x70: {  	(tag) =	ssettag $0x2  }
0x71: {  	s0 =	rddreg [dreg:$0x0];
	s2 =	stileid.u32  }
0x72: {  	s1 =	rddreg [dreg:$0x1];
	p0 =	sne.s32 s2, $0x0  }
0x73: {  	s3 =	rddreg [dreg:$0x2];
	[bflag:$0x3] =	sbarrier.arrive $0xFFFF;
	s2 =	simm.s32 @!p0 $0x1C03  }
0x74: {  	[timem:s3], [sflag:s2] =	dma.local @!p0 [hbm:s0], s1  }
0x75: {  	s0 =	simm.s32 @!p0 $0x3  }
0x76: {  	_ =	swait.ge @!p0 [sflag:s0], s1  }
0x77: {  	s1 =	ssub.s32 @!p0 $0x0, s1;
	[sflag:s0] =	ssyncset.done @!p0 $0x0  }
0x78: {  	[sflag:s0] =	ssyncadd.s32 @!p0 s1  }
0x79: {  	[bflag:$0x3] =	sbarrier.arrive $0xFFFF  }
0x7a: {  	_ =	shalt  }

// kernel: kernel.21.cloned.1.call-start
scs
__scs_entry_jumppad:
0x0: {  	(pc) =	sbr.rel $0x88, $3  }
0x1: {  	(tag) =	ssettag $0x0;
	lr =	simm.s32 $0x1  }
0x2: {  	[smem:$0x3F96] =	sst lr;
	_ =	strace $0xD0000000  }
0x3: {  	_ = 	snop  }
0x4: {  	_ = 	snop  }
0x5: {  	_ = 	snop  }
0x6: {  	_ = 	snop  }
0x7: {  	_ = 	snop  }
__scs_overlays_trampoline_lowered:
0x8: {  	[smem:$0x3FA5] =	sst s0  }
0x9: {  	[smem:$0x3FA6] =	sst s1  }
0xa: {  	[smem:$0x3FA7] =	sst s2  }
0xb: {  	[smem:$0x3FA8] =	sst s3  }
0xc: {  	[smem:$0x3FA9] =	sst s4  }
0xd: {  	[smem:$0x3FAA] =	sst s5  }
0xe: {  	[smem:$0x3FAB] =	sst s6  }
0xf: {  	[smem:$0x3FAC] =	sst s7  }
0x10: {  	[smem:$0x3FAD] =	sst s8  }
0x11: {  	[smem:$0x3FAE] =	sst s9;
	s0 =	simm.s32 @!p0 $0x0  }
0x12: {  	s1 =	sld [smem:$0x3F94];
	s0 =	simm.s32 @p0 $0x1  }
0x13: {  	[smem:$0x3FAF] =	sst s0;
	s0 =	simm.s32 @!p1 $0x0  }
0x14: {  	s2 =	sld [smem:$0x3F93];
	s0 =	simm.s32 @p1 $0x1  }
0x15: {  	[smem:$0x3FB0] =	sst s0;
	s0 =	simm.s32 @!p2 $0x0  }
0x16: {  	s3 =	sld [smem:$0x3FDB];
	s0 =	simm.s32 @p2 $0x1  }
0x17: {  	s4 =	simm.s32 $0x1BF5;
	[smem:$0x3FB2] =	sst s0  }
0x18: {  	s0 =	sld [smem:$0x3F95];
	_ =	swait.ge [sflag:s4], $0x0  }
0x19: {  	s7 =	sld [smem:$0x3F96]  }
0x1a: {  	s8 =	sadd.s32 $0xFFFFE003, lr  }
0x1b: {  	s9 =	sadd.s32 $0xFFFFFEF7, lr;
	s5 =	simm.s32 $0xFFFFFFFF;
	p2 =	slt.u32 s8, $0xFFFFF086  }
0x1c: {  	p1 =	slt.u32 s9, $0xF7A;
	s5 =	simm.s32 @!p2 $0x0  }
0x1d: {  	s5 =	simm.s32 @p1 $0x1;
	p0 =	seq.s32 s7, s2  }
0x1e: {  	s7 =	smul.u32 @!p0 $0xF7A, s2;
	p2 =	seq.s32 @!p0 s5, $0x0  }
0x1f: {  	s9 =	smul.u32 $0xF7A, s1;
	s8 =	simm.s32 @!p0 $0x1BF5;
	p2 =	por !p2, p0  }
0x20: {  	[sflag:s8] =	ssyncset.s32 @!p0 $0xFFFFF086;
	s6 =	sadd.s32 @!p0 s3, s7;
	s7 =	simm.s32 @!p0 $0x108  }
0x21: {  	s3 =	sadd.s32 s3, s9;
	s6 =	sadd.s32 @!p0 $0x88, s6;
	s7 =	simm.s32 @p2 $0x1082  }
0x22: {  	[simem:s7], [sflag:s8] =	dma.local @!p0 [hbm:s6], $0xF7A  }
0x23: {  	s9 =	sor.u32 $0xD0000000, s2;
	s6 =	simm.s32 $0x108;
	_ =	swait.ge @!p0 [sflag:s8], $0x0  }
0x24: {  	s3 =	sadd.s32 $0x88, s3;
	s6 =	simm.s32 @!p1 $0x1082;
	[sflag:s4] =	ssyncset.s32 $0xFFFFF086  }
0x25: {  	[simem:s6], [sflag:s4] =	dma.local [hbm:s3], $0xF7A  }
0x26: {  	[smem:$0x3F96] =	sst s1;
	(tag) =	ssettag s2;
	_ =	strace s9  }
0x27: {  	s1 =	sld [smem:$0x3FA6]  }
0x28: {  	s2 =	sld [smem:$0x3FA7]  }
0x29: {  	s4 =	sld [smem:$0x3FA9]  }
0x2a: {  	p0 =	seq.s32 s5, $0x0;
	s5 =	sld [smem:$0x3FAA]  }
0x2b: {  	s6 =	sld [smem:$0x3FAB]  }
0x2c: {  	s7 =	sld [smem:$0x3FAC]  }
0x2d: {  	s3 =	simm.s32 $0x108;
	s8 =	sld [smem:$0x3FAD]  }
0x2e: {  	s3 =	simm.s32 @!p0 $0x1082;
	s9 =	sld [smem:$0x3FAE]  }
0x2f: {  	lr =	sadd.s32 s0, s3;
	s0 =	sld [smem:$0x3FA5]  }
0x30: {  	s3 =	sld [smem:$0x3FA8]  }
0x31: {  	[smem:$0x3FB1] =	sst s10  }
0x32: {  	s10 =	sld [smem:$0x3FAF];
	_ =	sdelay $0x3  }
0x33: {  	p0 =	seq.s32 s10, $0x1;
	s10 =	sld [smem:$0x3FB1];
	_ =	sdelay $0x3  }
0x34: {  	[smem:$0x3FB1] =	sst s10  }
0x35: {  	s10 =	sld [smem:$0x3FB0];
	_ =	sdelay $0x3  }
0x36: {  	p1 =	seq.s32 s10, $0x1;
	s10 =	sld [smem:$0x3FB1];
	_ =	sdelay $0x3  }
0x37: {  	[smem:$0x3FB1] =	sst s10  }
0x38: {  	s10 =	sld [smem:$0x3FB2]  }
0x39: {  	_ = 	snop;
	(pc) =	sbr.ind lr, $3  }
0x3a: {  	_ = 	snop  }
0x3b: {  	_ = 	snop  }
0x3c: {  	p2 =	seq.s32 s10, $0x1;
	s10 =	sld [smem:$0x3FB1]  }
0x3d: {  	_ =	shalt  }
0x3e: {  	_ =	shalt  }
0x3f: {  	_ =	shalt  }
0x40: {  	_ =	shalt  }
0x41: {  	_ =	shalt  }
0x42: {  	_ =	shalt  }
0x43: {  	_ =	shalt  }
0x44: {  	_ =	shalt  }
0x45: {  	_ =	shalt  }
0x46: {  	_ =	shalt  }
0x47: {  	_ =	shalt  }
0x48: {  	_ =	shalt  }
0x49: {  	_ =	shalt  }
0x4a: {  	_ =	shalt  }
0x4b: {  	_ =	shalt  }
0x4c: {  	_ =	shalt  }
0x4d: {  	_ =	shalt  }
0x4e: {  	_ =	shalt  }
0x4f: {  	_ =	shalt  }
0x50: {  	_ =	shalt  }
0x51: {  	_ =	shalt  }
0x52: {  	_ =	shalt  }
0x53: {  	_ =	shalt  }
0x54: {  	_ =	shalt  }
0x55: {  	_ =	shalt  }
0x56: {  	_ =	shalt  }
0x57: {  	_ =	shalt  }
0x58: {  	_ =	shalt  }
0x59: {  	_ =	shalt  }
0x5a: {  	_ =	shalt  }
0x5b: {  	_ =	shalt  }
0x5c: {  	_ =	shalt  }
0x5d: {  	_ =	shalt  }
0x5e: {  	_ =	shalt  }
0x5f: {  	_ =	shalt  }
0x60: {  	_ =	shalt  }
0x61: {  	_ =	shalt  }
0x62: {  	_ =	shalt  }
0x63: {  	_ =	shalt  }
0x64: {  	_ =	shalt  }
0x65: {  	_ =	shalt  }
0x66: {  	_ =	shalt  }
0x67: {  	_ =	shalt  }
0x68: {  	_ =	shalt  }
0x69: {  	_ =	shalt  }
0x6a: {  	_ =	shalt  }
0x6b: {  	_ =	shalt  }
0x6c: {  	_ =	shalt  }
0x6d: {  	_ =	shalt  }
0x6e: {  	_ =	shalt  }
0x6f: {  	_ =	shalt  }
0x70: {  	_ =	shalt  }
0x71: {  	_ =	shalt  }
0x72: {  	_ =	shalt  }
0x73: {  	_ =	shalt  }
0x74: {  	_ =	shalt  }
0x75: {  	_ =	shalt  }
0x76: {  	_ =	shalt  }
0x77: {  	_ =	shalt  }
0x78: {  	_ =	shalt  }
0x79: {  	_ =	shalt  }
0x7a: {  	_ =	shalt  }
0x7b: {  	_ =	shalt  }
0x7c: {  	_ =	shalt  }
0x7d: {  	_ =	shalt  }
0x7e: {  	_ =	shalt  }
0x7f: {  	_ =	shalt  }
0x80: {  	_ =	shalt  }
0x81: {  	_ =	shalt  }
0x82: {  	_ =	shalt  }
0x83: {  	_ =	shalt  }
0x84: {  	_ =	shalt  }
0x85: {  	_ =	shalt  }
0x86: {  	_ =	shalt  }
0x87: {  	_ =	shalt  }
.Lfunc_end0:
.L_simem_size_0:
called_computation.3_lowered:
.L_overlay_start_0:
0x88: {  	s2 =	sld [smem:$0x3FD9]  }
0x89: {  	s3 =	sld [smem:$0x3FFE];
	_ =	sdelay $0x1  }
0x8a: {  	s1 =	srdreg.scid  }
0x8b: {  	s0 =	sand.u32 $0x1, s1  }
0x8c: {  	s17 =	sshll.u32 s0, $0xA;
	s2 =	sadd.s32 s3, s2  }
0x8d: {  	s2 =	sadd.s32 s2, s17  }
0x8e: {  	[smem:$0x3FBD] =	sst s2  }
0x8f: {  	_ = 	snop  }
0x90: {  	s2 =	sld [smem:$0x3FD0];
	(tm) =	ssettm $0x1  }
0x91: {  	s18 =	sld [smem:$0x3FFB];
	_ =	sdelay $0x3  }
0x92: {  	_ =	strace s18  }
0x93: {  	s3 =	sld [smem:$0x3FFC];
	_ =	sdelay $0x3  }
0x94: {  	_ =	strace s3  }
0x95: {  	s3 =	sld [smem:$0x3FFD];
	_ =	sdelay $0x3  }
0x96: {  	_ =	strace s3  }
0x97: {  	_ =	strace $0x8FFFFFFF  }
0x98: {  	s19 =	sld [smem:$0x3FDB];
	_ =	sdelay $0x1  }
0x99: {  	s4 =	simm.s32 $_scs_section_size  }
0x9a: {  	s5 =	simm.s32 $_size__tile_overlayer_lowered;
	s6 =	simm.s32 $_tile_overlayer_lowered  }
0x9b: {  	s22 =	simm.s32 $0x1BFF;
	s21 =	sshll.u32 s6, $0x1;
	s3 =	sadd.s32 s4, s19  }
0x9c: {  	s7 =	simm.s32 $0x0;
	s20 =	sshll.u32 s5, $0x1;
	s5 =	sadd.s32 s21, s3  }
0x9d: {  	[timem:s7], [sflag:s22] =	dma.local [hbm:s5], s20  }
0x9e: {  	_ =	swait.ge [sflag:s22], s20  }
0x9f: {  	s4 =	ssub.s32 $0x0, s20;
	[sflag:s22] =	ssyncset.done $0x0  }
0xa0: {  	[sflag:s22] =	ssyncadd.s32 s4;
	_ =	sdelay $0x1  }
0xa1: {  	s23 =	simm.s32 $0x1B8B  }
0xa2: {  	_ =	swait.ge [sflag:s23], $0x1  }
0xa3: {  	[sflag:s23] =	ssyncset.done $0x0  }
0xa4: {  	s25 =	simm.s32 $0x1B8E;
	s24 =	sld [smem:$0x3FFE];
	[sflag:s23] =	ssyncadd.s32 $0xFFFFFFFF  }
0xa5: {  	s26 =	simm.s32 $execute0_lowered;
	[smem:$0x3FD2] =	sst s25  }
0xa6: {  	s5 =	sshll.u32 s26, $0x1;
	_ =	strace $0x8000004F;
	[dreg:$0x1] =	wrdreg $0xFFFFFFFF  }
0xa7: {  	s28 =	simm.s32 $_size_execute0_lowered;
	s3 =	sadd.s32 s3, s5;
	[dreg:$0x0] =	wrdreg $0x0  }
0xa8: {  	s5 =	sshll.u32 s28, $0x1;
	[dreg:$0x2] =	wrdreg s3  }
0xa9: {  	[dreg:$0x3] =	wrdreg s5  }
0xaa: {  	[dreg:$0x4] =	wrdreg $0xC0  }
0xab: {  	_ =	task [dreg:s7], $0x5FFFF  }
0xac: {  	[dreg:$0x1] =	wrdreg $0xFFFFFFFF  }
0xad: {  	[dreg:$0x0] =	wrdreg $0x60  }
0xae: {  	[dreg:$0x2] =	wrdreg s24  }
0xaf: {  	[dreg:$0x3] =	wrdreg s2  }
0xb0: {  	[dreg:$0x4] =	wrdreg $0xAE800  }
0xb1: {  	[dreg:$0x5] =	wrdreg $0x9  }
0xb2: {  	_ =	task.clear_ibuf [dreg:s7], $0x6FFFF;
	_ =	strace $0x9000004F  }
0xb3: {  	s29 =	simm.s32 $0x9;
	_ =	strace $0x80000051  }
0xb4: {  	_ =	swait.ge [sflag:s29], $0x1  }
0xb5: {  	[sflag:s29] =	ssyncadd.s32 $0xFFFFFFFF  }
0xb6: {  	_ =	strace $0x90000051  }
0xb7: {  	_ =	sfence  }
0xb8: {  	s30 =	sld [smem:$0x0];
	_ =	sdelay $0x2  }
0xb9: {  	s31 =	sshll.u32 s1, $0xD;
	s1 =	sshrl.u32 s1, $0x2  }
0xba: {  	s3 =	sand.u32 $0x4000, s31;
	s1 =	sadd.s32 s1, s30  }
0xbb: {  	s0 =	sor.u32 s3, s0;
	s1 =	sshll.u32 s1, $0x11  }
0xbc: {  	s0 =	sor.u32 s1, s0  }
0xbd: {  	s0 =	sadd.s32 $0x8F2B, s0  }
0xbe: {  	[sflag:s0] =	ssyncadd.remote.s32 $0x1  }
0xbf: {  	_ =	sfence.sel $0xFFFF  }
0xc0: {  	[dreg:$0x0] =	wrdreg $0xFFFFFFFF;
	(pc) =	sbr.abs _section_cstart, $3  }
0xc1: {  	[dreg:$0x1] =	wrdreg $0xFFFFFFFF  }
0xc2: {  	_ =	task.clear_ibuf [dreg:s7], $0x2FFFF;
	_ =	strace $0x9FFFFFFF  }
0xc3: {  	(tm) =	ssettm $0x7FFFFFFF  }
tec
execute0_lowered:
.L_overlay_start_1:
0x0: {  	(tag) =	ssettag $0x1  }
0x1: {  	s0 =	srdreg.scid;
	s1 =	rddreg [dreg:$0x0]  }
0x2: {  	s2 =	rddreg [dreg:$0x1];
	s16 =	stileid.u32  }
0x3: {  	s3 =	rddreg [dreg:$0x2];
	s17 =	simm.s32 $0x1;
	s28 =	simm.s32 $0x9280  }
0x4: {  	s29 =	simm.s32 $0x80;
	s30 =	simm.s32 $0x0;
	s0 =	sand.u32 $0x1, s0  }
0x5: {  	s9 =	sshll.u32 s16, $0x4;
	s20 =	sshll.u32 s16, $0xA;
	s24 =	sshll.u32 s16, $0xD  }
0x6: {  	s25 =	sshll.u32 s16, $0x6;
	s4 =	sshll.u32 s0, $0x4;
	s12 =	sadd.s32 s20, s1  }
0x7: {  	s22 =	ssub.s32 $0x2, s0;
	s15 =	sadd.s32 s24, s3;
	s13 =	sshll.u32 s0, $0xE  }
0x8: {  	s0 =	smul.u32 $0x1400, s0;
	s20 =	simm.s32 $0x180;
	s24 =	simm.s32 $0x480  }
0x9: {  	s5 =	sor.u32 s16, s4;
	s4 =	simm.s32 $0x0;
	s16 =	smul.u32 $0x140, s16  }
0xa: {  	s23 =	sshrl.u32 s22, $0x1;
	s26 =	sadd.s32 s13, s12;
	s6 =	smul.u32 $0x140, s5  }
0xb: {  	[smem:$0x7FF] =	sst s4;
	s7 =	smul.u32 $0x1400, s5;
	s19 =	sshll.u32 s5, $0x7  }
0xc: {  	s5 =	sshll.u32 s5, $0x5;
	s14 =	ssub.s32 s22, s23;
	s22 =	simm.s32 $0x680  }
0xd: {  	s23 =	simm.s32 $0x28;
	_ =	strace $0x80000050;
	s8 =	sadd.s32 s19, s1  }
0xe: {  	s11 =	sadd.s32 s5, s1;
	s5 =	sadd.s32 $0x4000, s12;
	s14 =	smax.u32 s14, $0x1  }
0xf: {  	s31 =	sadd.s32 s16, s0;
	s16 =	sshrl.u32 s15, $0x3;
	s0 =	simm.s32 $0x400  }
0x10: {  	s6 =	sshrl.u32 s6, $0x3;
	s10 =	sadd.s32 s7, s1;
	s8 =	sadd.s32 $0xE600, s8  }
0x11: {  	s18 =	sadd.s32 s6, s1;
	s6 =	sor.u32 s9, s19;
	s9 =	sadd.s32 $0xF600, s11  }
0x12: {  	s10 =	sadd.s32 $0xFA00, s10;
	s11 =	sadd.s32 $0x37A00, s26;
	s19 =	simm.s32 $0xAA80  }
0x13: {  	s26 =	simm.s32 $0x500;
	s21 =	sand.u32 $0xC70, s6;
	s6 =	sor.u32 $0x1C01, s25  }
0x14: {  	s7 =	sadd.s32 $0xE000, s18;
	s18 =	simm.s32 $0xA680;
	s1 =	sadd.s32 s21, s1  }
0x15: {  	v0 =	vimm.f32 $1.000000000e+00;
	s25 =	simm.s32 $0x7E80;
	s12 =	sadd.s32 $0x8000, s1;
	s13 =	sadd.s32 $0x9000, s1  }
.LBB2_1:
0x16: {  	[spmem:s16], [sflag:s6] =	dma.local [hbm:s5], $0x400  }
0x17: {  	_ =	swait.ge [sflag:s17], $0x400  }
0x18: {  	[sflag:s17] =	ssyncset.done $0x0  }
0x19: {  	[sflag:s17] =	ssyncadd.s32 $0xFFFFFC00  }
0x1a: {  	[tilespmem:s18], [sflag:$0x1] =	stream.linear.gather [hbm4b:s2+s4], $0x400, $0x38;
	[tilespmem:$0xCE80] =	vst v63  }
0x1b: {  	_ =	swait.ge [sflag:s17], $0x400  }
0x1c: {  	[sflag:s17] =	ssyncset.done $0x0  }
0x1d: {  	[sflag:s17] =	ssyncadd.s32 $0xFFFFFC00  }
0x1e: {  	[tilespmem:s19], [sflag:$0x1] =	stream.linear.gather [hbm4b:s2+s4], $0x400, $0x38;
	[tilespmem:$0xCE80] =	vst v63  }
0x1f: {  	_ =	swait.ge [sflag:s17], $0x400  }
0x20: {  	[sflag:s17] =	ssyncset.done $0x0  }
0x21: {  	[sflag:s17] =	ssyncadd.s32 $0xFFFFFC00  }
0x22: {  	[tilespmem:s4], [sflag:$0x1] =	stream.linear.gather [hbm4b:s7+s4], $0x140, $0x38;
	[tilespmem:$0xCE80] =	vst v63  }
0x23: {  	_ =	swait.ge [sflag:s17], $0x140  }
0x24: {  	[sflag:s17] =	ssyncset.done $0x0  }
0x25: {  	[sflag:s17] =	ssyncadd.s32 $0xFFFFFEC0  }
0x26: {  	[tilespmem:s20], [sflag:$0x1] =	stream.linear.gather [hbm4b:s8+s4], $0x400, $0x38;
	[tilespmem:$0xCE80] =	vst v63  }
0x27: {  	_ =	swait.ge [sflag:s17], $0x400  }
0x28: {  	[sflag:s17] =	ssyncset.done $0x0  }
0x29: {  	s1 =	simm.s32 $0x580;
	[sflag:s17] =	ssyncadd.s32 $0xFFFFFC00  }
0x2a: {  	[tilespmem:s1], [sflag:$0x1] =	stream.linear.gather [hbm4b:s9+s4], $0x100, $0x38;
	[tilespmem:$0xCE80] =	vst v63  }
0x2b: {  	_ =	swait.ge [sflag:s17], $0x100  }
0x2c: {  	[sflag:s17] =	ssyncset.done $0x0  }
0x2d: {  	[sflag:s17] =	ssyncadd.s32 $0xFFFFFF00  }
0x2e: {  	[tilespmem:s22], [sflag:$0x1] =	stream.linear.gather [hbm4b:s10+s4], $0xA000, $0x38;
	[tilespmem:$0xCE80] =	vst v63  }
0x2f: {  	_ =	swait.ge [sflag:s17], $0xA000  }
0x30: {  	[sflag:s17] =	ssyncset.done $0x0  }
0x31: {  	[sflag:s17] =	ssyncadd.s32 $0xFFFF6000  }
0x32: {  	[bflag:$0x0] =	sbarrier.arrive $0xFFFF  }
0x33: {  	[spmem:s3] =	stream.indirect.scatter.add.f32 [tilespmem:s22], [sflag:$0x1], $0x80, s20, s23, $0xb8;
	[tilespmem:$0xCE80] =	vst v63  }
0x34: {  	_ =	swait.ge [sflag:s17], $0x1400  }
0x35: {  	[sflag:s17] =	ssyncset.done $0x0  }
0x36: {  	s21 =	simm.s32 $0x200;
	s15 =	simm.s32 $0x1A80;
	[sflag:s17] =	ssyncadd.s32 $0xFFFFEC00  }
0x37: {  	[spmem:s3] =	stream.indirect.scatter.add.f32 [tilespmem:s15], [sflag:$0x1], $0x80, s21, s23, $0xb8;
	[tilespmem:$0xCE80] =	vst v63  }
0x38: {  	_ =	swait.ge [sflag:s17], $0x1400  }
0x39: {  	[sflag:s17] =	ssyncset.done $0x0  }
0x3a: {  	s15 =	simm.s32 $0x280;
	s21 =	simm.s32 $0x2E80;
	[sflag:s17] =	ssyncadd.s32 $0xFFFFEC00  }
0x3b: {  	[spmem:s3] =	stream.indirect.scatter.add.f32 [tilespmem:s21], [sflag:$0x1], $0x80, s15, s23, $0xb8;
	[tilespmem:$0xCE80] =	vst v63  }
0x3c: {  	_ =	swait.ge [sflag:s17], $0x1400  }
0x3d: {  	[sflag:s17] =	ssyncset.done $0x0  }
0x3e: {  	s15 =	simm.s32 $0x300;
	s21 =	simm.s32 $0x4280;
	[sflag:s17] =	ssyncadd.s32 $0xFFFFEC00  }
0x3f: {  	[spmem:s3] =	stream.indirect.scatter.add.f32 [tilespmem:s21], [sflag:$0x1], $0x80, s15, s23, $0xb8;
	[tilespmem:$0xCE80] =	vst v63  }
0x40: {  	_ =	swait.ge [sflag:s17], $0x1400  }
0x41: {  	[sflag:s17] =	ssyncset.done $0x0  }
0x42: {  	s15 =	simm.s32 $0x380;
	s21 =	simm.s32 $0x5680;
	[sflag:s17] =	ssyncadd.s32 $0xFFFFEC00  }
0x43: {  	[spmem:s3] =	stream.indirect.scatter.add.f32 [tilespmem:s21], [sflag:$0x1], $0x80, s15, s23, $0xb8;
	[tilespmem:$0xCE80] =	vst v63  }
0x44: {  	_ =	swait.ge [sflag:s17], $0x1400  }
0x45: {  	[sflag:s17] =	ssyncset.done $0x0  }
0x46: {  	s15 =	simm.s32 $0x6A80;
	[sflag:s17] =	ssyncadd.s32 $0xFFFFEC00  }
0x47: {  	[spmem:s3] =	stream.indirect.scatter.add.f32 [tilespmem:s15], [sflag:$0x1], $0x80, s0, s23, $0xb8;
	[tilespmem:$0xCE80] =	vst v63  }
0x48: {  	_ =	swait.ge [sflag:s17], $0x1400  }
0x49: {  	[sflag:s17] =	ssyncset.done $0x0  }
0x4a: {  	[sflag:s17] =	ssyncadd.s32 $0xFFFFEC00  }
0x4b: {  	[spmem:s3] =	stream.indirect.scatter.add.f32 [tilespmem:s25], [sflag:$0x1], $0x80, s24, s23, $0xb8;
	[tilespmem:$0xCE80] =	vst v63  }
0x4c: {  	_ =	swait.ge [sflag:s17], $0x1400  }
0x4d: {  	[sflag:s17] =	ssyncset.done $0x0  }
0x4e: {  	[sflag:s17] =	ssyncadd.s32 $0xFFFFEC00  }
0x4f: {  	[spmem:s3] =	stream.indirect.scatter.add.f32 [tilespmem:s28], [sflag:$0x1], $0x80, s26, s23, $0xb8;
	[tilespmem:$0xCE80] =	vst v63  }
0x50: {  	_ =	swait.ge [sflag:s17], $0x1400  }
0x51: {  	[sflag:s17] =	ssyncset.done $0x0  }
0x52: {  	s21 =	simm.s32 $0x0;
	[sflag:s17] =	ssyncadd.s32 $0xFFFFEC00  }
0x53: {  	v1 =	vld [tilespmem:s21+$0x0];
	_ =	sdelay $0x5  }
0x54: {  	p0 =	slt.u32 s31, $0x2710  }
0x55: {  	v2 =	vpsel !p0, $0x0, v0  }
0x56: {  	s1 =	simm.s32 $0x80;
	s15 =	smov.u32 s31;
	s21 =	simm.s32 $0x10;
	[tilespmem:v1+s18+$0x0] =	vst.idx.add.f32.msk $0xffff, v2  }
.LBB2_2:
0x57: {  	p0 =	sne.s32 s1, $0x4C0;
	v1 =	vld [tilespmem:s21+$0x0];
	_ =	sdelay $0x3  }
.Ltmp0:
0x58: {  	(pc) =	sbr.rel @p0 .LBB2_2-.Ltmp0, $4  }
0x59: {  	s15 =	sadd.s32 $0x10, s15  }
0x5a: {  	p1 =	slt.u32 s15, $0x2710  }
0x5b: {  	v2 =	vpsel !p1, $0x0, v0  }
0x5c: {  	s21 =	sshra.s32 s1, $0x2;
	s1 =	sadd.s32 $0x40, s1;
	[tilespmem:v1+s18+$0x0] =	vst.idx.add.f32.msk $0xffff, v2  }
0x5d: {  	v1 =	vld [tilespmem:s21+$0x0];
	_ =	sdelay $0x4  }
0x5e: {  	s1 =	sadd.s32 $0x10, s15  }
0x5f: {  	p0 =	slt.u32 s1, $0x2710  }
0x60: {  	v2 =	vpsel !p0, $0x0, v0  }
0x61: {  	[tilespmem:v1+s18+$0x0] =	vst.idx.add.f32.msk $0xffff, v2  }
0x62: {  	v1 =	vld [tilespmem:$0x580];
	_ =	sdelay $0x7  }
0x63: {  	[tilespmem:v1+s19+$0x0] =	vst.idx.add.f32.msk $0xffff, v0  }
0x64: {  	v1 =	vld [tilespmem:$0x590];
	_ =	sdelay $0x7  }
0x65: {  	[tilespmem:v1+s19+$0x0] =	vst.idx.add.f32.msk $0xffff, v0  }
0x66: {  	v1 =	vld [tilespmem:$0x5A0];
	_ =	sdelay $0x7  }
0x67: {  	[tilespmem:v1+s19+$0x0] =	vst.idx.add.f32.msk $0xffff, v0  }
0x68: {  	v1 =	vld [tilespmem:$0x5B0];
	_ =	sdelay $0x7  }
0x69: {  	[tilespmem:v1+s19+$0x0] =	vst.idx.add.f32.msk $0xffff, v0  }
0x6a: {  	v1 =	vld [tilespmem:$0x5C0];
	_ =	sdelay $0x7  }
0x6b: {  	[tilespmem:v1+s19+$0x0] =	vst.idx.add.f32.msk $0xffff, v0  }
0x6c: {  	v1 =	vld [tilespmem:$0x5D0];
	_ =	sdelay $0x7  }
0x6d: {  	[tilespmem:v1+s19+$0x0] =	vst.idx.add.f32.msk $0xffff, v0  }
0x6e: {  	v1 =	vld [tilespmem:$0x5E0];
	_ =	sdelay $0x7  }
0x6f: {  	[tilespmem:v1+s19+$0x0] =	vst.idx.add.f32.msk $0xffff, v0  }
0x70: {  	v1 =	vld [tilespmem:$0x5F0];
	_ =	sdelay $0x7  }
0x71: {  	[tilespmem:v1+s19+$0x0] =	vst.idx.add.f32.msk $0xffff, v0  }
0x72: {  	v1 =	vld [tilespmem:$0x600];
	_ =	sdelay $0x7  }
0x73: {  	[tilespmem:v1+s19+$0x0] =	vst.idx.add.f32.msk $0xffff, v0  }
0x74: {  	v1 =	vld [tilespmem:$0x610];
	_ =	sdelay $0x7  }
0x75: {  	[tilespmem:v1+s19+$0x0] =	vst.idx.add.f32.msk $0xffff, v0  }
0x76: {  	v1 =	vld [tilespmem:$0x620];
	_ =	sdelay $0x7  }
0x77: {  	[tilespmem:v1+s19+$0x0] =	vst.idx.add.f32.msk $0xffff, v0  }
0x78: {  	v1 =	vld [tilespmem:$0x630];
	_ =	sdelay $0x7  }
0x79: {  	[tilespmem:v1+s19+$0x0] =	vst.idx.add.f32.msk $0xffff, v0  }
0x7a: {  	v1 =	vld [tilespmem:$0x640];
	_ =	sdelay $0x7  }
0x7b: {  	[tilespmem:v1+s19+$0x0] =	vst.idx.add.f32.msk $0xffff, v0  }
0x7c: {  	v1 =	vld [tilespmem:$0x650];
	_ =	sdelay $0x7  }
0x7d: {  	[tilespmem:v1+s19+$0x0] =	vst.idx.add.f32.msk $0xffff, v0  }
0x7e: {  	v1 =	vld [tilespmem:$0x660];
	_ =	sdelay $0x7  }
0x7f: {  	[tilespmem:v1+s19+$0x0] =	vst.idx.add.f32.msk $0xffff, v0  }
0x80: {  	v1 =	vld [tilespmem:$0x670];
	_ =	sdelay $0x7  }
0x81: {  	[tilespmem:v1+s19+$0x0] =	vst.idx.add.f32.msk $0xffff, v0  }
0x82: {  	[bflag:$0x0] =	sbarrier.arrive $0xFFFF  }
0x83: {  	[hbm:s11], [sflag:s6] =	dma.local [spmem:s16], $0x400  }
0x84: {  	_ =	swait.ge [sflag:s17], $0x400  }
0x85: {  	[sflag:s17] =	ssyncset.done $0x0  }
0x86: {  	[sflag:s17] =	ssyncadd.s32 $0xFFFFFC00  }
0x87: {  	[hbm4b:s12+s29] =	stream.strided.scatter [tilespmem:s18], [sflag:$0x1], $0x400, s0, s29, $0x38;
	[tilespmem:$0xCE80] =	vst v63  }
0x88: {  	s30 =	sadd.s32 $0x1, s30;
	_ =	swait.ge [sflag:s17], $0x400  }
0x89: {  	p0 =	sne.s32 s30, s14;
	[sflag:s17] =	ssyncset.done $0x0  }
.Ltmp1:
0x8a: {  	[sflag:s17] =	ssyncadd.s32 $0xFFFFFC00;
	(pc) =	sbr.rel @p0 .LBB2_1-.Ltmp1, $4  }
0x8b: {  	[hbm4b:s13+s29] =	stream.strided.scatter [tilespmem:s19], [sflag:$0x1], $0x400, s0, s29, $0x38;
	[tilespmem:$0xCE80] =	vst v63  }
0x8c: {  	_ =	swait.ge [sflag:s17], $0x400  }
0x8d: {  	[sflag:s17] =	ssyncset.done $0x0  }
0x8e: {  	[sflag:s17] =	ssyncadd.s32 $0xFFFFFC00  }
0x8f: {  	_ =	sfence.sel $0x180000  }
0x90: {  	[bflag:$0x0] =	sbarrier.arrive $0xFFFF  }
0x91: {  	_ =	strace $0x90000050  }
0x92: {  	s0 =	stileid.u32;
	[bflag:$0x2] =	sbarrier.arrive $0xFFFF  }
0x93: {  	p0 =	sne.s32 s0, $0x0;
	s0 =	rddreg [dreg:$0x3]  }
0x94: {  	s0 =	sadd.s32 @!p0 $0x100000, s0  }
0x95: {  	[sflag:s0] =	ssyncadd.tile.s32 @!p0 $0x1;
	_ =	shalt  }
.Lfunc_end2:
_tile_overlayer_lowered:
.L_overlay_start_2:
0x96: {  	(tag) =	ssettag $0x2  }
0x97: {  	s0 =	rddreg [dreg:$0x0];
	s2 =	stileid.u32  }
0x98: {  	s1 =	rddreg [dreg:$0x1];
	p0 =	sne.s32 s2, $0x0  }
0x99: {  	s3 =	rddreg [dreg:$0x2];
	[bflag:$0x3] =	sbarrier.arrive $0xFFFF;
	s2 =	simm.s32 @!p0 $0x1C01  }
0x9a: {  	[timem:s3], [sflag:s2] =	dma.local @!p0 [hbm:s0], s1  }
0x9b: {  	s0 =	simm.s32 @!p0 $0x1  }
0x9c: {  	_ =	swait.ge @!p0 [sflag:s0], s1  }
0x9d: {  	s1 =	ssub.s32 @!p0 $0x0, s1;
	[sflag:s0] =	ssyncset.done @!p0 $0x0  }
0x9e: {  	[sflag:s0] =	ssyncadd.s32 @!p0 s1  }
0x9f: {  	[bflag:$0x3] =	sbarrier.arrive $0xFFFF  }
0xa0: {  	_ =	shalt  }

// kernel: kernel.24.cloned.1.call-start
scs
__scs_entry_jumppad:
0x0: {  	(pc) =	sbr.rel $0x88, $3  }
0x1: {  	(tag) =	ssettag $0x0;
	lr =	simm.s32 $0x1  }
0x2: {  	[smem:$0x3F96] =	sst lr;
	_ =	strace $0xD0000000  }
0x3: {  	_ = 	snop  }
0x4: {  	_ = 	snop  }
0x5: {  	_ = 	snop  }
0x6: {  	_ = 	snop  }
0x7: {  	_ = 	snop  }
__scs_overlays_trampoline_lowered:
0x8: {  	[smem:$0x3FA5] =	sst s0  }
0x9: {  	[smem:$0x3FA6] =	sst s1  }
0xa: {  	[smem:$0x3FA7] =	sst s2  }
0xb: {  	[smem:$0x3FA8] =	sst s3  }
0xc: {  	[smem:$0x3FA9] =	sst s4  }
0xd: {  	[smem:$0x3FAA] =	sst s5  }
0xe: {  	[smem:$0x3FAB] =	sst s6  }
0xf: {  	[smem:$0x3FAC] =	sst s7  }
0x10: {  	[smem:$0x3FAD] =	sst s8  }
0x11: {  	[smem:$0x3FAE] =	sst s9;
	s0 =	simm.s32 @!p0 $0x0  }
0x12: {  	s1 =	sld [smem:$0x3F94];
	s0 =	simm.s32 @p0 $0x1  }
0x13: {  	[smem:$0x3FAF] =	sst s0;
	s0 =	simm.s32 @!p1 $0x0  }
0x14: {  	s2 =	sld [smem:$0x3F93];
	s0 =	simm.s32 @p1 $0x1  }
0x15: {  	[smem:$0x3FB0] =	sst s0;
	s0 =	simm.s32 @!p2 $0x0  }
0x16: {  	s3 =	sld [smem:$0x3FDB];
	s0 =	simm.s32 @p2 $0x1  }
0x17: {  	s4 =	simm.s32 $0x1BF5;
	[smem:$0x3FB2] =	sst s0  }
0x18: {  	s0 =	sld [smem:$0x3F95];
	_ =	swait.ge [sflag:s4], $0x0  }
0x19: {  	s7 =	sld [smem:$0x3F96]  }
0x1a: {  	s8 =	sadd.s32 $0xFFFFE003, lr  }
0x1b: {  	s9 =	sadd.s32 $0xFFFFFEF7, lr;
	s5 =	simm.s32 $0xFFFFFFFF;
	p2 =	slt.u32 s8, $0xFFFFF086  }
0x1c: {  	p1 =	slt.u32 s9, $0xF7A;
	s5 =	simm.s32 @!p2 $0x0  }
0x1d: {  	s5 =	simm.s32 @p1 $0x1;
	p0 =	seq.s32 s7, s2  }
0x1e: {  	s7 =	smul.u32 @!p0 $0xF7A, s2;
	p2 =	seq.s32 @!p0 s5, $0x0  }
0x1f: {  	s9 =	smul.u32 $0xF7A, s1;
	s8 =	simm.s32 @!p0 $0x1BF5;
	p2 =	por !p2, p0  }
0x20: {  	[sflag:s8] =	ssyncset.s32 @!p0 $0xFFFFF086;
	s6 =	sadd.s32 @!p0 s3, s7;
	s7 =	simm.s32 @!p0 $0x108  }
0x21: {  	s3 =	sadd.s32 s3, s9;
	s6 =	sadd.s32 @!p0 $0x88, s6;
	s7 =	simm.s32 @p2 $0x1082  }
0x22: {  	[simem:s7], [sflag:s8] =	dma.local @!p0 [hbm:s6], $0xF7A  }
0x23: {  	s9 =	sor.u32 $0xD0000000, s2;
	s6 =	simm.s32 $0x108;
	_ =	swait.ge @!p0 [sflag:s8], $0x0  }
0x24: {  	s3 =	sadd.s32 $0x88, s3;
	s6 =	simm.s32 @!p1 $0x1082;
	[sflag:s4] =	ssyncset.s32 $0xFFFFF086  }
0x25: {  	[simem:s6], [sflag:s4] =	dma.local [hbm:s3], $0xF7A  }
0x26: {  	[smem:$0x3F96] =	sst s1;
	(tag) =	ssettag s2;
	_ =	strace s9  }
0x27: {  	s1 =	sld [smem:$0x3FA6]  }
0x28: {  	s2 =	sld [smem:$0x3FA7]  }
0x29: {  	s4 =	sld [smem:$0x3FA9]  }
0x2a: {  	p0 =	seq.s32 s5, $0x0;
	s5 =	sld [smem:$0x3FAA]  }
0x2b: {  	s6 =	sld [smem:$0x3FAB]  }
0x2c: {  	s7 =	sld [smem:$0x3FAC]  }
0x2d: {  	s3 =	simm.s32 $0x108;
	s8 =	sld [smem:$0x3FAD]  }
0x2e: {  	s3 =	simm.s32 @!p0 $0x1082;
	s9 =	sld [smem:$0x3FAE]  }
0x2f: {  	lr =	sadd.s32 s0, s3;
	s0 =	sld [smem:$0x3FA5]  }
0x30: {  	s3 =	sld [smem:$0x3FA8]  }
0x31: {  	[smem:$0x3FB1] =	sst s10  }
0x32: {  	s10 =	sld [smem:$0x3FAF];
	_ =	sdelay $0x3  }
0x33: {  	p0 =	seq.s32 s10, $0x1;
	s10 =	sld [smem:$0x3FB1];
	_ =	sdelay $0x3  }
0x34: {  	[smem:$0x3FB1] =	sst s10  }
0x35: {  	s10 =	sld [smem:$0x3FB0];
	_ =	sdelay $0x3  }
0x36: {  	p1 =	seq.s32 s10, $0x1;
	s10 =	sld [smem:$0x3FB1];
	_ =	sdelay $0x3  }
0x37: {  	[smem:$0x3FB1] =	sst s10  }
0x38: {  	s10 =	sld [smem:$0x3FB2]  }
0x39: {  	_ = 	snop;
	(pc) =	sbr.ind lr, $3  }
0x3a: {  	_ = 	snop  }
0x3b: {  	_ = 	snop  }
0x3c: {  	p2 =	seq.s32 s10, $0x1;
	s10 =	sld [smem:$0x3FB1]  }
0x3d: {  	_ =	shalt  }
0x3e: {  	_ =	shalt  }
0x3f: {  	_ =	shalt  }
0x40: {  	_ =	shalt  }
0x41: {  	_ =	shalt  }
0x42: {  	_ =	shalt  }
0x43: {  	_ =	shalt  }
0x44: {  	_ =	shalt  }
0x45: {  	_ =	shalt  }
0x46: {  	_ =	shalt  }
0x47: {  	_ =	shalt  }
0x48: {  	_ =	shalt  }
0x49: {  	_ =	shalt  }
0x4a: {  	_ =	shalt  }
0x4b: {  	_ =	shalt  }
0x4c: {  	_ =	shalt  }
0x4d: {  	_ =	shalt  }
0x4e: {  	_ =	shalt  }
0x4f: {  	_ =	shalt  }
0x50: {  	_ =	shalt  }
0x51: {  	_ =	shalt  }
0x52: {  	_ =	shalt  }
0x53: {  	_ =	shalt  }
0x54: {  	_ =	shalt  }
0x55: {  	_ =	shalt  }
0x56: {  	_ =	shalt  }
0x57: {  	_ =	shalt  }
0x58: {  	_ =	shalt  }
0x59: {  	_ =	shalt  }
0x5a: {  	_ =	shalt  }
0x5b: {  	_ =	shalt  }
0x5c: {  	_ =	shalt  }
0x5d: {  	_ =	shalt  }
0x5e: {  	_ =	shalt  }
0x5f: {  	_ =	shalt  }
0x60: {  	_ =	shalt  }
0x61: {  	_ =	shalt  }
0x62: {  	_ =	shalt  }
0x63: {  	_ =	shalt  }
0x64: {  	_ =	shalt  }
0x65: {  	_ =	shalt  }
0x66: {  	_ =	shalt  }
0x67: {  	_ =	shalt  }
0x68: {  	_ =	shalt  }
0x69: {  	_ =	shalt  }
0x6a: {  	_ =	shalt  }
0x6b: {  	_ =	shalt  }
0x6c: {  	_ =	shalt  }
0x6d: {  	_ =	shalt  }
0x6e: {  	_ =	shalt  }
0x6f: {  	_ =	shalt  }
0x70: {  	_ =	shalt  }
0x71: {  	_ =	shalt  }
0x72: {  	_ =	shalt  }
0x73: {  	_ =	shalt  }
0x74: {  	_ =	shalt  }
0x75: {  	_ =	shalt  }
0x76: {  	_ =	shalt  }
0x77: {  	_ =	shalt  }
0x78: {  	_ =	shalt  }
0x79: {  	_ =	shalt  }
0x7a: {  	_ =	shalt  }
0x7b: {  	_ =	shalt  }
0x7c: {  	_ =	shalt  }
0x7d: {  	_ =	shalt  }
0x7e: {  	_ =	shalt  }
0x7f: {  	_ =	shalt  }
0x80: {  	_ =	shalt  }
0x81: {  	_ =	shalt  }
0x82: {  	_ =	shalt  }
0x83: {  	_ =	shalt  }
0x84: {  	_ =	shalt  }
0x85: {  	_ =	shalt  }
0x86: {  	_ =	shalt  }
0x87: {  	_ =	shalt  }
.Lfunc_end0:
.L_simem_size_0:
called_computation.4_lowered:
.L_overlay_start_0:
0x88: {  	s2 =	sld [smem:$0x3FD9]  }
0x89: {  	s3 =	sld [smem:$0x3FFE];
	_ =	sdelay $0x1  }
0x8a: {  	s1 =	srdreg.scid  }
0x8b: {  	s0 =	sand.u32 $0x1, s1  }
0x8c: {  	s17 =	sshll.u32 s0, $0xA;
	s2 =	sadd.s32 s3, s2  }
0x8d: {  	s2 =	sadd.s32 s2, s17  }
0x8e: {  	[smem:$0x3FBD] =	sst s2  }
0x8f: {  	_ = 	snop  }
0x90: {  	s2 =	sld [smem:$0x3FD0];
	(tm) =	ssettm $0x1  }
0x91: {  	s18 =	sld [smem:$0x3FFB];
	_ =	sdelay $0x3  }
0x92: {  	_ =	strace s18  }
0x93: {  	s3 =	sld [smem:$0x3FFC];
	_ =	sdelay $0x3  }
0x94: {  	_ =	strace s3  }
0x95: {  	s3 =	sld [smem:$0x3FFD];
	_ =	sdelay $0x3  }
0x96: {  	_ =	strace s3  }
0x97: {  	_ =	strace $0x8FFFFFFF  }
0x98: {  	s19 =	sld [smem:$0x3FDB];
	_ =	sdelay $0x1  }
0x99: {  	s4 =	simm.s32 $_scs_section_size  }
0x9a: {  	s5 =	simm.s32 $_size__tile_overlayer_lowered;
	s6 =	simm.s32 $_tile_overlayer_lowered  }
0x9b: {  	s22 =	simm.s32 $0x1BFF;
	s21 =	sshll.u32 s6, $0x1;
	s3 =	sadd.s32 s4, s19  }
0x9c: {  	s7 =	simm.s32 $0x0;
	s20 =	sshll.u32 s5, $0x1;
	s5 =	sadd.s32 s21, s3  }
0x9d: {  	[timem:s7], [sflag:s22] =	dma.local [hbm:s5], s20  }
0x9e: {  	_ =	swait.ge [sflag:s22], s20  }
0x9f: {  	s4 =	ssub.s32 $0x0, s20;
	[sflag:s22] =	ssyncset.done $0x0  }
0xa0: {  	[sflag:s22] =	ssyncadd.s32 s4;
	_ =	sdelay $0x1  }
0xa1: {  	s23 =	simm.s32 $0x1B8B  }
0xa2: {  	_ =	swait.ge [sflag:s23], $0x1  }
0xa3: {  	[sflag:s23] =	ssyncset.done $0x0  }
0xa4: {  	s25 =	simm.s32 $0x1B8E;
	s24 =	sld [smem:$0x3FFE];
	[sflag:s23] =	ssyncadd.s32 $0xFFFFFFFF  }
0xa5: {  	s26 =	simm.s32 $execute0_lowered;
	[smem:$0x3FD2] =	sst s25  }
0xa6: {  	s5 =	sshll.u32 s26, $0x1;
	_ =	strace $0x80000052;
	[dreg:$0x1] =	wrdreg $0xFFFFFFFF  }
0xa7: {  	s28 =	simm.s32 $_size_execute0_lowered;
	s3 =	sadd.s32 s3, s5;
	[dreg:$0x0] =	wrdreg $0x0  }
0xa8: {  	s5 =	sshll.u32 s28, $0x1;
	[dreg:$0x2] =	wrdreg s3  }
0xa9: {  	[dreg:$0x3] =	wrdreg s5  }
0xaa: {  	[dreg:$0x4] =	wrdreg $0xC0  }
0xab: {  	_ =	task [dreg:s7], $0x5FFFF  }
0xac: {  	[dreg:$0x1] =	wrdreg $0xFFFFFFFF  }
0xad: {  	[dreg:$0x0] =	wrdreg $0x60  }
0xae: {  	[dreg:$0x2] =	wrdreg s2  }
0xaf: {  	[dreg:$0x3] =	wrdreg s24  }
0xb0: {  	[dreg:$0x4] =	wrdreg $0x9  }
0xb1: {  	_ =	task.clear_ibuf [dreg:s7], $0x5FFFF;
	_ =	strace $0x90000052  }
0xb2: {  	s29 =	simm.s32 $0x9;
	_ =	strace $0x80000054  }
0xb3: {  	_ =	swait.ge [sflag:s29], $0x1  }
0xb4: {  	[sflag:s29] =	ssyncadd.s32 $0xFFFFFFFF  }
0xb5: {  	_ =	strace $0x90000054  }
0xb6: {  	_ =	sfence  }
0xb7: {  	s30 =	sld [smem:$0x0];
	_ =	sdelay $0x2  }
0xb8: {  	s31 =	sshll.u32 s1, $0xD;
	s1 =	sshrl.u32 s1, $0x2  }
0xb9: {  	s3 =	sand.u32 $0x4000, s31;
	s1 =	sadd.s32 s1, s30  }
0xba: {  	s0 =	sor.u32 s3, s0;
	s1 =	sshll.u32 s1, $0x11  }
0xbb: {  	s0 =	sor.u32 s1, s0  }
0xbc: {  	s0 =	sadd.s32 $0x8F2B, s0  }
0xbd: {  	[sflag:s0] =	ssyncadd.remote.s32 $0x1  }
0xbe: {  	_ =	sfence.sel $0xFFFF  }
0xbf: {  	[dreg:$0x0] =	wrdreg $0xFFFFFFFF;
	(pc) =	sbr.abs _section_cstart, $3  }
0xc0: {  	[dreg:$0x1] =	wrdreg $0xFFFFFFFF  }
0xc1: {  	_ =	task.clear_ibuf [dreg:s7], $0x2FFFF;
	_ =	strace $0x9FFFFFFF  }
0xc2: {  	(tm) =	ssettm $0x7FFFFFFF  }
0xc3: {  	_ =	shalt  }
tec
execute0_lowered:
.L_overlay_start_1:
0x0: {  	(tag) =	ssettag $0x1  }
0x1: {  	s1 =	rddreg [dreg:$0x0]  }
0x2: {  	s5 =	rddreg [dreg:$0x1]  }
0x3: {  	s0 =	rddreg [dreg:$0x2];
	s2 =	simm.s32 $0x0  }
0x4: {  	s4 =	srdreg.scid;
	s3 =	stileid.u32;
	s12 =	simm.s32 $0x80  }
0x5: {  	s13 =	simm.s32 $0x480;
	s14 =	simm.s32 $0x500;
	s15 =	simm.s32 $0x1  }
0x6: {  	[smem:$0x7FF] =	sst s2;
	s8 =	sadd.s32 $0xF600, s5;
	s4 =	sand.u32 $0x1, s4  }
0x7: {  	s9 =	sshll.u32 s3, $0x8;
	s28 =	sadd.s32 $0xFA00, s5;
	s6 =	ssub.s32 $0x2, s4  }
0x8: {  	_ =	strace $0x80000053;
	s7 =	sshll.u32 s4, $0xC;
	s10 =	sshrl.u32 s6, $0x1  }
0x9: {  	s4 =	sadd.s32 $0x4000, s5;
	s7 =	sor.u32 s9, s7;
	s29 =	ssub.s32 s6, s10  }
0xa: {  	s30 =	sshrl.u32 s7, $0x3;
	s31 =	sor.u32 $0x80, s7;
	s7 =	sshll.u32 s7, $0x4  }
0xb: {  	s5 =	smax.u32 s29, $0x1;
	s6 =	sadd.s32 s8, s30;
	s11 =	sshrl.u32 s31, $0x3  }
0xc: {  	s10 =	sshll.u32 s31, $0x4;
	s7 =	sadd.s32 s28, s7;
	s8 =	sadd.s32 s8, s11  }
0xd: {  	s9 =	sadd.s32 s28, s10;
	s10 =	simm.s32 $0x2;
	s11 =	simm.s32 $0x400  }
.LBB2_1:
0xe: {  	[tilespmem:s2], [sflag:$0x2] =	stream.linear.gather [hbm4b:s1+s2], $0x400, $0x38;
	[tilespmem:$0x4500] =	vst v63  }
0xf: {  	_ =	swait.ge [sflag:s10], $0x400  }
0x10: {  	[sflag:s10] =	ssyncset.done $0x0  }
0x11: {  	[sflag:s10] =	ssyncadd.s32 $0xFFFFFC00  }
0x12: {  	[tilespmem:s11], [sflag:$0x2] =	stream.linear.gather [hbm4b:s6+s2], $0x80, $0x38;
	[tilespmem:$0x4500] =	vst v63  }
0x13: {  	_ =	swait.ge [sflag:s10], $0x80  }
0x14: {  	[sflag:s10] =	ssyncset.done $0x0  }
0x15: {  	[sflag:s10] =	ssyncadd.s32 $0xFFFFFF80  }
0x16: {  	v0 =	vld [tilespmem:$0x400];
	_ =	sdelay $0x5  }
0x17: {  	v1 =	vld [tilespmem:$0x410];
	_ =	sdelay $0x1  }
0x18: {  	v0 =	vld.idx.msk [tilespmem:v0+s2+$0x0], $0xffff;
	_ =	sdelay $0x3  }
0x19: {  	v2 =	vld [tilespmem:$0x420]  }
0x1a: {  	[tilespmem:$0x480] =	vst v0  }
0x1b: {  	v0 =	vld.idx.msk [tilespmem:v1+s2+$0x0], $0xffff;
	_ =	sdelay $0x3  }
0x1c: {  	v51 =	vld [tilespmem:$0x430]  }
0x1d: {  	[tilespmem:$0x490] =	vst v0  }
0x1e: {  	v0 =	vld.idx.msk [tilespmem:v2+s2+$0x0], $0xffff;
	_ =	sdelay $0x3  }
0x1f: {  	v52 =	vld [tilespmem:$0x440]  }
0x20: {  	[tilespmem:$0x4A0] =	vst v0  }
0x21: {  	v0 =	vld.idx.msk [tilespmem:v51+s2+$0x0], $0xffff;
	_ =	sdelay $0x3  }
0x22: {  	v53 =	vld [tilespmem:$0x450]  }
0x23: {  	[tilespmem:$0x4B0] =	vst v0  }
0x24: {  	v0 =	vld.idx.msk [tilespmem:v52+s2+$0x0], $0xffff;
	_ =	sdelay $0x3  }
0x25: {  	v54 =	vld [tilespmem:$0x460]  }
0x26: {  	[tilespmem:$0x4C0] =	vst v0  }
0x27: {  	v0 =	vld.idx.msk [tilespmem:v53+s2+$0x0], $0xffff;
	_ =	sdelay $0x3  }
0x28: {  	v55 =	vld [tilespmem:$0x470]  }
0x29: {  	[tilespmem:$0x4D0] =	vst v0  }
0x2a: {  	v0 =	vld.idx.msk [tilespmem:v54+s2+$0x0], $0xffff;
	_ =	sdelay $0x4  }
0x2b: {  	[tilespmem:$0x4E0] =	vst v0  }
0x2c: {  	v0 =	vld.idx.msk [tilespmem:v55+s2+$0x0], $0xffff;
	_ =	sdelay $0x4  }
0x2d: {  	[tilespmem:$0x4F0] =	vst v0  }
0x2e: {  	[tilespmem:s14], [sflag:$0x1] =	stream.indirect.gather [hbm4b:s4+s12], $0x80, s13, s12, $0xb8;
	[tilespmem:$0x4500] =	vst v63  }
0x2f: {  	_ =	swait.ge [sflag:s15], $0x4000  }
0x30: {  	[sflag:s15] =	ssyncset.done $0x0  }
0x31: {  	[sflag:s15] =	ssyncadd.s32 $0xFFFFC000  }
0x32: {  	[hbm4b:s7+s2] =	stream.linear.scatter [tilespmem:s14], [sflag:$0x2], $0x4000, $0x38;
	[tilespmem:$0x4500] =	vst v63  }
0x33: {  	_ =	swait.ge [sflag:s10], $0x4000  }
0x34: {  	[sflag:s10] =	ssyncset.done $0x0  }
0x35: {  	[sflag:s10] =	ssyncadd.s32 $0xFFFFC000  }
0x36: {  	[tilespmem:s11], [sflag:$0x2] =	stream.linear.gather [hbm4b:s8+s2], $0x80, $0x38;
	[tilespmem:$0x4500] =	vst v63  }
0x37: {  	_ =	swait.ge [sflag:s10], $0x80  }
0x38: {  	[sflag:s10] =	ssyncset.done $0x0  }
0x39: {  	[sflag:s10] =	ssyncadd.s32 $0xFFFFFF80  }
0x3a: {  	v56 =	vld [tilespmem:$0x400];
	_ =	sdelay $0x5  }
0x3b: {  	v57 =	vld [tilespmem:$0x410];
	_ =	sdelay $0x1  }
0x3c: {  	v0 =	vld.idx.msk [tilespmem:v56+s2+$0x0], $0xffff;
	_ =	sdelay $0x3  }
0x3d: {  	v58 =	vld [tilespmem:$0x420]  }
0x3e: {  	[tilespmem:$0x480] =	vst v0  }
0x3f: {  	v0 =	vld.idx.msk [tilespmem:v57+s2+$0x0], $0xffff;
	_ =	sdelay $0x3  }
0x40: {  	v59 =	vld [tilespmem:$0x430]  }
0x41: {  	[tilespmem:$0x490] =	vst v0  }
0x42: {  	v0 =	vld.idx.msk [tilespmem:v58+s2+$0x0], $0xffff;
	_ =	sdelay $0x3  }
0x43: {  	v60 =	vld [tilespmem:$0x440]  }
0x44: {  	[tilespmem:$0x4A0] =	vst v0  }
0x45: {  	v0 =	vld.idx.msk [tilespmem:v59+s2+$0x0], $0xffff;
	_ =	sdelay $0x3  }
0x46: {  	v61 =	vld [tilespmem:$0x450]  }
0x47: {  	[tilespmem:$0x4B0] =	vst v0  }
0x48: {  	v0 =	vld.idx.msk [tilespmem:v60+s2+$0x0], $0xffff;
	_ =	sdelay $0x3  }
0x49: {  	v62 =	vld [tilespmem:$0x460]  }
0x4a: {  	[tilespmem:$0x4C0] =	vst v0  }
0x4b: {  	v0 =	vld.idx.msk [tilespmem:v61+s2+$0x0], $0xffff;
	_ =	sdelay $0x3  }
0x4c: {  	v63 =	vld [tilespmem:$0x470]  }
0x4d: {  	[tilespmem:$0x4D0] =	vst v0  }
0x4e: {  	v0 =	vld.idx.msk [tilespmem:v62+s2+$0x0], $0xffff;
	_ =	sdelay $0x4  }
0x4f: {  	[tilespmem:$0x4E0] =	vst v0  }
0x50: {  	v0 =	vld.idx.msk [tilespmem:v63+s2+$0x0], $0xffff;
	_ =	sdelay $0x4  }
0x51: {  	[tilespmem:$0x4F0] =	vst v0  }
0x52: {  	[tilespmem:s14], [sflag:$0x1] =	stream.indirect.gather [hbm4b:s4+s12], $0x80, s13, s12, $0xb8;
	[tilespmem:$0x4500] =	vst v63  }
0x53: {  	_ =	swait.ge [sflag:s15], $0x4000  }
0x54: {  	p0 =	sne.s32 s5, $0x1;
	[sflag:s15] =	ssyncset.done $0x0  }
.Ltmp0:
0x55: {  	[sflag:s15] =	ssyncadd.s32 $0xFFFFC000;
	(pc) =	sbr.rel @p0 .LBB2_1-.Ltmp0, $4  }
0x56: {  	[hbm4b:s9+s2] =	stream.linear.scatter [tilespmem:s14], [sflag:$0x2], $0x4000, $0x38;
	[tilespmem:$0x4500] =	vst v63  }
0x57: {  	_ =	swait.ge [sflag:s10], $0x4000  }
0x58: {  	[sflag:s10] =	ssyncset.done $0x0  }
0x59: {  	s5 =	sadd.s32 $0xFFFFFFFF, s5;
	[sflag:s10] =	ssyncadd.s32 $0xFFFFC000  }
0x5a: {  	_ =	sfence.sel $0x180000  }
0x5b: {  	[bflag:$0x0] =	sbarrier.arrive $0xFFFF  }
0x5c: {  	p0 =	sne.s32 s3, $0x0;
	_ =	strace $0x90000053  }
0x5d: {  	s0 =	sadd.s32 @!p0 $0x100000, s0;
	[bflag:$0x2] =	sbarrier.arrive $0xFFFF  }
0x5e: {  	[sflag:s0] =	ssyncadd.tile.s32 @!p0 $0x1;
	_ =	shalt  }
.Lfunc_end2:
_tile_overlayer_lowered:
.L_overlay_start_2:
0x5f: {  	(tag) =	ssettag $0x2  }
0x60: {  	s0 =	rddreg [dreg:$0x0];
	s2 =	stileid.u32  }
0x61: {  	s1 =	rddreg [dreg:$0x1];
	p0 =	sne.s32 s2, $0x0  }
0x62: {  	s3 =	rddreg [dreg:$0x2];
	[bflag:$0x3] =	sbarrier.arrive $0xFFFF;
	s2 =	simm.s32 @!p0 $0x1C02  }
0x63: {  	[timem:s3], [sflag:s2] =	dma.local @!p0 [hbm:s0], s1  }
0x64: {  	s0 =	simm.s32 @!p0 $0x2  }
0x65: {  	_ =	swait.ge @!p0 [sflag:s0], s1  }
0x66: {  	s1 =	ssub.s32 @!p0 $0x0, s1;
	[sflag:s0] =	ssyncset.done @!p0 $0x0  }
0x67: {  	[sflag:s0] =	ssyncadd.s32 @!p0 s1  }
0x68: {  	[bflag:$0x3] =	sbarrier.arrive $0xFFFF  }
0x69: {  	_ =	shalt  }

</sc_bundles>
